<compile_context>
chip_gen: v7x
topology: tpu7x:2x2x1
jax: 0.10.2.dev20260603
libtpu: 0.0.44.dev20260713+nightly
codegen_flags: <defaults>
</compile_context>

<pallas_src>
import jax
import jax.numpy as jnp
from jax import lax
from jax.experimental import pallas as pl
from jax.experimental.pallas import tpu as pltpu
from jax.experimental.pallas import tpu_sc as plsc

N = 10000
E = 320000
NC = 2
NS = 16
NW = NC * NS
EPW = E // NW
NP = 10240
RPT = NP // NS

_mesh = plsc.VectorSubcoreMesh(core_axis_name="c", subcore_axis_name="s")


def _make_agg(d, with_count, C):
    T = EPW // C
    out_type = [jax.ShapeDtypeStruct((NC, NP, d), jnp.float32)]
    scratch = [
        pltpu.VMEM((EPW,), jnp.int32),
        pltpu.VMEM((EPW,), jnp.int32),
        pltpu.VMEM((C, d), jnp.float32),
        pltpu.VMEM((C, d), jnp.float32),
        pltpu.VMEM_SHARED((NP, d), jnp.float32),
        pltpu.SemaphoreType.DMA,
        pltpu.SemaphoreType.DMA,
        pltpu.SemaphoreType.DMA,
        pltpu.SemaphoreType.DMA,
    ]
    if with_count:
        out_type.append(jax.ShapeDtypeStruct((NW, NP), jnp.float32))
        scratch += [
            pltpu.VMEM((NP,), jnp.float32),
        ]

    def body(*refs):
        if with_count:
            (eidx_hbm, y_hbm, z_hbm, p_hbm, pc_hbm,
             srcv, dstv, bufa, bufb, acc, sema, semb,
             ssema, ssemb, hist) = refs
        else:
            (eidx_hbm, y_hbm, z_hbm, p_hbm,
             srcv, dstv, bufa, bufb, acc, sema, semb,
             ssema, ssemb) = refs
        cid = lax.axis_index("c")
        sid = lax.axis_index("s")
        wid = sid * NC + cid
        e0 = wid * EPW
        pltpu.sync_copy(eidx_hbm.at[pl.ds(e0, EPW)], srcv)
        pltpu.sync_copy(eidx_hbm.at[pl.ds(E + e0, EPW)], dstv)
        r0 = sid * RPT
        pltpu.sync_copy(z_hbm.at[pl.ds(r0, RPT)], acc.at[pl.ds(r0, RPT)])
        if with_count:
            def zero_hist(i, carry):
                hist[pl.ds(i * 16, 16)] = jnp.zeros((16,), jnp.float32)
                return carry
            lax.fori_loop(0, NP // 16, zero_hist, 0)
        plsc.subcore_barrier()

        def chunk(t, buf, sem, ssem, nbuf, nsem, nssem):
            @pl.when(t >= 1)
            def _():
                pltpu.make_async_copy(
                    nbuf, acc.at[dstv.at[pl.ds((t - 1) * C, C)]],
                    nssem).wait()

            @pl.when(t + 1 < T)
            def _():
                pltpu.async_copy(
                    y_hbm.at[srcv.at[pl.ds((t + 1) * C, C)]], nbuf, nsem)
            if with_count:
                ones16 = jnp.ones((16,), jnp.float32)

                def hstep(i, carry):
                    idx = dstv[pl.ds(t * C + i * 16, 16)]
                    plsc.addupdate_scatter(hist, [idx], ones16)
                    return carry
                lax.fori_loop(0, C // 16, hstep, 0)
            pltpu.make_async_copy(
                y_hbm.at[srcv.at[pl.ds(t * C, C)]], buf, sem).wait()
            pltpu.async_copy(
                buf, acc.at[dstv.at[pl.ds(t * C, C)]], ssem, add=True)

        pltpu.async_copy(y_hbm.at[srcv.at[pl.ds(0, C)]], bufa, sema)

        def step(t, carry):
            @pl.when(t % 2 == 0)
            def _():
                chunk(t, bufa, sema, ssema, bufb, semb, ssemb)

            @pl.when(t % 2 == 1)
            def _():
                chunk(t, bufb, semb, ssemb, bufa, sema, ssema)
            return carry

        lax.fori_loop(0, T, step, 0)
        bufs = (bufa, bufb)
        ssems = (ssema, ssemb)
        ia = (T - 1) % 2
        pltpu.make_async_copy(
            bufs[ia], acc.at[dstv.at[pl.ds((T - 1) * C, C)]],
            ssems[ia]).wait()
        if with_count:
            pltpu.sync_copy(hist, pc_hbm.at[wid])
        plsc.subcore_barrier()
        pltpu.sync_copy(acc.at[pl.ds(r0, RPT)], p_hbm.at[cid, pl.ds(r0, RPT)])

    return pl.kernel(body, out_type=out_type if with_count else out_type[0],
                     mesh=_mesh, scratch_types=scratch,
                     compiler_params=pltpu.CompilerParams(
                         use_tc_tiling_on_sc=False,
                         needs_layout_passes=False))


_agg64c = _make_agg(64, True, 400)
_agg32 = _make_agg(32, False, 1000)
_agg16 = _make_agg(16, False, 2000)

R = 2048


def _dense0(x, wl, wr, b):
    d_in, d_out = wl.shape

    def body(x_ref, wl_ref, wr_ref, b_ref, yl_ref, yr_ref):
        xb = x_ref[...]
        yl_ref[...] = jnp.dot(xb, wl_ref[...],
                              preferred_element_type=jnp.float32)
        yr_ref[...] = jnp.dot(xb, wr_ref[...],
                              preferred_element_type=jnp.float32) + b_ref[...]

    return pl.pallas_call(
        body,
        grid=(pl.cdiv(N, R),),
        in_specs=[
            pl.BlockSpec((R, d_in), lambda i: (i, 0)),
            pl.BlockSpec((d_in, d_out), lambda i: (0, 0)),
            pl.BlockSpec((d_in, d_out), lambda i: (0, 0)),
            pl.BlockSpec((1, d_out), lambda i: (0, 0)),
        ],
        out_specs=[pl.BlockSpec((R, d_out), lambda i: (i, 0)),
                   pl.BlockSpec((R, d_out), lambda i: (i, 0))],
        out_shape=[jax.ShapeDtypeStruct((N, d_out), jnp.float32)] * 2,
    )(x, wl, wr, b.reshape(1, -1))


def _combine1(p, pc, yr, wl, wr, b):
    d = yr.shape[1]
    d_out = wl.shape[1]

    def body(p_ref, pc_ref, yr_ref, wl_ref, wr_ref, b_ref,
             yl_o, yr_o, inv_o):
        s = p_ref[0] + p_ref[1]
        cnt = jnp.sum(pc_ref[...], axis=0)
        inv1 = 1.0 / jnp.maximum(cnt, 1.0)
        inv = jnp.reshape(inv1, (R, 1))
        h = jnp.maximum(s * inv + yr_ref[...], 0.0)
        yl_o[...] = jnp.dot(h, wl_ref[...],
                            preferred_element_type=jnp.float32)
        yr_o[...] = jnp.dot(h, wr_ref[...],
                            preferred_element_type=jnp.float32) + b_ref[...]
        inv_o[...] = inv1

    return pl.pallas_call(
        body,
        grid=(pl.cdiv(N, R),),
        in_specs=[
            pl.BlockSpec((NC, R, d), lambda i: (0, i, 0)),
            pl.BlockSpec((NW, R), lambda i: (0, i)),
            pl.BlockSpec((R, d), lambda i: (i, 0)),
            pl.BlockSpec((d, d_out), lambda i: (0, 0)),
            pl.BlockSpec((d, d_out), lambda i: (0, 0)),
            pl.BlockSpec((1, d_out), lambda i: (0, 0)),
        ],
        out_specs=[pl.BlockSpec((R, d_out), lambda i: (i, 0)),
                   pl.BlockSpec((R, d_out), lambda i: (i, 0)),
                   pl.BlockSpec((R,), lambda i: (i,))],
        out_shape=[jax.ShapeDtypeStruct((N, d_out), jnp.float32),
                   jax.ShapeDtypeStruct((N, d_out), jnp.float32),
                   jax.ShapeDtypeStruct((N,), jnp.float32)],
    )(p, pc, yr, wl, wr, b.reshape(1, -1))


def _combine_mid(p, inv, yr, wl, wr, b):
    d = yr.shape[1]
    d_out = wl.shape[1]

    def body(p_ref, inv_ref, yr_ref, wl_ref, wr_ref, b_ref, yl_o, yr_o):
        s = p_ref[0] + p_ref[1]
        inv = jnp.reshape(inv_ref[...], (R, 1))
        h = jnp.maximum(s * inv + yr_ref[...], 0.0)
        yl_o[...] = jnp.dot(h, wl_ref[...],
                            preferred_element_type=jnp.float32)
        yr_o[...] = jnp.dot(h, wr_ref[...],
                            preferred_element_type=jnp.float32) + b_ref[...]

    return pl.pallas_call(
        body,
        grid=(pl.cdiv(N, R),),
        in_specs=[
            pl.BlockSpec((NC, R, d), lambda i: (0, i, 0)),
            pl.BlockSpec((R,), lambda i: (i,)),
            pl.BlockSpec((R, d), lambda i: (i, 0)),
            pl.BlockSpec((d, d_out), lambda i: (0, 0)),
            pl.BlockSpec((d, d_out), lambda i: (0, 0)),
            pl.BlockSpec((1, d_out), lambda i: (0, 0)),
        ],
        out_specs=[pl.BlockSpec((R, d_out), lambda i: (i, 0)),
                   pl.BlockSpec((R, d_out), lambda i: (i, 0))],
        out_shape=[jax.ShapeDtypeStruct((N, d_out), jnp.float32),
                   jax.ShapeDtypeStruct((N, d_out), jnp.float32)],
    )(p, inv, yr, wl, wr, b.reshape(1, -1))


def _combine_last(p, inv, yr):
    d = yr.shape[1]

    def body(p_ref, inv_ref, yr_ref, out_o):
        inv = jnp.reshape(inv_ref[...], (R, 1))
        full = (p_ref[0] + p_ref[1]) * inv + yr_ref[...]
        out_o[...] = full[:, :10]

    return pl.pallas_call(
        body,
        grid=(pl.cdiv(N, R),),
        in_specs=[
            pl.BlockSpec((NC, R, d), lambda i: (0, i, 0)),
            pl.BlockSpec((R,), lambda i: (i,)),
            pl.BlockSpec((R, d), lambda i: (i, 0)),
        ],
        out_specs=pl.BlockSpec((R, 10), lambda i: (i, 0)),
        out_shape=jax.ShapeDtypeStruct((N, 10), jnp.float32),
    )(p, inv, yr)


def kernel(x, edge_index, edge_weight,
           W1l, W1r, b1, W2l, W2r, b2, W3l, W3r, b3, W4l, W4r, b4):
    del edge_weight
    eidx = edge_index.astype(jnp.int32).reshape(2 * E)
    z64 = jnp.zeros((NP, 64), jnp.float32)
    z32 = jnp.zeros((NP, 32), jnp.float32)
    z16 = jnp.zeros((NP, 16), jnp.float32)
    W4l_p = jnp.pad(W4l, ((0, 0), (0, 6)))
    W4r_p = jnp.pad(W4r, ((0, 0), (0, 6)))
    b4_p = jnp.pad(b4, (0, 6))

    yl1, yr1 = _dense0(x, W1l, W1r, b1)
    p1, pc = _agg64c(eidx, yl1, z64)
    yl2, yr2, inv = _combine1(p1, pc, yr1, W2l, W2r, b2)
    p2 = _agg32(eidx, yl2, z32)
    yl3, yr3 = _combine_mid(p2, inv, yr2, W3l, W3r, b3)
    p3 = _agg16(eidx, yl3, z16)
    yl4, yr4 = _combine_mid(p3, inv, yr3, W4l_p, W4r_p, b4_p)
    p4 = _agg16(eidx, yl4, z16)
    return _combine_last(p4, inv, yr4)

# --- scband reference (transcript-rebuilt; emitter-appended) ---
"""Pipeline reference for scband-sage-net-78924319031658 (READ-ONLY COPY).

The authoritative reference and input builder live on the scoring server;
editing this copy changes nothing except your own understanding.
"""

import jax, jax.numpy as jnp
import numpy as np

N = 10000
E = 320000
D_IN = 128
N_CLASSES = 10


def _winit(key, fan_in, fan_out):
    scale = 1.0 / np.sqrt(fan_in)
    return jax.random.uniform(key, (fan_in, fan_out), dtype=jnp.float32, minval=-scale, maxval=scale)


def setup_inputs(seed: int = 0):
    key = jax.random.key(seed)
    ks = jax.random.split(key, 16)
    x = jax.random.normal(ks[0], (N, D_IN), dtype=jnp.float32)
    edge_index = jax.random.randint(ks[1], (2, E), 0, N)
    edge_weight = jax.random.uniform(ks[2], (E,), dtype=jnp.float32)
    inp = {"x": x, "edge_index": edge_index, "edge_weight": edge_weight}
    dims = [(D_IN, 64), (64, 32), (32, 16), (16, N_CLASSES)]
    for i, (fi, fo) in enumerate(dims):
        inp[f"W{i+1}l"] = _winit(ks[3 + 3 * i], fi, fo)
        inp[f"W{i+1}r"] = _winit(ks[4 + 3 * i], fi, fo)
        inp[f"b{i+1}"] = jnp.zeros((fo,), dtype=jnp.float32)
    return inp


def sage_conv(x, edge_index, Wl, Wr, b):
    # PyG SAGEConv with mean aggregation:
    # out = lin_l(mean_{j in N(i)} x_j) + lin_r(x_i) + b
    src = edge_index[0]
    dst = edge_index[1]
    msgs = jnp.take(x, src, axis=0)                      # gather (SparseCore)
    s = jax.ops.segment_sum(msgs, dst, num_segments=x.shape[0])   # scatter-add
    cnt = jax.ops.segment_sum(jnp.ones((edge_index.shape[1],), x.dtype), dst, num_segments=x.shape[0])
    mean = s / jnp.maximum(cnt, 1.0)[:, None]
    return mean @ Wl + x @ Wr + b


def reference(x, edge_index, edge_weight, W1l, W1r, b1, W2l, W2r, b2, W3l, W3r, b3, W4l, W4r, b4):
    # BERT CLS embedding stage is replaced by the node feature matrix x (see notes).
    # edge_weight is carried through as in the original forward signature but PyG's
    # SAGEConv does not consume edge weights, so it does not affect the math.
    # Dropout is identity (inference/deterministic reference).
    h = jax.nn.relu(sage_conv(x, edge_index, W1l, W1r, b1))
    h = jax.nn.relu(sage_conv(h, edge_index, W2l, W2r, b2))
    h = jax.nn.relu(sage_conv(h, edge_index, W3l, W3r, b3))
    out = sage_conv(h, edge_index, W4l, W4r, b4)
    return out

if __name__ == "__main__":
    import jax
    _d = setup_inputs()
    print(jax.jit(kernel)(*tuple(_d.values())))

</pallas_src>

<mosaic_0001>
#map = affine_map<(d0, d1) -> (0)>
#map1 = affine_map<(d0, d1) -> (0, 0)>
#map2 = affine_map<(d0, d1) -> (0, 0, 0)>
module attributes {stable_mosaic.version = 14 : i64} {
  func.func @body(%arg0: i32, %arg1: i32, %arg2: memref<640000xi32, #tpu.memory_space<hbm>>, %arg3: memref<10000x64xf32, #tpu.memory_space<hbm>>, %arg4: memref<10240x64xf32, #tpu.memory_space<hbm>>, %arg5: memref<2x10240x64xf32, #tpu.memory_space<hbm>>, %arg6: memref<32x10240xf32, #tpu.memory_space<hbm>>, %arg7: memref<10000xi32, #tpu.memory_space<vmem>>, %arg8: memref<10000xi32, #tpu.memory_space<vmem>>, %arg9: memref<400x64xf32, #tpu.memory_space<vmem>>, %arg10: memref<400x64xf32, #tpu.memory_space<vmem>>, %arg11: memref<10240x64xf32, #tpu.memory_space<vmem_shared>>, %arg12: memref<!tpu.dma_semaphore, #tpu.memory_space<semaphore_mem>>, %arg13: memref<!tpu.dma_semaphore, #tpu.memory_space<semaphore_mem>>, %arg14: memref<!tpu.dma_semaphore, #tpu.memory_space<semaphore_mem>>, %arg15: memref<!tpu.dma_semaphore, #tpu.memory_space<semaphore_mem>>, %arg16: memref<10240xf32, #tpu.memory_space<vmem>>) attributes {dimension_semantics = [#tpu.dimension_semantics<core_parallel>, #tpu.dimension_semantics<subcore_parallel>], iteration_bounds = array<i64: 2, 16>, scalar_prefetch = 0 : i64, scratch_operands = 10 : i64, tpu.core_type = #tpu.core_type<sc_vector_subcore>, window_params = [{transform_indices = #map}, {transform_indices = #map1}, {transform_indices = #map1}, {transform_indices = #map2}, {transform_indices = #map1}]} {
    %mul3A = arith.constant 2 : i32
    %mul3A_0 = arith.muli %arg1, %mul3A : i32
    %add3A = arith.addi %mul3A_0, %arg0 : i32
    %mul3A_1 = arith.constant 10000 : i32
    %mul3A_2 = arith.muli %add3A, %mul3A_1 : i32
    "tpu.region"() ({
      %run_scoped3A = tpu.sem_alloc : memref<!tpu.dma_semaphore, #tpu.memory_space<semaphore_mem>>
      %dma_start3A_27 = tpu.memref_slice %arg2[%mul3A_2] : memref<640000xi32, #tpu.memory_space<hbm>> -> memref<10000xi32, #tpu.memory_space<hbm>>
      %dma_start3A_28 = tpu.memref_slice %arg2[%mul3A_2] : memref<640000xi32, #tpu.memory_space<hbm>> -> memref<10000xi32, #tpu.memory_space<hbm>>
      tpu.enqueue_dma source(%dma_start3A_28 : memref<10000xi32, #tpu.memory_space<hbm>>) target(%arg7 : memref<10000xi32, #tpu.memory_space<vmem>>) target_semaphore(%run_scoped3A : memref<!tpu.dma_semaphore, #tpu.memory_space<semaphore_mem>>)
      %dma_wait3A_29 = tpu.memref_slice %arg2[%mul3A_2] : memref<640000xi32, #tpu.memory_space<hbm>> -> memref<10000xi32, #tpu.memory_space<hbm>>
      %dma_wait3A_30 = tpu.memref_slice %arg2[%mul3A_2] : memref<640000xi32, #tpu.memory_space<hbm>> -> memref<10000xi32, #tpu.memory_space<hbm>>
      tpu.wait_dma2 semaphore(%run_scoped3A : memref<!tpu.dma_semaphore, #tpu.memory_space<semaphore_mem>>) src(%dma_wait3A_30 : memref<10000xi32, #tpu.memory_space<hbm>>) dst(%arg7 : memref<10000xi32, #tpu.memory_space<vmem>>)
      tpu.yield
    }) : () -> ()
    %add3A_3 = arith.constant 320000 : i32
    %add3A_4 = arith.addi %add3A_3, %mul3A_2 : i32
    "tpu.region"() ({
      %run_scoped3A = tpu.sem_alloc : memref<!tpu.dma_semaphore, #tpu.memory_space<semaphore_mem>>
      %dma_start3A_27 = tpu.memref_slice %arg2[%add3A_4] : memref<640000xi32, #tpu.memory_space<hbm>> -> memref<10000xi32, #tpu.memory_space<hbm>>
      %dma_start3A_28 = tpu.memref_slice %arg2[%add3A_4] : memref<640000xi32, #tpu.memory_space<hbm>> -> memref<10000xi32, #tpu.memory_space<hbm>>
      tpu.enqueue_dma source(%dma_start3A_28 : memref<10000xi32, #tpu.memory_space<hbm>>) target(%arg8 : memref<10000xi32, #tpu.memory_space<vmem>>) target_semaphore(%run_scoped3A : memref<!tpu.dma_semaphore, #tpu.memory_space<semaphore_mem>>)
      %dma_wait3A_29 = tpu.memref_slice %arg2[%add3A_4] : memref<640000xi32, #tpu.memory_space<hbm>> -> memref<10000xi32, #tpu.memory_space<hbm>>
      %dma_wait3A_30 = tpu.memref_slice %arg2[%add3A_4] : memref<640000xi32, #tpu.memory_space<hbm>> -> memref<10000xi32, #tpu.memory_space<hbm>>
      tpu.wait_dma2 semaphore(%run_scoped3A : memref<!tpu.dma_semaphore, #tpu.memory_space<semaphore_mem>>) src(%dma_wait3A_30 : memref<10000xi32, #tpu.memory_space<hbm>>) dst(%arg8 : memref<10000xi32, #tpu.memory_space<vmem>>)
      tpu.yield
    }) : () -> ()
    %mul3A_5 = arith.constant 640 : i32
    %mul3A_6 = arith.muli %arg1, %mul3A_5 : i32
    "tpu.region"() ({
      %run_scoped3A = tpu.sem_alloc : memref<!tpu.dma_semaphore, #tpu.memory_space<semaphore_mem>>
      %dma_start3A_27 = arith.constant 0 : i32
      %dma_start3A_28 = tpu.memref_slice %arg11[%mul3A_6, %dma_start3A_27] : memref<10240x64xf32, #tpu.memory_space<vmem_shared>> -> memref<640x64xf32, #tpu.memory_space<vmem_shared>>
      %dma_start3A_29 = arith.constant 0 : i32
      %dma_start3A_30 = tpu.memref_slice %arg4[%mul3A_6, %dma_start3A_29] : memref<10240x64xf32, #tpu.memory_space<hbm>> -> memref<640x64xf32, #tpu.memory_space<hbm>>
      tpu.enqueue_dma source(%dma_start3A_30 : memref<640x64xf32, #tpu.memory_space<hbm>>) target(%dma_start3A_28 : memref<640x64xf32, #tpu.memory_space<vmem_shared>>) target_semaphore(%run_scoped3A : memref<!tpu.dma_semaphore, #tpu.memory_space<semaphore_mem>>)
      %dma_wait3A_31 = arith.constant 0 : i32
      %dma_wait3A_32 = tpu.memref_slice %arg11[%mul3A_6, %dma_wait3A_31] : memref<10240x64xf32, #tpu.memory_space<vmem_shared>> -> memref<640x64xf32, #tpu.memory_space<vmem_shared>>
      %dma_wait3A_33 = arith.constant 0 : i32
      %dma_wait3A_34 = tpu.memref_slice %arg4[%mul3A_6, %dma_wait3A_33] : memref<10240x64xf32, #tpu.memory_space<hbm>> -> memref<640x64xf32, #tpu.memory_space<hbm>>
      tpu.wait_dma2 semaphore(%run_scoped3A : memref<!tpu.dma_semaphore, #tpu.memory_space<semaphore_mem>>) src(%dma_wait3A_34 : memref<640x64xf32, #tpu.memory_space<hbm>>) dst(%dma_wait3A_32 : memref<640x64xf32, #tpu.memory_space<vmem_shared>>)
      tpu.yield
    }) : () -> ()
    %scan3A = arith.constant 0 : i32
    %scan3A_7 = arith.constant 0 : i32
    %scan3A_8 = arith.constant 640 : i32
    %scan3A_9 = arith.addi %scan3A_7, %scan3A_8 : i32
    %scan3A_10 = arith.constant 1 : i32
    scf.for %scan3A_27 = %scan3A_7 to %scan3A_9 step %scan3A_10  : i32 {
      %broadcast_in_dim3A = arith.constant 0.000000e+00 : f32
      %broadcast_in_dim3A_28 = vector.broadcast %broadcast_in_dim3A : f32 to vector<16xf32>
      %mul3A_29 = arith.constant 16 : i32
      %mul3A_30 = arith.muli %scan3A_27, %mul3A_29 : i32
      %swap3A = arith.index_cast %mul3A_30 : i32 to index
      %swap3A_31 = tpu.vector_load %arg16[%swap3A] {strides = array<i32>} : memref<10240xf32, #tpu.memory_space<vmem>>, vector<16xf32>,
      tpu.vector_store %arg16[%swap3A], %broadcast_in_dim3A_28 {strides = array<i32>} : memref<10240xf32, #tpu.memory_space<vmem>>, vector<16xf32>,
    }
    %scan3A_11 = arith.constant 640 : i32
    %barrier3A = arith.constant 0 : index
    tpu.barrier barrier_id(%barrier3A)
    %dma_start3A = arith.constant 0 : i32
    %dma_start3A_12 = tpu.memref_slice %arg7[%dma_start3A] : memref<10000xi32, #tpu.memory_space<vmem>> -> memref<400xi32, #tpu.memory_space<vmem>>
    %dma_start3A_13 = arith.constant 0 : i32
    %dma_start3A_14 = arith.constant 0 : i32
    %dma_start3A_15 = tpu.memref_slice %arg3[%dma_start3A_13, %dma_start3A_14] : memref<10000x64xf32, #tpu.memory_space<hbm>> -> memref<10000x64xf32, #tpu.memory_space<hbm>>
    tpu.enqueue_indirect_dma source(%dma_start3A_15 : memref<10000x64xf32, #tpu.memory_space<hbm>>) target(%arg9 : memref<400x64xf32, #tpu.memory_space<vmem>>) offsets(%dma_start3A_12 : memref<400xi32, #tpu.memory_space<vmem>>) semaphore(%arg12 : memref<!tpu.dma_semaphore, #tpu.memory_space<semaphore_mem>>)
    %scan3A_16 = arith.constant 0 : i32
    %scan3A_17 = arith.constant 0 : i32
    %scan3A_18 = arith.constant 25 : i32
    %scan3A_19 = arith.addi %scan3A_17, %scan3A_18 : i32
    %scan3A_20 = arith.constant 1 : i32
    scf.for %scan3A_27 = %scan3A_17 to %scan3A_19 step %scan3A_20  : i32 {
      %jit3A = arith.constant 2 : i32
      %eq3A = arith.constant 0 : i32
      %eq3A_28 = arith.cmpi eq, %jit3A, %eq3A : i32
      %jit3A_29 = arith.constant 1 : i32
      %select_n3A = arith.select %eq3A_28, %jit3A_29, %jit3A : i32
      %rem3A = arith.remsi %scan3A_27, %select_n3A : i32
      %ne3A = arith.constant 0 : i32
      %ne3A_30 = arith.cmpi ne, %rem3A, %ne3A : i32
      %lt3A = arith.constant 0 : i32
      %lt3A_31 = arith.cmpi slt, %rem3A, %lt3A : i32
      %lt3A_32 = arith.constant 0 : i32
      %lt3A_33 = arith.cmpi slt, %select_n3A, %lt3A_32 : i32
      %ne3A_34 = arith.xori %lt3A_31, %lt3A_33 : i1
      %and3A = arith.andi %ne3A_34, %ne3A_30 : i1
      %add3A_35 = arith.addi %rem3A, %select_n3A : i32
      %select_n3A_36 = arith.select %and3A, %add3A_35, %rem3A : i32
      %eq3A_37 = arith.constant 0 : i32
      %eq3A_38 = arith.cmpi eq, %select_n3A_36, %eq3A_37 : i32
      %convert_element_type3A = arith.extui %eq3A_38 : i1 to i32
      %cond3A = arith.constant 0 : i32
      %cond3A_39 = arith.cmpi ne, %convert_element_type3A, %cond3A : i32
      scf.if %cond3A_39 {
        %ge3A = arith.constant 1 : i32
        %ge3A_61 = arith.cmpi sge, %scan3A_27, %ge3A : i32
        %convert_element_type3A_62 = arith.extui %ge3A_61 : i1 to i32
        %cond3A_63 = arith.constant 0 : i32
        %cond3A_64 = arith.cmpi ne, %convert_element_type3A_62, %cond3A_63 : i32
        scf.if %cond3A_64 {
          %sub3A = arith.constant 1 : i32
          %sub3A_91 = arith.subi %scan3A_27, %sub3A : i32
          %mul3A_92 = arith.constant 400 : i32
          %mul3A_93 = arith.muli %sub3A_91, %mul3A_92 : i32
          %dma_wait3A_94 = tpu.memref_slice %arg8[%mul3A_93] : memref<10000xi32, #tpu.memory_space<vmem>> -> memref<400xi32, #tpu.memory_space<vmem>>
          %dma_wait3A_95 = arith.constant 0 : i32
          %dma_wait3A_96 = arith.constant 0 : i32
          %dma_wait3A_97 = tpu.memref_slice %arg11[%dma_wait3A_95, %dma_wait3A_96] : memref<10240x64xf32, #tpu.memory_space<vmem_shared>> -> memref<10240x64xf32, #tpu.memory_space<vmem_shared>>
          tpu.wait_indirect_dma semaphore(%arg15 : memref<!tpu.dma_semaphore, #tpu.memory_space<semaphore_mem>>) src(%arg10 : memref<400x64xf32, #tpu.memory_space<vmem>>) dst(%dma_wait3A_97 : memref<10240x64xf32, #tpu.memory_space<vmem_shared>>)
        } else {
        }
        %add3A_65 = arith.constant 1 : i32
        %add3A_66 = arith.addi %scan3A_27, %add3A_65 : i32
        %lt3A_67 = arith.constant 25 : i32
        %lt3A_68 = arith.cmpi slt, %add3A_66, %lt3A_67 : i32
        %convert_element_type3A_69 = arith.extui %lt3A_68 : i1 to i32
        %cond3A_70 = arith.constant 0 : i32
        %cond3A_71 = arith.cmpi ne, %convert_element_type3A_69, %cond3A_70 : i32
        scf.if %cond3A_71 {
          %add3A_91 = arith.constant 1 : i32
          %add3A_92 = arith.addi %scan3A_27, %add3A_91 : i32
          %mul3A_93 = arith.constant 400 : i32
          %mul3A_94 = arith.muli %add3A_92, %mul3A_93 : i32
          %dma_start3A_95 = tpu.memref_slice %arg7[%mul3A_94] : memref<10000xi32, #tpu.memory_space<vmem>> -> memref<400xi32, #tpu.memory_space<vmem>>
          %dma_start3A_96 = arith.constant 0 : i32
          %dma_start3A_97 = arith.constant 0 : i32
          %dma_start3A_98 = tpu.memref_slice %arg3[%dma_start3A_96, %dma_start3A_97] : memref<10000x64xf32, #tpu.memory_space<hbm>> -> memref<10000x64xf32, #tpu.memory_space<hbm>>
          tpu.enqueue_indirect_dma source(%dma_start3A_98 : memref<10000x64xf32, #tpu.memory_space<hbm>>) target(%arg10 : memref<400x64xf32, #tpu.memory_space<vmem>>) offsets(%dma_start3A_95 : memref<400xi32, #tpu.memory_space<vmem>>) semaphore(%arg13 : memref<!tpu.dma_semaphore, #tpu.memory_space<semaphore_mem>>)
        } else {
        }
        %broadcast_in_dim3A = arith.constant 1.000000e+00 : f32
        %broadcast_in_dim3A_72 = vector.broadcast %broadcast_in_dim3A : f32 to vector<16xf32>
        %scan3A_73 = arith.constant 0 : i32
        %scan3A_74 = arith.constant 0 : i32
        %scan3A_75 = arith.constant 25 : i32
        %scan3A_76 = arith.addi %scan3A_74, %scan3A_75 : i32
        %scan3A_77 = arith.constant 1 : i32
        scf.for %scan3A_91 = %scan3A_74 to %scan3A_76 step %scan3A_77  : i32 {
          %mul3A_92 = arith.constant 400 : i32
          %mul3A_93 = arith.muli %scan3A_27, %mul3A_92 : i32
          %mul3A_94 = arith.constant 16 : i32
          %mul3A_95 = arith.muli %scan3A_91, %mul3A_94 : i32
          %add3A_96 = arith.addi %mul3A_93, %mul3A_95 : i32
          %get3A = arith.index_cast %add3A_96 : i32 to index
          %get3A_97 = tpu.vector_load %arg8[%get3A] {strides = array<i32>} : memref<10000xi32, #tpu.memory_space<vmem>>, vector<16xi32>,
          tpu.vector_store_idx %arg16[%get3A_97], %broadcast_in_dim3A_72 {add = true} : memref<10240xf32, #tpu.memory_space<vmem>>[vector<16xi32>], vector<16xf32>,
        }
        %scan3A_78 = arith.constant 25 : i32
        %mul3A_79 = arith.constant 400 : i32
        %mul3A_80 = arith.muli %scan3A_27, %mul3A_79 : i32
        %dma_wait3A_81 = tpu.memref_slice %arg7[%mul3A_80] : memref<10000xi32, #tpu.memory_space<vmem>> -> memref<400xi32, #tpu.memory_space<vmem>>
        %dma_wait3A_82 = arith.constant 0 : i32
        %dma_wait3A_83 = arith.constant 0 : i32
        %dma_wait3A_84 = tpu.memref_slice %arg3[%dma_wait3A_82, %dma_wait3A_83] : memref<10000x64xf32, #tpu.memory_space<hbm>> -> memref<10000x64xf32, #tpu.memory_space<hbm>>
        tpu.wait_indirect_dma semaphore(%arg12 : memref<!tpu.dma_semaphore, #tpu.memory_space<semaphore_mem>>) src(%dma_wait3A_84 : memref<10000x64xf32, #tpu.memory_space<hbm>>) dst(%arg9 : memref<400x64xf32, #tpu.memory_space<vmem>>)
        %mul3A_85 = arith.constant 400 : i32
        %mul3A_86 = arith.muli %scan3A_27, %mul3A_85 : i32
        %dma_start3A_87 = tpu.memref_slice %arg8[%mul3A_86] : memref<10000xi32, #tpu.memory_space<vmem>> -> memref<400xi32, #tpu.memory_space<vmem>>
        %dma_start3A_88 = arith.constant 0 : i32
        %dma_start3A_89 = arith.constant 0 : i32
        %dma_start3A_90 = tpu.memref_slice %arg11[%dma_start3A_88, %dma_start3A_89] : memref<10240x64xf32, #tpu.memory_space<vmem_shared>> -> memref<10240x64xf32, #tpu.memory_space<vmem_shared>>
        tpu.enqueue_indirect_dma source(%arg9 : memref<400x64xf32, #tpu.memory_space<vmem>>) target(%dma_start3A_90 : memref<10240x64xf32, #tpu.memory_space<vmem_shared>>) offsets(%dma_start3A_87 : memref<400xi32, #tpu.memory_space<vmem>>) semaphore(%arg14 : memref<!tpu.dma_semaphore, #tpu.memory_space<semaphore_mem>>) {add = true}
      } else {
      }
      %jit3A_40 = arith.constant 2 : i32
      %eq3A_41 = arith.constant 0 : i32
      %eq3A_42 = arith.cmpi eq, %jit3A_40, %eq3A_41 : i32
      %jit3A_43 = arith.constant 1 : i32
      %select_n3A_44 = arith.select %eq3A_42, %jit3A_43, %jit3A_40 : i32
      %rem3A_45 = arith.remsi %scan3A_27, %select_n3A_44 : i32
      %ne3A_46 = arith.constant 0 : i32
      %ne3A_47 = arith.cmpi ne, %rem3A_45, %ne3A_46 : i32
      %lt3A_48 = arith.constant 0 : i32
      %lt3A_49 = arith.cmpi slt, %rem3A_45, %lt3A_48 : i32
      %lt3A_50 = arith.constant 0 : i32
      %lt3A_51 = arith.cmpi slt, %select_n3A_44, %lt3A_50 : i32
      %ne3A_52 = arith.xori %lt3A_49, %lt3A_51 : i1
      %and3A_53 = arith.andi %ne3A_52, %ne3A_47 : i1
      %add3A_54 = arith.addi %rem3A_45, %select_n3A_44 : i32
      %select_n3A_55 = arith.select %and3A_53, %add3A_54, %rem3A_45 : i32
      %eq3A_56 = arith.constant 1 : i32
      %eq3A_57 = arith.cmpi eq, %select_n3A_55, %eq3A_56 : i32
      %convert_element_type3A_58 = arith.extui %eq3A_57 : i1 to i32
      %cond3A_59 = arith.constant 0 : i32
      %cond3A_60 = arith.cmpi ne, %convert_element_type3A_58, %cond3A_59 : i32
      scf.if %cond3A_60 {
        %ge3A = arith.constant 1 : i32
        %ge3A_61 = arith.cmpi sge, %scan3A_27, %ge3A : i32
        %convert_element_type3A_62 = arith.extui %ge3A_61 : i1 to i32
        %cond3A_63 = arith.constant 0 : i32
        %cond3A_64 = arith.cmpi ne, %convert_element_type3A_62, %cond3A_63 : i32
        scf.if %cond3A_64 {
          %sub3A = arith.constant 1 : i32
          %sub3A_91 = arith.subi %scan3A_27, %sub3A : i32
          %mul3A_92 = arith.constant 400 : i32
          %mul3A_93 = arith.muli %sub3A_91, %mul3A_92 : i32
          %dma_wait3A_94 = tpu.memref_slice %arg8[%mul3A_93] : memref<10000xi32, #tpu.memory_space<vmem>> -> memref<400xi32, #tpu.memory_space<vmem>>
          %dma_wait3A_95 = arith.constant 0 : i32
          %dma_wait3A_96 = arith.constant 0 : i32
          %dma_wait3A_97 = tpu.memref_slice %arg11[%dma_wait3A_95, %dma_wait3A_96] : memref<10240x64xf32, #tpu.memory_space<vmem_shared>> -> memref<10240x64xf32, #tpu.memory_space<vmem_shared>>
          tpu.wait_indirect_dma semaphore(%arg14 : memref<!tpu.dma_semaphore, #tpu.memory_space<semaphore_mem>>) src(%arg9 : memref<400x64xf32, #tpu.memory_space<vmem>>) dst(%dma_wait3A_97 : memref<10240x64xf32, #tpu.memory_space<vmem_shared>>)
        } else {
        }
        %add3A_65 = arith.constant 1 : i32
        %add3A_66 = arith.addi %scan3A_27, %add3A_65 : i32
        %lt3A_67 = arith.constant 25 : i32
        %lt3A_68 = arith.cmpi slt, %add3A_66, %lt3A_67 : i32
        %convert_element_type3A_69 = arith.extui %lt3A_68 : i1 to i32
        %cond3A_70 = arith.constant 0 : i32
        %cond3A_71 = arith.cmpi ne, %convert_element_type3A_69, %cond3A_70 : i32
        scf.if %cond3A_71 {
          %add3A_91 = arith.constant 1 : i32
          %add3A_92 = arith.addi %scan3A_27, %add3A_91 : i32
          %mul3A_93 = arith.constant 400 : i32
          %mul3A_94 = arith.muli %add3A_92, %mul3A_93 : i32
          %dma_start3A_95 = tpu.memref_slice %arg7[%mul3A_94] : memref<10000xi32, #tpu.memory_space<vmem>> -> memref<400xi32, #tpu.memory_space<vmem>>
          %dma_start3A_96 = arith.constant 0 : i32
          %dma_start3A_97 = arith.constant 0 : i32
          %dma_start3A_98 = tpu.memref_slice %arg3[%dma_start3A_96, %dma_start3A_97] : memref<10000x64xf32, #tpu.memory_space<hbm>> -> memref<10000x64xf32, #tpu.memory_space<hbm>>
          tpu.enqueue_indirect_dma source(%dma_start3A_98 : memref<10000x64xf32, #tpu.memory_space<hbm>>) target(%arg9 : memref<400x64xf32, #tpu.memory_space<vmem>>) offsets(%dma_start3A_95 : memref<400xi32, #tpu.memory_space<vmem>>) semaphore(%arg12 : memref<!tpu.dma_semaphore, #tpu.memory_space<semaphore_mem>>)
        } else {
        }
        %broadcast_in_dim3A = arith.constant 1.000000e+00 : f32
        %broadcast_in_dim3A_72 = vector.broadcast %broadcast_in_dim3A : f32 to vector<16xf32>
        %scan3A_73 = arith.constant 0 : i32
        %scan3A_74 = arith.constant 0 : i32
        %scan3A_75 = arith.constant 25 : i32
        %scan3A_76 = arith.addi %scan3A_74, %scan3A_75 : i32
        %scan3A_77 = arith.constant 1 : i32
        scf.for %scan3A_91 = %scan3A_74 to %scan3A_76 step %scan3A_77  : i32 {
          %mul3A_92 = arith.constant 400 : i32
          %mul3A_93 = arith.muli %scan3A_27, %mul3A_92 : i32
          %mul3A_94 = arith.constant 16 : i32
          %mul3A_95 = arith.muli %scan3A_91, %mul3A_94 : i32
          %add3A_96 = arith.addi %mul3A_93, %mul3A_95 : i32
          %get3A = arith.index_cast %add3A_96 : i32 to index
          %get3A_97 = tpu.vector_load %arg8[%get3A] {strides = array<i32>} : memref<10000xi32, #tpu.memory_space<vmem>>, vector<16xi32>,
          tpu.vector_store_idx %arg16[%get3A_97], %broadcast_in_dim3A_72 {add = true} : memref<10240xf32, #tpu.memory_space<vmem>>[vector<16xi32>], vector<16xf32>,
        }
        %scan3A_78 = arith.constant 25 : i32
        %mul3A_79 = arith.constant 400 : i32
        %mul3A_80 = arith.muli %scan3A_27, %mul3A_79 : i32
        %dma_wait3A_81 = tpu.memref_slice %arg7[%mul3A_80] : memref<10000xi32, #tpu.memory_space<vmem>> -> memref<400xi32, #tpu.memory_space<vmem>>
        %dma_wait3A_82 = arith.constant 0 : i32
        %dma_wait3A_83 = arith.constant 0 : i32
        %dma_wait3A_84 = tpu.memref_slice %arg3[%dma_wait3A_82, %dma_wait3A_83] : memref<10000x64xf32, #tpu.memory_space<hbm>> -> memref<10000x64xf32, #tpu.memory_space<hbm>>
        tpu.wait_indirect_dma semaphore(%arg13 : memref<!tpu.dma_semaphore, #tpu.memory_space<semaphore_mem>>) src(%dma_wait3A_84 : memref<10000x64xf32, #tpu.memory_space<hbm>>) dst(%arg10 : memref<400x64xf32, #tpu.memory_space<vmem>>)
        %mul3A_85 = arith.constant 400 : i32
        %mul3A_86 = arith.muli %scan3A_27, %mul3A_85 : i32
        %dma_start3A_87 = tpu.memref_slice %arg8[%mul3A_86] : memref<10000xi32, #tpu.memory_space<vmem>> -> memref<400xi32, #tpu.memory_space<vmem>>
        %dma_start3A_88 = arith.constant 0 : i32
        %dma_start3A_89 = arith.constant 0 : i32
        %dma_start3A_90 = tpu.memref_slice %arg11[%dma_start3A_88, %dma_start3A_89] : memref<10240x64xf32, #tpu.memory_space<vmem_shared>> -> memref<10240x64xf32, #tpu.memory_space<vmem_shared>>
        tpu.enqueue_indirect_dma source(%arg10 : memref<400x64xf32, #tpu.memory_space<vmem>>) target(%dma_start3A_90 : memref<10240x64xf32, #tpu.memory_space<vmem_shared>>) offsets(%dma_start3A_87 : memref<400xi32, #tpu.memory_space<vmem>>) semaphore(%arg15 : memref<!tpu.dma_semaphore, #tpu.memory_space<semaphore_mem>>) {add = true}
      } else {
      }
    }
    %scan3A_21 = arith.constant 25 : i32
    %dma_wait3A = arith.constant 9600 : i32
    %dma_wait3A_22 = tpu.memref_slice %arg8[%dma_wait3A] : memref<10000xi32, #tpu.memory_space<vmem>> -> memref<400xi32, #tpu.memory_space<vmem>>
    %dma_wait3A_23 = arith.constant 0 : i32
    %dma_wait3A_24 = arith.constant 0 : i32
    %dma_wait3A_25 = tpu.memref_slice %arg11[%dma_wait3A_23, %dma_wait3A_24] : memref<10240x64xf32, #tpu.memory_space<vmem_shared>> -> memref<10240x64xf32, #tpu.memory_space<vmem_shared>>
    tpu.wait_indirect_dma semaphore(%arg14 : memref<!tpu.dma_semaphore, #tpu.memory_space<semaphore_mem>>) src(%arg9 : memref<400x64xf32, #tpu.memory_space<vmem>>) dst(%dma_wait3A_25 : memref<10240x64xf32, #tpu.memory_space<vmem_shared>>)
    "tpu.region"() ({
      %run_scoped3A = tpu.sem_alloc : memref<!tpu.dma_semaphore, #tpu.memory_space<semaphore_mem>>
      %dma_start3A_27 = arith.constant 0 : i32
      %dma_start3A_28 = tpu.memref_slice %arg6[%add3A, %dma_start3A_27] : memref<32x10240xf32, #tpu.memory_space<hbm>> -> memref<1x10240xf32, #tpu.memory_space<hbm>>
      %dma_start3A_29 = tpu.memref_squeeze %dma_start3A_28 : memref<1x10240xf32, #tpu.memory_space<hbm>> -> memref<10240xf32, #tpu.memory_space<hbm>>
      %dma_start3A_30 = arith.constant 0 : i32
      %dma_start3A_31 = tpu.memref_slice %arg6[%add3A, %dma_start3A_30] : memref<32x10240xf32, #tpu.memory_space<hbm>> -> memref<1x10240xf32, #tpu.memory_space<hbm>>
      %dma_start3A_32 = tpu.memref_squeeze %dma_start3A_31 : memref<1x10240xf32, #tpu.memory_space<hbm>> -> memref<10240xf32, #tpu.memory_space<hbm>>
      tpu.enqueue_dma source(%arg16 : memref<10240xf32, #tpu.memory_space<vmem>>) target(%dma_start3A_32 : memref<10240xf32, #tpu.memory_space<hbm>>) target_semaphore(%run_scoped3A : memref<!tpu.dma_semaphore, #tpu.memory_space<semaphore_mem>>)
      %dma_wait3A_33 = arith.constant 0 : i32
      %dma_wait3A_34 = tpu.memref_slice %arg6[%add3A, %dma_wait3A_33] : memref<32x10240xf32, #tpu.memory_space<hbm>> -> memref<1x10240xf32, #tpu.memory_space<hbm>>
      %dma_wait3A_35 = tpu.memref_squeeze %dma_wait3A_34 : memref<1x10240xf32, #tpu.memory_space<hbm>> -> memref<10240xf32, #tpu.memory_space<hbm>>
      %dma_wait3A_36 = arith.constant 0 : i32
      %dma_wait3A_37 = tpu.memref_slice %arg6[%add3A, %dma_wait3A_36] : memref<32x10240xf32, #tpu.memory_space<hbm>> -> memref<1x10240xf32, #tpu.memory_space<hbm>>
      %dma_wait3A_38 = tpu.memref_squeeze %dma_wait3A_37 : memref<1x10240xf32, #tpu.memory_space<hbm>> -> memref<10240xf32, #tpu.memory_space<hbm>>
      tpu.wait_dma2 semaphore(%run_scoped3A : memref<!tpu.dma_semaphore, #tpu.memory_space<semaphore_mem>>) src(%arg16 : memref<10240xf32, #tpu.memory_space<vmem>>) dst(%dma_wait3A_38 : memref<10240xf32, #tpu.memory_space<hbm>>)
      tpu.yield
    }) : () -> ()
    %barrier3A_26 = arith.constant 0 : index
    tpu.barrier barrier_id(%barrier3A_26)
    "tpu.region"() ({
      %run_scoped3A = tpu.sem_alloc : memref<!tpu.dma_semaphore, #tpu.memory_space<semaphore_mem>>
      %dma_start3A_27 = arith.constant 0 : i32
      %dma_start3A_28 = tpu.memref_slice %arg5[%arg0, %mul3A_6, %dma_start3A_27] : memref<2x10240x64xf32, #tpu.memory_space<hbm>> -> memref<1x640x64xf32, #tpu.memory_space<hbm>>
      %dma_start3A_29 = tpu.memref_squeeze %dma_start3A_28 : memref<1x640x64xf32, #tpu.memory_space<hbm>> -> memref<640x64xf32, #tpu.memory_space<hbm>>
      %dma_start3A_30 = arith.constant 0 : i32
      %dma_start3A_31 = tpu.memref_slice %arg11[%mul3A_6, %dma_start3A_30] : memref<10240x64xf32, #tpu.memory_space<vmem_shared>> -> memref<640x64xf32, #tpu.memory_space<vmem_shared>>
      tpu.enqueue_dma source(%dma_start3A_31 : memref<640x64xf32, #tpu.memory_space<vmem_shared>>) target(%dma_start3A_29 : memref<640x64xf32, #tpu.memory_space<hbm>>) target_semaphore(%run_scoped3A : memref<!tpu.dma_semaphore, #tpu.memory_space<semaphore_mem>>)
      %dma_wait3A_32 = arith.constant 0 : i32
      %dma_wait3A_33 = tpu.memref_slice %arg5[%arg0, %mul3A_6, %dma_wait3A_32] : memref<2x10240x64xf32, #tpu.memory_space<hbm>> -> memref<1x640x64xf32, #tpu.memory_space<hbm>>
      %dma_wait3A_34 = tpu.memref_squeeze %dma_wait3A_33 : memref<1x640x64xf32, #tpu.memory_space<hbm>> -> memref<640x64xf32, #tpu.memory_space<hbm>>
      %dma_wait3A_35 = arith.constant 0 : i32
      %dma_wait3A_36 = tpu.memref_slice %arg11[%mul3A_6, %dma_wait3A_35] : memref<10240x64xf32, #tpu.memory_space<vmem_shared>> -> memref<640x64xf32, #tpu.memory_space<vmem_shared>>
      tpu.wait_dma2 semaphore(%run_scoped3A : memref<!tpu.dma_semaphore, #tpu.memory_space<semaphore_mem>>) src(%dma_wait3A_36 : memref<640x64xf32, #tpu.memory_space<vmem_shared>>) dst(%dma_wait3A_34 : memref<640x64xf32, #tpu.memory_space<hbm>>)
      tpu.yield
    }) : () -> ()
    return
  }
}

#map = affine_map<(d0, d1) -> (0)>
#map1 = affine_map<(d0, d1) -> (0, 0)>
#map2 = affine_map<(d0, d1) -> (0, 0, 0)>
module attributes {stable_mosaic.version = 14 : i64} {
  func.func @body(%arg0: i32, %arg1: i32, %arg2: memref<640000xi32, #tpu.memory_space<hbm>>, %arg3: memref<10000x16xf32, #tpu.memory_space<hbm>>, %arg4: memref<10240x16xf32, #tpu.memory_space<hbm>>, %arg5: memref<2x10240x16xf32, #tpu.memory_space<hbm>>, %arg6: memref<10000xi32, #tpu.memory_space<vmem>>, %arg7: memref<10000xi32, #tpu.memory_space<vmem>>, %arg8: memref<2000x16xf32, #tpu.memory_space<vmem>>, %arg9: memref<2000x16xf32, #tpu.memory_space<vmem>>, %arg10: memref<10240x16xf32, #tpu.memory_space<vmem_shared>>, %arg11: memref<!tpu.dma_semaphore, #tpu.memory_space<semaphore_mem>>, %arg12: memref<!tpu.dma_semaphore, #tpu.memory_space<semaphore_mem>>, %arg13: memref<!tpu.dma_semaphore, #tpu.memory_space<semaphore_mem>>, %arg14: memref<!tpu.dma_semaphore, #tpu.memory_space<semaphore_mem>>) attributes {dimension_semantics = [#tpu.dimension_semantics<core_parallel>, #tpu.dimension_semantics<subcore_parallel>], iteration_bounds = array<i64: 2, 16>, scalar_prefetch = 0 : i64, scratch_operands = 9 : i64, tpu.core_type = #tpu.core_type<sc_vector_subcore>, window_params = [{transform_indices = #map}, {transform_indices = #map1}, {transform_indices = #map1}, {transform_indices = #map2}]} {
    %mul3A = arith.constant 2 : i32
    %mul3A_0 = arith.muli %arg1, %mul3A : i32
    %add3A = arith.addi %mul3A_0, %arg0 : i32
    %mul3A_1 = arith.constant 10000 : i32
    %mul3A_2 = arith.muli %add3A, %mul3A_1 : i32
    "tpu.region"() ({
      %run_scoped3A = tpu.sem_alloc : memref<!tpu.dma_semaphore, #tpu.memory_space<semaphore_mem>>
      %dma_start3A_21 = tpu.memref_slice %arg2[%mul3A_2] : memref<640000xi32, #tpu.memory_space<hbm>> -> memref<10000xi32, #tpu.memory_space<hbm>>
      %dma_start3A_22 = tpu.memref_slice %arg2[%mul3A_2] : memref<640000xi32, #tpu.memory_space<hbm>> -> memref<10000xi32, #tpu.memory_space<hbm>>
      tpu.enqueue_dma source(%dma_start3A_22 : memref<10000xi32, #tpu.memory_space<hbm>>) target(%arg6 : memref<10000xi32, #tpu.memory_space<vmem>>) target_semaphore(%run_scoped3A : memref<!tpu.dma_semaphore, #tpu.memory_space<semaphore_mem>>)
      %dma_wait3A_23 = tpu.memref_slice %arg2[%mul3A_2] : memref<640000xi32, #tpu.memory_space<hbm>> -> memref<10000xi32, #tpu.memory_space<hbm>>
      %dma_wait3A_24 = tpu.memref_slice %arg2[%mul3A_2] : memref<640000xi32, #tpu.memory_space<hbm>> -> memref<10000xi32, #tpu.memory_space<hbm>>
      tpu.wait_dma2 semaphore(%run_scoped3A : memref<!tpu.dma_semaphore, #tpu.memory_space<semaphore_mem>>) src(%dma_wait3A_24 : memref<10000xi32, #tpu.memory_space<hbm>>) dst(%arg6 : memref<10000xi32, #tpu.memory_space<vmem>>)
      tpu.yield
    }) : () -> ()
    %add3A_3 = arith.constant 320000 : i32
    %add3A_4 = arith.addi %add3A_3, %mul3A_2 : i32
    "tpu.region"() ({
      %run_scoped3A = tpu.sem_alloc : memref<!tpu.dma_semaphore, #tpu.memory_space<semaphore_mem>>
      %dma_start3A_21 = tpu.memref_slice %arg2[%add3A_4] : memref<640000xi32, #tpu.memory_space<hbm>> -> memref<10000xi32, #tpu.memory_space<hbm>>
      %dma_start3A_22 = tpu.memref_slice %arg2[%add3A_4] : memref<640000xi32, #tpu.memory_space<hbm>> -> memref<10000xi32, #tpu.memory_space<hbm>>
      tpu.enqueue_dma source(%dma_start3A_22 : memref<10000xi32, #tpu.memory_space<hbm>>) target(%arg7 : memref<10000xi32, #tpu.memory_space<vmem>>) target_semaphore(%run_scoped3A : memref<!tpu.dma_semaphore, #tpu.memory_space<semaphore_mem>>)
      %dma_wait3A_23 = tpu.memref_slice %arg2[%add3A_4] : memref<640000xi32, #tpu.memory_space<hbm>> -> memref<10000xi32, #tpu.memory_space<hbm>>
      %dma_wait3A_24 = tpu.memref_slice %arg2[%add3A_4] : memref<640000xi32, #tpu.memory_space<hbm>> -> memref<10000xi32, #tpu.memory_space<hbm>>
      tpu.wait_dma2 semaphore(%run_scoped3A : memref<!tpu.dma_semaphore, #tpu.memory_space<semaphore_mem>>) src(%dma_wait3A_24 : memref<10000xi32, #tpu.memory_space<hbm>>) dst(%arg7 : memref<10000xi32, #tpu.memory_space<vmem>>)
      tpu.yield
    }) : () -> ()
    %mul3A_5 = arith.constant 640 : i32
    %mul3A_6 = arith.muli %arg1, %mul3A_5 : i32
    "tpu.region"() ({
      %run_scoped3A = tpu.sem_alloc : memref<!tpu.dma_semaphore, #tpu.memory_space<semaphore_mem>>
      %dma_start3A_21 = arith.constant 0 : i32
      %dma_start3A_22 = tpu.memref_slice %arg10[%mul3A_6, %dma_start3A_21] : memref<10240x16xf32, #tpu.memory_space<vmem_shared>> -> memref<640x16xf32, #tpu.memory_space<vmem_shared>>
      %dma_start3A_23 = arith.constant 0 : i32
      %dma_start3A_24 = tpu.memref_slice %arg4[%mul3A_6, %dma_start3A_23] : memref<10240x16xf32, #tpu.memory_space<hbm>> -> memref<640x16xf32, #tpu.memory_space<hbm>>
      tpu.enqueue_dma source(%dma_start3A_24 : memref<640x16xf32, #tpu.memory_space<hbm>>) target(%dma_start3A_22 : memref<640x16xf32, #tpu.memory_space<vmem_shared>>) target_semaphore(%run_scoped3A : memref<!tpu.dma_semaphore, #tpu.memory_space<semaphore_mem>>)
      %dma_wait3A_25 = arith.constant 0 : i32
      %dma_wait3A_26 = tpu.memref_slice %arg10[%mul3A_6, %dma_wait3A_25] : memref<10240x16xf32, #tpu.memory_space<vmem_shared>> -> memref<640x16xf32, #tpu.memory_space<vmem_shared>>
      %dma_wait3A_27 = arith.constant 0 : i32
      %dma_wait3A_28 = tpu.memref_slice %arg4[%mul3A_6, %dma_wait3A_27] : memref<10240x16xf32, #tpu.memory_space<hbm>> -> memref<640x16xf32, #tpu.memory_space<hbm>>
      tpu.wait_dma2 semaphore(%run_scoped3A : memref<!tpu.dma_semaphore, #tpu.memory_space<semaphore_mem>>) src(%dma_wait3A_28 : memref<640x16xf32, #tpu.memory_space<hbm>>) dst(%dma_wait3A_26 : memref<640x16xf32, #tpu.memory_space<vmem_shared>>)
      tpu.yield
    }) : () -> ()
    %barrier3A = arith.constant 0 : index
    tpu.barrier barrier_id(%barrier3A)
    %dma_start3A = arith.constant 0 : i32
    %dma_start3A_7 = tpu.memref_slice %arg6[%dma_start3A] : memref<10000xi32, #tpu.memory_space<vmem>> -> memref<2000xi32, #tpu.memory_space<vmem>>
    %dma_start3A_8 = arith.constant 0 : i32
    %dma_start3A_9 = arith.constant 0 : i32
    %dma_start3A_10 = tpu.memref_slice %arg3[%dma_start3A_8, %dma_start3A_9] : memref<10000x16xf32, #tpu.memory_space<hbm>> -> memref<10000x16xf32, #tpu.memory_space<hbm>>
    tpu.enqueue_indirect_dma source(%dma_start3A_10 : memref<10000x16xf32, #tpu.memory_space<hbm>>) target(%arg8 : memref<2000x16xf32, #tpu.memory_space<vmem>>) offsets(%dma_start3A_7 : memref<2000xi32, #tpu.memory_space<vmem>>) semaphore(%arg11 : memref<!tpu.dma_semaphore, #tpu.memory_space<semaphore_mem>>)
    %scan3A = arith.constant 0 : i32
    %scan3A_11 = arith.constant 0 : i32
    %scan3A_12 = arith.constant 5 : i32
    %scan3A_13 = arith.addi %scan3A_11, %scan3A_12 : i32
    %scan3A_14 = arith.constant 1 : i32
    scf.for %scan3A_21 = %scan3A_11 to %scan3A_13 step %scan3A_14  : i32 {
      %jit3A = arith.constant 2 : i32
      %eq3A = arith.constant 0 : i32
      %eq3A_22 = arith.cmpi eq, %jit3A, %eq3A : i32
      %jit3A_23 = arith.constant 1 : i32
      %select_n3A = arith.select %eq3A_22, %jit3A_23, %jit3A : i32
      %rem3A = arith.remsi %scan3A_21, %select_n3A : i32
      %ne3A = arith.constant 0 : i32
      %ne3A_24 = arith.cmpi ne, %rem3A, %ne3A : i32
      %lt3A = arith.constant 0 : i32
      %lt3A_25 = arith.cmpi slt, %rem3A, %lt3A : i32
      %lt3A_26 = arith.constant 0 : i32
      %lt3A_27 = arith.cmpi slt, %select_n3A, %lt3A_26 : i32
      %ne3A_28 = arith.xori %lt3A_25, %lt3A_27 : i1
      %and3A = arith.andi %ne3A_28, %ne3A_24 : i1
      %add3A_29 = arith.addi %rem3A, %select_n3A : i32
      %select_n3A_30 = arith.select %and3A, %add3A_29, %rem3A : i32
      %eq3A_31 = arith.constant 0 : i32
      %eq3A_32 = arith.cmpi eq, %select_n3A_30, %eq3A_31 : i32
      %convert_element_type3A = arith.extui %eq3A_32 : i1 to i32
      %cond3A = arith.constant 0 : i32
      %cond3A_33 = arith.cmpi ne, %convert_element_type3A, %cond3A : i32
      scf.if %cond3A_33 {
        %ge3A = arith.constant 1 : i32
        %ge3A_55 = arith.cmpi sge, %scan3A_21, %ge3A : i32
        %convert_element_type3A_56 = arith.extui %ge3A_55 : i1 to i32
        %cond3A_57 = arith.constant 0 : i32
        %cond3A_58 = arith.cmpi ne, %convert_element_type3A_56, %cond3A_57 : i32
        scf.if %cond3A_58 {
          %sub3A = arith.constant 1 : i32
          %sub3A_78 = arith.subi %scan3A_21, %sub3A : i32
          %mul3A_79 = arith.constant 2000 : i32
          %mul3A_80 = arith.muli %sub3A_78, %mul3A_79 : i32
          %dma_wait3A_81 = tpu.memref_slice %arg7[%mul3A_80] : memref<10000xi32, #tpu.memory_space<vmem>> -> memref<2000xi32, #tpu.memory_space<vmem>>
          %dma_wait3A_82 = arith.constant 0 : i32
          %dma_wait3A_83 = arith.constant 0 : i32
          %dma_wait3A_84 = tpu.memref_slice %arg10[%dma_wait3A_82, %dma_wait3A_83] : memref<10240x16xf32, #tpu.memory_space<vmem_shared>> -> memref<10240x16xf32, #tpu.memory_space<vmem_shared>>
          tpu.wait_indirect_dma semaphore(%arg14 : memref<!tpu.dma_semaphore, #tpu.memory_space<semaphore_mem>>) src(%arg9 : memref<2000x16xf32, #tpu.memory_space<vmem>>) dst(%dma_wait3A_84 : memref<10240x16xf32, #tpu.memory_space<vmem_shared>>)
        } else {
        }
        %add3A_59 = arith.constant 1 : i32
        %add3A_60 = arith.addi %scan3A_21, %add3A_59 : i32
        %lt3A_61 = arith.constant 5 : i32
        %lt3A_62 = arith.cmpi slt, %add3A_60, %lt3A_61 : i32
        %convert_element_type3A_63 = arith.extui %lt3A_62 : i1 to i32
        %cond3A_64 = arith.constant 0 : i32
        %cond3A_65 = arith.cmpi ne, %convert_element_type3A_63, %cond3A_64 : i32
        scf.if %cond3A_65 {
          %add3A_78 = arith.constant 1 : i32
          %add3A_79 = arith.addi %scan3A_21, %add3A_78 : i32
          %mul3A_80 = arith.constant 2000 : i32
          %mul3A_81 = arith.muli %add3A_79, %mul3A_80 : i32
          %dma_start3A_82 = tpu.memref_slice %arg6[%mul3A_81] : memref<10000xi32, #tpu.memory_space<vmem>> -> memref<2000xi32, #tpu.memory_space<vmem>>
          %dma_start3A_83 = arith.constant 0 : i32
          %dma_start3A_84 = arith.constant 0 : i32
          %dma_start3A_85 = tpu.memref_slice %arg3[%dma_start3A_83, %dma_start3A_84] : memref<10000x16xf32, #tpu.memory_space<hbm>> -> memref<10000x16xf32, #tpu.memory_space<hbm>>
          tpu.enqueue_indirect_dma source(%dma_start3A_85 : memref<10000x16xf32, #tpu.memory_space<hbm>>) target(%arg9 : memref<2000x16xf32, #tpu.memory_space<vmem>>) offsets(%dma_start3A_82 : memref<2000xi32, #tpu.memory_space<vmem>>) semaphore(%arg12 : memref<!tpu.dma_semaphore, #tpu.memory_space<semaphore_mem>>)
        } else {
        }
        %mul3A_66 = arith.constant 2000 : i32
        %mul3A_67 = arith.muli %scan3A_21, %mul3A_66 : i32
        %dma_wait3A_68 = tpu.memref_slice %arg6[%mul3A_67] : memref<10000xi32, #tpu.memory_space<vmem>> -> memref<2000xi32, #tpu.memory_space<vmem>>
        %dma_wait3A_69 = arith.constant 0 : i32
        %dma_wait3A_70 = arith.constant 0 : i32
        %dma_wait3A_71 = tpu.memref_slice %arg3[%dma_wait3A_69, %dma_wait3A_70] : memref<10000x16xf32, #tpu.memory_space<hbm>> -> memref<10000x16xf32, #tpu.memory_space<hbm>>
        tpu.wait_indirect_dma semaphore(%arg11 : memref<!tpu.dma_semaphore, #tpu.memory_space<semaphore_mem>>) src(%dma_wait3A_71 : memref<10000x16xf32, #tpu.memory_space<hbm>>) dst(%arg8 : memref<2000x16xf32, #tpu.memory_space<vmem>>)
        %mul3A_72 = arith.constant 2000 : i32
        %mul3A_73 = arith.muli %scan3A_21, %mul3A_72 : i32
        %dma_start3A_74 = tpu.memref_slice %arg7[%mul3A_73] : memref<10000xi32, #tpu.memory_space<vmem>> -> memref<2000xi32, #tpu.memory_space<vmem>>
        %dma_start3A_75 = arith.constant 0 : i32
        %dma_start3A_76 = arith.constant 0 : i32
        %dma_start3A_77 = tpu.memref_slice %arg10[%dma_start3A_75, %dma_start3A_76] : memref<10240x16xf32, #tpu.memory_space<vmem_shared>> -> memref<10240x16xf32, #tpu.memory_space<vmem_shared>>
        tpu.enqueue_indirect_dma source(%arg8 : memref<2000x16xf32, #tpu.memory_space<vmem>>) target(%dma_start3A_77 : memref<10240x16xf32, #tpu.memory_space<vmem_shared>>) offsets(%dma_start3A_74 : memref<2000xi32, #tpu.memory_space<vmem>>) semaphore(%arg13 : memref<!tpu.dma_semaphore, #tpu.memory_space<semaphore_mem>>) {add = true}
      } else {
      }
      %jit3A_34 = arith.constant 2 : i32
      %eq3A_35 = arith.constant 0 : i32
      %eq3A_36 = arith.cmpi eq, %jit3A_34, %eq3A_35 : i32
      %jit3A_37 = arith.constant 1 : i32
      %select_n3A_38 = arith.select %eq3A_36, %jit3A_37, %jit3A_34 : i32
      %rem3A_39 = arith.remsi %scan3A_21, %select_n3A_38 : i32
      %ne3A_40 = arith.constant 0 : i32
      %ne3A_41 = arith.cmpi ne, %rem3A_39, %ne3A_40 : i32
      %lt3A_42 = arith.constant 0 : i32
      %lt3A_43 = arith.cmpi slt, %rem3A_39, %lt3A_42 : i32
      %lt3A_44 = arith.constant 0 : i32
      %lt3A_45 = arith.cmpi slt, %select_n3A_38, %lt3A_44 : i32
      %ne3A_46 = arith.xori %lt3A_43, %lt3A_45 : i1
      %and3A_47 = arith.andi %ne3A_46, %ne3A_41 : i1
      %add3A_48 = arith.addi %rem3A_39, %select_n3A_38 : i32
      %select_n3A_49 = arith.select %and3A_47, %add3A_48, %rem3A_39 : i32
      %eq3A_50 = arith.constant 1 : i32
      %eq3A_51 = arith.cmpi eq, %select_n3A_49, %eq3A_50 : i32
      %convert_element_type3A_52 = arith.extui %eq3A_51 : i1 to i32
      %cond3A_53 = arith.constant 0 : i32
      %cond3A_54 = arith.cmpi ne, %convert_element_type3A_52, %cond3A_53 : i32
      scf.if %cond3A_54 {
        %ge3A = arith.constant 1 : i32
        %ge3A_55 = arith.cmpi sge, %scan3A_21, %ge3A : i32
        %convert_element_type3A_56 = arith.extui %ge3A_55 : i1 to i32
        %cond3A_57 = arith.constant 0 : i32
        %cond3A_58 = arith.cmpi ne, %convert_element_type3A_56, %cond3A_57 : i32
        scf.if %cond3A_58 {
          %sub3A = arith.constant 1 : i32
          %sub3A_78 = arith.subi %scan3A_21, %sub3A : i32
          %mul3A_79 = arith.constant 2000 : i32
          %mul3A_80 = arith.muli %sub3A_78, %mul3A_79 : i32
          %dma_wait3A_81 = tpu.memref_slice %arg7[%mul3A_80] : memref<10000xi32, #tpu.memory_space<vmem>> -> memref<2000xi32, #tpu.memory_space<vmem>>
          %dma_wait3A_82 = arith.constant 0 : i32
          %dma_wait3A_83 = arith.constant 0 : i32
          %dma_wait3A_84 = tpu.memref_slice %arg10[%dma_wait3A_82, %dma_wait3A_83] : memref<10240x16xf32, #tpu.memory_space<vmem_shared>> -> memref<10240x16xf32, #tpu.memory_space<vmem_shared>>
          tpu.wait_indirect_dma semaphore(%arg13 : memref<!tpu.dma_semaphore, #tpu.memory_space<semaphore_mem>>) src(%arg8 : memref<2000x16xf32, #tpu.memory_space<vmem>>) dst(%dma_wait3A_84 : memref<10240x16xf32, #tpu.memory_space<vmem_shared>>)
        } else {
        }
        %add3A_59 = arith.constant 1 : i32
        %add3A_60 = arith.addi %scan3A_21, %add3A_59 : i32
        %lt3A_61 = arith.constant 5 : i32
        %lt3A_62 = arith.cmpi slt, %add3A_60, %lt3A_61 : i32
        %convert_element_type3A_63 = arith.extui %lt3A_62 : i1 to i32
        %cond3A_64 = arith.constant 0 : i32
        %cond3A_65 = arith.cmpi ne, %convert_element_type3A_63, %cond3A_64 : i32
        scf.if %cond3A_65 {
          %add3A_78 = arith.constant 1 : i32
          %add3A_79 = arith.addi %scan3A_21, %add3A_78 : i32
          %mul3A_80 = arith.constant 2000 : i32
          %mul3A_81 = arith.muli %add3A_79, %mul3A_80 : i32
          %dma_start3A_82 = tpu.memref_slice %arg6[%mul3A_81] : memref<10000xi32, #tpu.memory_space<vmem>> -> memref<2000xi32, #tpu.memory_space<vmem>>
          %dma_start3A_83 = arith.constant 0 : i32
          %dma_start3A_84 = arith.constant 0 : i32
          %dma_start3A_85 = tpu.memref_slice %arg3[%dma_start3A_83, %dma_start3A_84] : memref<10000x16xf32, #tpu.memory_space<hbm>> -> memref<10000x16xf32, #tpu.memory_space<hbm>>
          tpu.enqueue_indirect_dma source(%dma_start3A_85 : memref<10000x16xf32, #tpu.memory_space<hbm>>) target(%arg8 : memref<2000x16xf32, #tpu.memory_space<vmem>>) offsets(%dma_start3A_82 : memref<2000xi32, #tpu.memory_space<vmem>>) semaphore(%arg11 : memref<!tpu.dma_semaphore, #tpu.memory_space<semaphore_mem>>)
        } else {
        }
        %mul3A_66 = arith.constant 2000 : i32
        %mul3A_67 = arith.muli %scan3A_21, %mul3A_66 : i32
        %dma_wait3A_68 = tpu.memref_slice %arg6[%mul3A_67] : memref<10000xi32, #tpu.memory_space<vmem>> -> memref<2000xi32, #tpu.memory_space<vmem>>
        %dma_wait3A_69 = arith.constant 0 : i32
        %dma_wait3A_70 = arith.constant 0 : i32
        %dma_wait3A_71 = tpu.memref_slice %arg3[%dma_wait3A_69, %dma_wait3A_70] : memref<10000x16xf32, #tpu.memory_space<hbm>> -> memref<10000x16xf32, #tpu.memory_space<hbm>>
        tpu.wait_indirect_dma semaphore(%arg12 : memref<!tpu.dma_semaphore, #tpu.memory_space<semaphore_mem>>) src(%dma_wait3A_71 : memref<10000x16xf32, #tpu.memory_space<hbm>>) dst(%arg9 : memref<2000x16xf32, #tpu.memory_space<vmem>>)
        %mul3A_72 = arith.constant 2000 : i32
        %mul3A_73 = arith.muli %scan3A_21, %mul3A_72 : i32
        %dma_start3A_74 = tpu.memref_slice %arg7[%mul3A_73] : memref<10000xi32, #tpu.memory_space<vmem>> -> memref<2000xi32, #tpu.memory_space<vmem>>
        %dma_start3A_75 = arith.constant 0 : i32
        %dma_start3A_76 = arith.constant 0 : i32
        %dma_start3A_77 = tpu.memref_slice %arg10[%dma_start3A_75, %dma_start3A_76] : memref<10240x16xf32, #tpu.memory_space<vmem_shared>> -> memref<10240x16xf32, #tpu.memory_space<vmem_shared>>
        tpu.enqueue_indirect_dma source(%arg9 : memref<2000x16xf32, #tpu.memory_space<vmem>>) target(%dma_start3A_77 : memref<10240x16xf32, #tpu.memory_space<vmem_shared>>) offsets(%dma_start3A_74 : memref<2000xi32, #tpu.memory_space<vmem>>) semaphore(%arg14 : memref<!tpu.dma_semaphore, #tpu.memory_space<semaphore_mem>>) {add = true}
      } else {
      }
    }
    %scan3A_15 = arith.constant 5 : i32
    %dma_wait3A = arith.constant 8000 : i32
    %dma_wait3A_16 = tpu.memref_slice %arg7[%dma_wait3A] : memref<10000xi32, #tpu.memory_space<vmem>> -> memref<2000xi32, #tpu.memory_space<vmem>>
    %dma_wait3A_17 = arith.constant 0 : i32
    %dma_wait3A_18 = arith.constant 0 : i32
    %dma_wait3A_19 = tpu.memref_slice %arg10[%dma_wait3A_17, %dma_wait3A_18] : memref<10240x16xf32, #tpu.memory_space<vmem_shared>> -> memref<10240x16xf32, #tpu.memory_space<vmem_shared>>
    tpu.wait_indirect_dma semaphore(%arg13 : memref<!tpu.dma_semaphore, #tpu.memory_space<semaphore_mem>>) src(%arg8 : memref<2000x16xf32, #tpu.memory_space<vmem>>) dst(%dma_wait3A_19 : memref<10240x16xf32, #tpu.memory_space<vmem_shared>>)
    %barrier3A_20 = arith.constant 0 : index
    tpu.barrier barrier_id(%barrier3A_20)
    "tpu.region"() ({
      %run_scoped3A = tpu.sem_alloc : memref<!tpu.dma_semaphore, #tpu.memory_space<semaphore_mem>>
      %dma_start3A_21 = arith.constant 0 : i32
      %dma_start3A_22 = tpu.memref_slice %arg5[%arg0, %mul3A_6, %dma_start3A_21] : memref<2x10240x16xf32, #tpu.memory_space<hbm>> -> memref<1x640x16xf32, #tpu.memory_space<hbm>>
      %dma_start3A_23 = tpu.memref_squeeze %dma_start3A_22 : memref<1x640x16xf32, #tpu.memory_space<hbm>> -> memref<640x16xf32, #tpu.memory_space<hbm>>
      %dma_start3A_24 = arith.constant 0 : i32
      %dma_start3A_25 = tpu.memref_slice %arg10[%mul3A_6, %dma_start3A_24] : memref<10240x16xf32, #tpu.memory_space<vmem_shared>> -> memref<640x16xf32, #tpu.memory_space<vmem_shared>>
      tpu.enqueue_dma source(%dma_start3A_25 : memref<640x16xf32, #tpu.memory_space<vmem_shared>>) target(%dma_start3A_23 : memref<640x16xf32, #tpu.memory_space<hbm>>) target_semaphore(%run_scoped3A : memref<!tpu.dma_semaphore, #tpu.memory_space<semaphore_mem>>)
      %dma_wait3A_26 = arith.constant 0 : i32
      %dma_wait3A_27 = tpu.memref_slice %arg5[%arg0, %mul3A_6, %dma_wait3A_26] : memref<2x10240x16xf32, #tpu.memory_space<hbm>> -> memref<1x640x16xf32, #tpu.memory_space<hbm>>
      %dma_wait3A_28 = tpu.memref_squeeze %dma_wait3A_27 : memref<1x640x16xf32, #tpu.memory_space<hbm>> -> memref<640x16xf32, #tpu.memory_space<hbm>>
      %dma_wait3A_29 = arith.constant 0 : i32
      %dma_wait3A_30 = tpu.memref_slice %arg10[%mul3A_6, %dma_wait3A_29] : memref<10240x16xf32, #tpu.memory_space<vmem_shared>> -> memref<640x16xf32, #tpu.memory_space<vmem_shared>>
      tpu.wait_dma2 semaphore(%run_scoped3A : memref<!tpu.dma_semaphore, #tpu.memory_space<semaphore_mem>>) src(%dma_wait3A_30 : memref<640x16xf32, #tpu.memory_space<vmem_shared>>) dst(%dma_wait3A_28 : memref<640x16xf32, #tpu.memory_space<hbm>>)
      tpu.yield
    }) : () -> ()
    return
  }
}

#map = affine_map<(d0, d1) -> (0)>
#map1 = affine_map<(d0, d1) -> (0, 0)>
#map2 = affine_map<(d0, d1) -> (0, 0, 0)>
module attributes {stable_mosaic.version = 14 : i64} {
  func.func @body(%arg0: i32, %arg1: i32, %arg2: memref<640000xi32, #tpu.memory_space<hbm>>, %arg3: memref<10000x16xf32, #tpu.memory_space<hbm>>, %arg4: memref<10240x16xf32, #tpu.memory_space<hbm>>, %arg5: memref<2x10240x16xf32, #tpu.memory_space<hbm>>, %arg6: memref<10000xi32, #tpu.memory_space<vmem>>, %arg7: memref<10000xi32, #tpu.memory_space<vmem>>, %arg8: memref<2000x16xf32, #tpu.memory_space<vmem>>, %arg9: memref<2000x16xf32, #tpu.memory_space<vmem>>, %arg10: memref<10240x16xf32, #tpu.memory_space<vmem_shared>>, %arg11: memref<!tpu.dma_semaphore, #tpu.memory_space<semaphore_mem>>, %arg12: memref<!tpu.dma_semaphore, #tpu.memory_space<semaphore_mem>>, %arg13: memref<!tpu.dma_semaphore, #tpu.memory_space<semaphore_mem>>, %arg14: memref<!tpu.dma_semaphore, #tpu.memory_space<semaphore_mem>>) attributes {dimension_semantics = [#tpu.dimension_semantics<core_parallel>, #tpu.dimension_semantics<subcore_parallel>], iteration_bounds = array<i64: 2, 16>, scalar_prefetch = 0 : i64, scratch_operands = 9 : i64, tpu.core_type = #tpu.core_type<sc_vector_subcore>, window_params = [{transform_indices = #map}, {transform_indices = #map1}, {transform_indices = #map1}, {transform_indices = #map2}]} {
    %mul3A = arith.constant 2 : i32
    %mul3A_0 = arith.muli %arg1, %mul3A : i32
    %add3A = arith.addi %mul3A_0, %arg0 : i32
    %mul3A_1 = arith.constant 10000 : i32
    %mul3A_2 = arith.muli %add3A, %mul3A_1 : i32
    "tpu.region"() ({
      %run_scoped3A = tpu.sem_alloc : memref<!tpu.dma_semaphore, #tpu.memory_space<semaphore_mem>>
      %dma_start3A_21 = tpu.memref_slice %arg2[%mul3A_2] : memref<640000xi32, #tpu.memory_space<hbm>> -> memref<10000xi32, #tpu.memory_space<hbm>>
      %dma_start3A_22 = tpu.memref_slice %arg2[%mul3A_2] : memref<640000xi32, #tpu.memory_space<hbm>> -> memref<10000xi32, #tpu.memory_space<hbm>>
      tpu.enqueue_dma source(%dma_start3A_22 : memref<10000xi32, #tpu.memory_space<hbm>>) target(%arg6 : memref<10000xi32, #tpu.memory_space<vmem>>) target_semaphore(%run_scoped3A : memref<!tpu.dma_semaphore, #tpu.memory_space<semaphore_mem>>)
      %dma_wait3A_23 = tpu.memref_slice %arg2[%mul3A_2] : memref<640000xi32, #tpu.memory_space<hbm>> -> memref<10000xi32, #tpu.memory_space<hbm>>
      %dma_wait3A_24 = tpu.memref_slice %arg2[%mul3A_2] : memref<640000xi32, #tpu.memory_space<hbm>> -> memref<10000xi32, #tpu.memory_space<hbm>>
      tpu.wait_dma2 semaphore(%run_scoped3A : memref<!tpu.dma_semaphore, #tpu.memory_space<semaphore_mem>>) src(%dma_wait3A_24 : memref<10000xi32, #tpu.memory_space<hbm>>) dst(%arg6 : memref<10000xi32, #tpu.memory_space<vmem>>)
      tpu.yield
    }) : () -> ()
    %add3A_3 = arith.constant 320000 : i32
    %add3A_4 = arith.addi %add3A_3, %mul3A_2 : i32
    "tpu.region"() ({
      %run_scoped3A = tpu.sem_alloc : memref<!tpu.dma_semaphore, #tpu.memory_space<semaphore_mem>>
      %dma_start3A_21 = tpu.memref_slice %arg2[%add3A_4] : memref<640000xi32, #tpu.memory_space<hbm>> -> memref<10000xi32, #tpu.memory_space<hbm>>
      %dma_start3A_22 = tpu.memref_slice %arg2[%add3A_4] : memref<640000xi32, #tpu.memory_space<hbm>> -> memref<10000xi32, #tpu.memory_space<hbm>>
      tpu.enqueue_dma source(%dma_start3A_22 : memref<10000xi32, #tpu.memory_space<hbm>>) target(%arg7 : memref<10000xi32, #tpu.memory_space<vmem>>) target_semaphore(%run_scoped3A : memref<!tpu.dma_semaphore, #tpu.memory_space<semaphore_mem>>)
      %dma_wait3A_23 = tpu.memref_slice %arg2[%add3A_4] : memref<640000xi32, #tpu.memory_space<hbm>> -> memref<10000xi32, #tpu.memory_space<hbm>>
      %dma_wait3A_24 = tpu.memref_slice %arg2[%add3A_4] : memref<640000xi32, #tpu.memory_space<hbm>> -> memref<10000xi32, #tpu.memory_space<hbm>>
      tpu.wait_dma2 semaphore(%run_scoped3A : memref<!tpu.dma_semaphore, #tpu.memory_space<semaphore_mem>>) src(%dma_wait3A_24 : memref<10000xi32, #tpu.memory_space<hbm>>) dst(%arg7 : memref<10000xi32, #tpu.memory_space<vmem>>)
      tpu.yield
    }) : () -> ()
    %mul3A_5 = arith.constant 640 : i32
    %mul3A_6 = arith.muli %arg1, %mul3A_5 : i32
    "tpu.region"() ({
      %run_scoped3A = tpu.sem_alloc : memref<!tpu.dma_semaphore, #tpu.memory_space<semaphore_mem>>
      %dma_start3A_21 = arith.constant 0 : i32
      %dma_start3A_22 = tpu.memref_slice %arg10[%mul3A_6, %dma_start3A_21] : memref<10240x16xf32, #tpu.memory_space<vmem_shared>> -> memref<640x16xf32, #tpu.memory_space<vmem_shared>>
      %dma_start3A_23 = arith.constant 0 : i32
      %dma_start3A_24 = tpu.memref_slice %arg4[%mul3A_6, %dma_start3A_23] : memref<10240x16xf32, #tpu.memory_space<hbm>> -> memref<640x16xf32, #tpu.memory_space<hbm>>
      tpu.enqueue_dma source(%dma_start3A_24 : memref<640x16xf32, #tpu.memory_space<hbm>>) target(%dma_start3A_22 : memref<640x16xf32, #tpu.memory_space<vmem_shared>>) target_semaphore(%run_scoped3A : memref<!tpu.dma_semaphore, #tpu.memory_space<semaphore_mem>>)
      %dma_wait3A_25 = arith.constant 0 : i32
      %dma_wait3A_26 = tpu.memref_slice %arg10[%mul3A_6, %dma_wait3A_25] : memref<10240x16xf32, #tpu.memory_space<vmem_shared>> -> memref<640x16xf32, #tpu.memory_space<vmem_shared>>
      %dma_wait3A_27 = arith.constant 0 : i32
      %dma_wait3A_28 = tpu.memref_slice %arg4[%mul3A_6, %dma_wait3A_27] : memref<10240x16xf32, #tpu.memory_space<hbm>> -> memref<640x16xf32, #tpu.memory_space<hbm>>
      tpu.wait_dma2 semaphore(%run_scoped3A : memref<!tpu.dma_semaphore, #tpu.memory_space<semaphore_mem>>) src(%dma_wait3A_28 : memref<640x16xf32, #tpu.memory_space<hbm>>) dst(%dma_wait3A_26 : memref<640x16xf32, #tpu.memory_space<vmem_shared>>)
      tpu.yield
    }) : () -> ()
    %barrier3A = arith.constant 0 : index
    tpu.barrier barrier_id(%barrier3A)
    %dma_start3A = arith.constant 0 : i32
    %dma_start3A_7 = tpu.memref_slice %arg6[%dma_start3A] : memref<10000xi32, #tpu.memory_space<vmem>> -> memref<2000xi32, #tpu.memory_space<vmem>>
    %dma_start3A_8 = arith.constant 0 : i32
    %dma_start3A_9 = arith.constant 0 : i32
    %dma_start3A_10 = tpu.memref_slice %arg3[%dma_start3A_8, %dma_start3A_9] : memref<10000x16xf32, #tpu.memory_space<hbm>> -> memref<10000x16xf32, #tpu.memory_space<hbm>>
    tpu.enqueue_indirect_dma source(%dma_start3A_10 : memref<10000x16xf32, #tpu.memory_space<hbm>>) target(%arg8 : memref<2000x16xf32, #tpu.memory_space<vmem>>) offsets(%dma_start3A_7 : memref<2000xi32, #tpu.memory_space<vmem>>) semaphore(%arg11 : memref<!tpu.dma_semaphore, #tpu.memory_space<semaphore_mem>>)
    %scan3A = arith.constant 0 : i32
    %scan3A_11 = arith.constant 0 : i32
    %scan3A_12 = arith.constant 5 : i32
    %scan3A_13 = arith.addi %scan3A_11, %scan3A_12 : i32
    %scan3A_14 = arith.constant 1 : i32
    scf.for %scan3A_21 = %scan3A_11 to %scan3A_13 step %scan3A_14  : i32 {
      %jit3A = arith.constant 2 : i32
      %eq3A = arith.constant 0 : i32
      %eq3A_22 = arith.cmpi eq, %jit3A, %eq3A : i32
      %jit3A_23 = arith.constant 1 : i32
      %select_n3A = arith.select %eq3A_22, %jit3A_23, %jit3A : i32
      %rem3A = arith.remsi %scan3A_21, %select_n3A : i32
      %ne3A = arith.constant 0 : i32
      %ne3A_24 = arith.cmpi ne, %rem3A, %ne3A : i32
      %lt3A = arith.constant 0 : i32
      %lt3A_25 = arith.cmpi slt, %rem3A, %lt3A : i32
      %lt3A_26 = arith.constant 0 : i32
      %lt3A_27 = arith.cmpi slt, %select_n3A, %lt3A_26 : i32
      %ne3A_28 = arith.xori %lt3A_25, %lt3A_27 : i1
      %and3A = arith.andi %ne3A_28, %ne3A_24 : i1
      %add3A_29 = arith.addi %rem3A, %select_n3A : i32
      %select_n3A_30 = arith.select %and3A, %add3A_29, %rem3A : i32
      %eq3A_31 = arith.constant 0 : i32
      %eq3A_32 = arith.cmpi eq, %select_n3A_30, %eq3A_31 : i32
      %convert_element_type3A = arith.extui %eq3A_32 : i1 to i32
      %cond3A = arith.constant 0 : i32
      %cond3A_33 = arith.cmpi ne, %convert_element_type3A, %cond3A : i32
      scf.if %cond3A_33 {
        %ge3A = arith.constant 1 : i32
        %ge3A_55 = arith.cmpi sge, %scan3A_21, %ge3A : i32
        %convert_element_type3A_56 = arith.extui %ge3A_55 : i1 to i32
        %cond3A_57 = arith.constant 0 : i32
        %cond3A_58 = arith.cmpi ne, %convert_element_type3A_56, %cond3A_57 : i32
        scf.if %cond3A_58 {
          %sub3A = arith.constant 1 : i32
          %sub3A_78 = arith.subi %scan3A_21, %sub3A : i32
          %mul3A_79 = arith.constant 2000 : i32
          %mul3A_80 = arith.muli %sub3A_78, %mul3A_79 : i32
          %dma_wait3A_81 = tpu.memref_slice %arg7[%mul3A_80] : memref<10000xi32, #tpu.memory_space<vmem>> -> memref<2000xi32, #tpu.memory_space<vmem>>
          %dma_wait3A_82 = arith.constant 0 : i32
          %dma_wait3A_83 = arith.constant 0 : i32
          %dma_wait3A_84 = tpu.memref_slice %arg10[%dma_wait3A_82, %dma_wait3A_83] : memref<10240x16xf32, #tpu.memory_space<vmem_shared>> -> memref<10240x16xf32, #tpu.memory_space<vmem_shared>>
          tpu.wait_indirect_dma semaphore(%arg14 : memref<!tpu.dma_semaphore, #tpu.memory_space<semaphore_mem>>) src(%arg9 : memref<2000x16xf32, #tpu.memory_space<vmem>>) dst(%dma_wait3A_84 : memref<10240x16xf32, #tpu.memory_space<vmem_shared>>)
        } else {
        }
        %add3A_59 = arith.constant 1 : i32
        %add3A_60 = arith.addi %scan3A_21, %add3A_59 : i32
        %lt3A_61 = arith.constant 5 : i32
        %lt3A_62 = arith.cmpi slt, %add3A_60, %lt3A_61 : i32
        %convert_element_type3A_63 = arith.extui %lt3A_62 : i1 to i32
        %cond3A_64 = arith.constant 0 : i32
        %cond3A_65 = arith.cmpi ne, %convert_element_type3A_63, %cond3A_64 : i32
        scf.if %cond3A_65 {
          %add3A_78 = arith.constant 1 : i32
          %add3A_79 = arith.addi %scan3A_21, %add3A_78 : i32
          %mul3A_80 = arith.constant 2000 : i32
          %mul3A_81 = arith.muli %add3A_79, %mul3A_80 : i32
          %dma_start3A_82 = tpu.memref_slice %arg6[%mul3A_81] : memref<10000xi32, #tpu.memory_space<vmem>> -> memref<2000xi32, #tpu.memory_space<vmem>>
          %dma_start3A_83 = arith.constant 0 : i32
          %dma_start3A_84 = arith.constant 0 : i32
          %dma_start3A_85 = tpu.memref_slice %arg3[%dma_start3A_83, %dma_start3A_84] : memref<10000x16xf32, #tpu.memory_space<hbm>> -> memref<10000x16xf32, #tpu.memory_space<hbm>>
          tpu.enqueue_indirect_dma source(%dma_start3A_85 : memref<10000x16xf32, #tpu.memory_space<hbm>>) target(%arg9 : memref<2000x16xf32, #tpu.memory_space<vmem>>) offsets(%dma_start3A_82 : memref<2000xi32, #tpu.memory_space<vmem>>) semaphore(%arg12 : memref<!tpu.dma_semaphore, #tpu.memory_space<semaphore_mem>>)
        } else {
        }
        %mul3A_66 = arith.constant 2000 : i32
        %mul3A_67 = arith.muli %scan3A_21, %mul3A_66 : i32
        %dma_wait3A_68 = tpu.memref_slice %arg6[%mul3A_67] : memref<10000xi32, #tpu.memory_space<vmem>> -> memref<2000xi32, #tpu.memory_space<vmem>>
        %dma_wait3A_69 = arith.constant 0 : i32
        %dma_wait3A_70 = arith.constant 0 : i32
        %dma_wait3A_71 = tpu.memref_slice %arg3[%dma_wait3A_69, %dma_wait3A_70] : memref<10000x16xf32, #tpu.memory_space<hbm>> -> memref<10000x16xf32, #tpu.memory_space<hbm>>
        tpu.wait_indirect_dma semaphore(%arg11 : memref<!tpu.dma_semaphore, #tpu.memory_space<semaphore_mem>>) src(%dma_wait3A_71 : memref<10000x16xf32, #tpu.memory_space<hbm>>) dst(%arg8 : memref<2000x16xf32, #tpu.memory_space<vmem>>)
        %mul3A_72 = arith.constant 2000 : i32
        %mul3A_73 = arith.muli %scan3A_21, %mul3A_72 : i32
        %dma_start3A_74 = tpu.memref_slice %arg7[%mul3A_73] : memref<10000xi32, #tpu.memory_space<vmem>> -> memref<2000xi32, #tpu.memory_space<vmem>>
        %dma_start3A_75 = arith.constant 0 : i32
        %dma_start3A_76 = arith.constant 0 : i32
        %dma_start3A_77 = tpu.memref_slice %arg10[%dma_start3A_75, %dma_start3A_76] : memref<10240x16xf32, #tpu.memory_space<vmem_shared>> -> memref<10240x16xf32, #tpu.memory_space<vmem_shared>>
        tpu.enqueue_indirect_dma source(%arg8 : memref<2000x16xf32, #tpu.memory_space<vmem>>) target(%dma_start3A_77 : memref<10240x16xf32, #tpu.memory_space<vmem_shared>>) offsets(%dma_start3A_74 : memref<2000xi32, #tpu.memory_space<vmem>>) semaphore(%arg13 : memref<!tpu.dma_semaphore, #tpu.memory_space<semaphore_mem>>) {add = true}
      } else {
      }
      %jit3A_34 = arith.constant 2 : i32
      %eq3A_35 = arith.constant 0 : i32
      %eq3A_36 = arith.cmpi eq, %jit3A_34, %eq3A_35 : i32
      %jit3A_37 = arith.constant 1 : i32
      %select_n3A_38 = arith.select %eq3A_36, %jit3A_37, %jit3A_34 : i32
      %rem3A_39 = arith.remsi %scan3A_21, %select_n3A_38 : i32
      %ne3A_40 = arith.constant 0 : i32
      %ne3A_41 = arith.cmpi ne, %rem3A_39, %ne3A_40 : i32
      %lt3A_42 = arith.constant 0 : i32
      %lt3A_43 = arith.cmpi slt, %rem3A_39, %lt3A_42 : i32
      %lt3A_44 = arith.constant 0 : i32
      %lt3A_45 = arith.cmpi slt, %select_n3A_38, %lt3A_44 : i32
      %ne3A_46 = arith.xori %lt3A_43, %lt3A_45 : i1
      %and3A_47 = arith.andi %ne3A_46, %ne3A_41 : i1
      %add3A_48 = arith.addi %rem3A_39, %select_n3A_38 : i32
      %select_n3A_49 = arith.select %and3A_47, %add3A_48, %rem3A_39 : i32
      %eq3A_50 = arith.constant 1 : i32
      %eq3A_51 = arith.cmpi eq, %select_n3A_49, %eq3A_50 : i32
      %convert_element_type3A_52 = arith.extui %eq3A_51 : i1 to i32
      %cond3A_53 = arith.constant 0 : i32
      %cond3A_54 = arith.cmpi ne, %convert_element_type3A_52, %cond3A_53 : i32
      scf.if %cond3A_54 {
        %ge3A = arith.constant 1 : i32
        %ge3A_55 = arith.cmpi sge, %scan3A_21, %ge3A : i32
        %convert_element_type3A_56 = arith.extui %ge3A_55 : i1 to i32
        %cond3A_57 = arith.constant 0 : i32
        %cond3A_58 = arith.cmpi ne, %convert_element_type3A_56, %cond3A_57 : i32
        scf.if %cond3A_58 {
          %sub3A = arith.constant 1 : i32
          %sub3A_78 = arith.subi %scan3A_21, %sub3A : i32
          %mul3A_79 = arith.constant 2000 : i32
          %mul3A_80 = arith.muli %sub3A_78, %mul3A_79 : i32
          %dma_wait3A_81 = tpu.memref_slice %arg7[%mul3A_80] : memref<10000xi32, #tpu.memory_space<vmem>> -> memref<2000xi32, #tpu.memory_space<vmem>>
          %dma_wait3A_82 = arith.constant 0 : i32
          %dma_wait3A_83 = arith.constant 0 : i32
          %dma_wait3A_84 = tpu.memref_slice %arg10[%dma_wait3A_82, %dma_wait3A_83] : memref<10240x16xf32, #tpu.memory_space<vmem_shared>> -> memref<10240x16xf32, #tpu.memory_space<vmem_shared>>
          tpu.wait_indirect_dma semaphore(%arg13 : memref<!tpu.dma_semaphore, #tpu.memory_space<semaphore_mem>>) src(%arg8 : memref<2000x16xf32, #tpu.memory_space<vmem>>) dst(%dma_wait3A_84 : memref<10240x16xf32, #tpu.memory_space<vmem_shared>>)
        } else {
        }
        %add3A_59 = arith.constant 1 : i32
        %add3A_60 = arith.addi %scan3A_21, %add3A_59 : i32
        %lt3A_61 = arith.constant 5 : i32
        %lt3A_62 = arith.cmpi slt, %add3A_60, %lt3A_61 : i32
        %convert_element_type3A_63 = arith.extui %lt3A_62 : i1 to i32
        %cond3A_64 = arith.constant 0 : i32
        %cond3A_65 = arith.cmpi ne, %convert_element_type3A_63, %cond3A_64 : i32
        scf.if %cond3A_65 {
          %add3A_78 = arith.constant 1 : i32
          %add3A_79 = arith.addi %scan3A_21, %add3A_78 : i32
          %mul3A_80 = arith.constant 2000 : i32
          %mul3A_81 = arith.muli %add3A_79, %mul3A_80 : i32
          %dma_start3A_82 = tpu.memref_slice %arg6[%mul3A_81] : memref<10000xi32, #tpu.memory_space<vmem>> -> memref<2000xi32, #tpu.memory_space<vmem>>
          %dma_start3A_83 = arith.constant 0 : i32
          %dma_start3A_84 = arith.constant 0 : i32
          %dma_start3A_85 = tpu.memref_slice %arg3[%dma_start3A_83, %dma_start3A_84] : memref<10000x16xf32, #tpu.memory_space<hbm>> -> memref<10000x16xf32, #tpu.memory_space<hbm>>
          tpu.enqueue_indirect_dma source(%dma_start3A_85 : memref<10000x16xf32, #tpu.memory_space<hbm>>) target(%arg8 : memref<2000x16xf32, #tpu.memory_space<vmem>>) offsets(%dma_start3A_82 : memref<2000xi32, #tpu.memory_space<vmem>>) semaphore(%arg11 : memref<!tpu.dma_semaphore, #tpu.memory_space<semaphore_mem>>)
        } else {
        }
        %mul3A_66 = arith.constant 2000 : i32
        %mul3A_67 = arith.muli %scan3A_21, %mul3A_66 : i32
        %dma_wait3A_68 = tpu.memref_slice %arg6[%mul3A_67] : memref<10000xi32, #tpu.memory_space<vmem>> -> memref<2000xi32, #tpu.memory_space<vmem>>
        %dma_wait3A_69 = arith.constant 0 : i32
        %dma_wait3A_70 = arith.constant 0 : i32
        %dma_wait3A_71 = tpu.memref_slice %arg3[%dma_wait3A_69, %dma_wait3A_70] : memref<10000x16xf32, #tpu.memory_space<hbm>> -> memref<10000x16xf32, #tpu.memory_space<hbm>>
        tpu.wait_indirect_dma semaphore(%arg12 : memref<!tpu.dma_semaphore, #tpu.memory_space<semaphore_mem>>) src(%dma_wait3A_71 : memref<10000x16xf32, #tpu.memory_space<hbm>>) dst(%arg9 : memref<2000x16xf32, #tpu.memory_space<vmem>>)
        %mul3A_72 = arith.constant 2000 : i32
        %mul3A_73 = arith.muli %scan3A_21, %mul3A_72 : i32
        %dma_start3A_74 = tpu.memref_slice %arg7[%mul3A_73] : memref<10000xi32, #tpu.memory_space<vmem>> -> memref<2000xi32, #tpu.memory_space<vmem>>
        %dma_start3A_75 = arith.constant 0 : i32
        %dma_start3A_76 = arith.constant 0 : i32
        %dma_start3A_77 = tpu.memref_slice %arg10[%dma_start3A_75, %dma_start3A_76] : memref<10240x16xf32, #tpu.memory_space<vmem_shared>> -> memref<10240x16xf32, #tpu.memory_space<vmem_shared>>
        tpu.enqueue_indirect_dma source(%arg9 : memref<2000x16xf32, #tpu.memory_space<vmem>>) target(%dma_start3A_77 : memref<10240x16xf32, #tpu.memory_space<vmem_shared>>) offsets(%dma_start3A_74 : memref<2000xi32, #tpu.memory_space<vmem>>) semaphore(%arg14 : memref<!tpu.dma_semaphore, #tpu.memory_space<semaphore_mem>>) {add = true}
      } else {
      }
    }
    %scan3A_15 = arith.constant 5 : i32
    %dma_wait3A = arith.constant 8000 : i32
    %dma_wait3A_16 = tpu.memref_slice %arg7[%dma_wait3A] : memref<10000xi32, #tpu.memory_space<vmem>> -> memref<2000xi32, #tpu.memory_space<vmem>>
    %dma_wait3A_17 = arith.constant 0 : i32
    %dma_wait3A_18 = arith.constant 0 : i32
    %dma_wait3A_19 = tpu.memref_slice %arg10[%dma_wait3A_17, %dma_wait3A_18] : memref<10240x16xf32, #tpu.memory_space<vmem_shared>> -> memref<10240x16xf32, #tpu.memory_space<vmem_shared>>
    tpu.wait_indirect_dma semaphore(%arg13 : memref<!tpu.dma_semaphore, #tpu.memory_space<semaphore_mem>>) src(%arg8 : memref<2000x16xf32, #tpu.memory_space<vmem>>) dst(%dma_wait3A_19 : memref<10240x16xf32, #tpu.memory_space<vmem_shared>>)
    %barrier3A_20 = arith.constant 0 : index
    tpu.barrier barrier_id(%barrier3A_20)
    "tpu.region"() ({
      %run_scoped3A = tpu.sem_alloc : memref<!tpu.dma_semaphore, #tpu.memory_space<semaphore_mem>>
      %dma_start3A_21 = arith.constant 0 : i32
      %dma_start3A_22 = tpu.memref_slice %arg5[%arg0, %mul3A_6, %dma_start3A_21] : memref<2x10240x16xf32, #tpu.memory_space<hbm>> -> memref<1x640x16xf32, #tpu.memory_space<hbm>>
      %dma_start3A_23 = tpu.memref_squeeze %dma_start3A_22 : memref<1x640x16xf32, #tpu.memory_space<hbm>> -> memref<640x16xf32, #tpu.memory_space<hbm>>
      %dma_start3A_24 = arith.constant 0 : i32
      %dma_start3A_25 = tpu.memref_slice %arg10[%mul3A_6, %dma_start3A_24] : memref<10240x16xf32, #tpu.memory_space<vmem_shared>> -> memref<640x16xf32, #tpu.memory_space<vmem_shared>>
      tpu.enqueue_dma source(%dma_start3A_25 : memref<640x16xf32, #tpu.memory_space<vmem_shared>>) target(%dma_start3A_23 : memref<640x16xf32, #tpu.memory_space<hbm>>) target_semaphore(%run_scoped3A : memref<!tpu.dma_semaphore, #tpu.memory_space<semaphore_mem>>)
      %dma_wait3A_26 = arith.constant 0 : i32
      %dma_wait3A_27 = tpu.memref_slice %arg5[%arg0, %mul3A_6, %dma_wait3A_26] : memref<2x10240x16xf32, #tpu.memory_space<hbm>> -> memref<1x640x16xf32, #tpu.memory_space<hbm>>
      %dma_wait3A_28 = tpu.memref_squeeze %dma_wait3A_27 : memref<1x640x16xf32, #tpu.memory_space<hbm>> -> memref<640x16xf32, #tpu.memory_space<hbm>>
      %dma_wait3A_29 = arith.constant 0 : i32
      %dma_wait3A_30 = tpu.memref_slice %arg10[%mul3A_6, %dma_wait3A_29] : memref<10240x16xf32, #tpu.memory_space<vmem_shared>> -> memref<640x16xf32, #tpu.memory_space<vmem_shared>>
      tpu.wait_dma2 semaphore(%run_scoped3A : memref<!tpu.dma_semaphore, #tpu.memory_space<semaphore_mem>>) src(%dma_wait3A_30 : memref<640x16xf32, #tpu.memory_space<vmem_shared>>) dst(%dma_wait3A_28 : memref<640x16xf32, #tpu.memory_space<hbm>>)
      tpu.yield
    }) : () -> ()
    return
  }
}

#map = affine_map<(d0, d1) -> (0)>
#map1 = affine_map<(d0, d1) -> (0, 0)>
#map2 = affine_map<(d0, d1) -> (0, 0, 0)>
module attributes {stable_mosaic.version = 14 : i64} {
  func.func @body(%arg0: i32, %arg1: i32, %arg2: memref<640000xi32, #tpu.memory_space<hbm>>, %arg3: memref<10000x32xf32, #tpu.memory_space<hbm>>, %arg4: memref<10240x32xf32, #tpu.memory_space<hbm>>, %arg5: memref<2x10240x32xf32, #tpu.memory_space<hbm>>, %arg6: memref<10000xi32, #tpu.memory_space<vmem>>, %arg7: memref<10000xi32, #tpu.memory_space<vmem>>, %arg8: memref<1000x32xf32, #tpu.memory_space<vmem>>, %arg9: memref<1000x32xf32, #tpu.memory_space<vmem>>, %arg10: memref<10240x32xf32, #tpu.memory_space<vmem_shared>>, %arg11: memref<!tpu.dma_semaphore, #tpu.memory_space<semaphore_mem>>, %arg12: memref<!tpu.dma_semaphore, #tpu.memory_space<semaphore_mem>>, %arg13: memref<!tpu.dma_semaphore, #tpu.memory_space<semaphore_mem>>, %arg14: memref<!tpu.dma_semaphore, #tpu.memory_space<semaphore_mem>>) attributes {dimension_semantics = [#tpu.dimension_semantics<core_parallel>, #tpu.dimension_semantics<subcore_parallel>], iteration_bounds = array<i64: 2, 16>, scalar_prefetch = 0 : i64, scratch_operands = 9 : i64, tpu.core_type = #tpu.core_type<sc_vector_subcore>, window_params = [{transform_indices = #map}, {transform_indices = #map1}, {transform_indices = #map1}, {transform_indices = #map2}]} {
    %mul3A = arith.constant 2 : i32
    %mul3A_0 = arith.muli %arg1, %mul3A : i32
    %add3A = arith.addi %mul3A_0, %arg0 : i32
    %mul3A_1 = arith.constant 10000 : i32
    %mul3A_2 = arith.muli %add3A, %mul3A_1 : i32
    "tpu.region"() ({
      %run_scoped3A = tpu.sem_alloc : memref<!tpu.dma_semaphore, #tpu.memory_space<semaphore_mem>>
      %dma_start3A_21 = tpu.memref_slice %arg2[%mul3A_2] : memref<640000xi32, #tpu.memory_space<hbm>> -> memref<10000xi32, #tpu.memory_space<hbm>>
      %dma_start3A_22 = tpu.memref_slice %arg2[%mul3A_2] : memref<640000xi32, #tpu.memory_space<hbm>> -> memref<10000xi32, #tpu.memory_space<hbm>>
      tpu.enqueue_dma source(%dma_start3A_22 : memref<10000xi32, #tpu.memory_space<hbm>>) target(%arg6 : memref<10000xi32, #tpu.memory_space<vmem>>) target_semaphore(%run_scoped3A : memref<!tpu.dma_semaphore, #tpu.memory_space<semaphore_mem>>)
      %dma_wait3A_23 = tpu.memref_slice %arg2[%mul3A_2] : memref<640000xi32, #tpu.memory_space<hbm>> -> memref<10000xi32, #tpu.memory_space<hbm>>
      %dma_wait3A_24 = tpu.memref_slice %arg2[%mul3A_2] : memref<640000xi32, #tpu.memory_space<hbm>> -> memref<10000xi32, #tpu.memory_space<hbm>>
      tpu.wait_dma2 semaphore(%run_scoped3A : memref<!tpu.dma_semaphore, #tpu.memory_space<semaphore_mem>>) src(%dma_wait3A_24 : memref<10000xi32, #tpu.memory_space<hbm>>) dst(%arg6 : memref<10000xi32, #tpu.memory_space<vmem>>)
      tpu.yield
    }) : () -> ()
    %add3A_3 = arith.constant 320000 : i32
    %add3A_4 = arith.addi %add3A_3, %mul3A_2 : i32
    "tpu.region"() ({
      %run_scoped3A = tpu.sem_alloc : memref<!tpu.dma_semaphore, #tpu.memory_space<semaphore_mem>>
      %dma_start3A_21 = tpu.memref_slice %arg2[%add3A_4] : memref<640000xi32, #tpu.memory_space<hbm>> -> memref<10000xi32, #tpu.memory_space<hbm>>
      %dma_start3A_22 = tpu.memref_slice %arg2[%add3A_4] : memref<640000xi32, #tpu.memory_space<hbm>> -> memref<10000xi32, #tpu.memory_space<hbm>>
      tpu.enqueue_dma source(%dma_start3A_22 : memref<10000xi32, #tpu.memory_space<hbm>>) target(%arg7 : memref<10000xi32, #tpu.memory_space<vmem>>) target_semaphore(%run_scoped3A : memref<!tpu.dma_semaphore, #tpu.memory_space<semaphore_mem>>)
      %dma_wait3A_23 = tpu.memref_slice %arg2[%add3A_4] : memref<640000xi32, #tpu.memory_space<hbm>> -> memref<10000xi32, #tpu.memory_space<hbm>>
      %dma_wait3A_24 = tpu.memref_slice %arg2[%add3A_4] : memref<640000xi32, #tpu.memory_space<hbm>> -> memref<10000xi32, #tpu.memory_space<hbm>>
      tpu.wait_dma2 semaphore(%run_scoped3A : memref<!tpu.dma_semaphore, #tpu.memory_space<semaphore_mem>>) src(%dma_wait3A_24 : memref<10000xi32, #tpu.memory_space<hbm>>) dst(%arg7 : memref<10000xi32, #tpu.memory_space<vmem>>)
      tpu.yield
    }) : () -> ()
    %mul3A_5 = arith.constant 640 : i32
    %mul3A_6 = arith.muli %arg1, %mul3A_5 : i32
    "tpu.region"() ({
      %run_scoped3A = tpu.sem_alloc : memref<!tpu.dma_semaphore, #tpu.memory_space<semaphore_mem>>
      %dma_start3A_21 = arith.constant 0 : i32
      %dma_start3A_22 = tpu.memref_slice %arg10[%mul3A_6, %dma_start3A_21] : memref<10240x32xf32, #tpu.memory_space<vmem_shared>> -> memref<640x32xf32, #tpu.memory_space<vmem_shared>>
      %dma_start3A_23 = arith.constant 0 : i32
      %dma_start3A_24 = tpu.memref_slice %arg4[%mul3A_6, %dma_start3A_23] : memref<10240x32xf32, #tpu.memory_space<hbm>> -> memref<640x32xf32, #tpu.memory_space<hbm>>
      tpu.enqueue_dma source(%dma_start3A_24 : memref<640x32xf32, #tpu.memory_space<hbm>>) target(%dma_start3A_22 : memref<640x32xf32, #tpu.memory_space<vmem_shared>>) target_semaphore(%run_scoped3A : memref<!tpu.dma_semaphore, #tpu.memory_space<semaphore_mem>>)
      %dma_wait3A_25 = arith.constant 0 : i32
      %dma_wait3A_26 = tpu.memref_slice %arg10[%mul3A_6, %dma_wait3A_25] : memref<10240x32xf32, #tpu.memory_space<vmem_shared>> -> memref<640x32xf32, #tpu.memory_space<vmem_shared>>
      %dma_wait3A_27 = arith.constant 0 : i32
      %dma_wait3A_28 = tpu.memref_slice %arg4[%mul3A_6, %dma_wait3A_27] : memref<10240x32xf32, #tpu.memory_space<hbm>> -> memref<640x32xf32, #tpu.memory_space<hbm>>
      tpu.wait_dma2 semaphore(%run_scoped3A : memref<!tpu.dma_semaphore, #tpu.memory_space<semaphore_mem>>) src(%dma_wait3A_28 : memref<640x32xf32, #tpu.memory_space<hbm>>) dst(%dma_wait3A_26 : memref<640x32xf32, #tpu.memory_space<vmem_shared>>)
      tpu.yield
    }) : () -> ()
    %barrier3A = arith.constant 0 : index
    tpu.barrier barrier_id(%barrier3A)
    %dma_start3A = arith.constant 0 : i32
    %dma_start3A_7 = tpu.memref_slice %arg6[%dma_start3A] : memref<10000xi32, #tpu.memory_space<vmem>> -> memref<1000xi32, #tpu.memory_space<vmem>>
    %dma_start3A_8 = arith.constant 0 : i32
    %dma_start3A_9 = arith.constant 0 : i32
    %dma_start3A_10 = tpu.memref_slice %arg3[%dma_start3A_8, %dma_start3A_9] : memref<10000x32xf32, #tpu.memory_space<hbm>> -> memref<10000x32xf32, #tpu.memory_space<hbm>>
    tpu.enqueue_indirect_dma source(%dma_start3A_10 : memref<10000x32xf32, #tpu.memory_space<hbm>>) target(%arg8 : memref<1000x32xf32, #tpu.memory_space<vmem>>) offsets(%dma_start3A_7 : memref<1000xi32, #tpu.memory_space<vmem>>) semaphore(%arg11 : memref<!tpu.dma_semaphore, #tpu.memory_space<semaphore_mem>>)
    %scan3A = arith.constant 0 : i32
    %scan3A_11 = arith.constant 0 : i32
    %scan3A_12 = arith.constant 10 : i32
    %scan3A_13 = arith.addi %scan3A_11, %scan3A_12 : i32
    %scan3A_14 = arith.constant 1 : i32
    scf.for %scan3A_21 = %scan3A_11 to %scan3A_13 step %scan3A_14  : i32 {
      %jit3A = arith.constant 2 : i32
      %eq3A = arith.constant 0 : i32
      %eq3A_22 = arith.cmpi eq, %jit3A, %eq3A : i32
      %jit3A_23 = arith.constant 1 : i32
      %select_n3A = arith.select %eq3A_22, %jit3A_23, %jit3A : i32
      %rem3A = arith.remsi %scan3A_21, %select_n3A : i32
      %ne3A = arith.constant 0 : i32
      %ne3A_24 = arith.cmpi ne, %rem3A, %ne3A : i32
      %lt3A = arith.constant 0 : i32
      %lt3A_25 = arith.cmpi slt, %rem3A, %lt3A : i32
      %lt3A_26 = arith.constant 0 : i32
      %lt3A_27 = arith.cmpi slt, %select_n3A, %lt3A_26 : i32
      %ne3A_28 = arith.xori %lt3A_25, %lt3A_27 : i1
      %and3A = arith.andi %ne3A_28, %ne3A_24 : i1
      %add3A_29 = arith.addi %rem3A, %select_n3A : i32
      %select_n3A_30 = arith.select %and3A, %add3A_29, %rem3A : i32
      %eq3A_31 = arith.constant 0 : i32
      %eq3A_32 = arith.cmpi eq, %select_n3A_30, %eq3A_31 : i32
      %convert_element_type3A = arith.extui %eq3A_32 : i1 to i32
      %cond3A = arith.constant 0 : i32
      %cond3A_33 = arith.cmpi ne, %convert_element_type3A, %cond3A : i32
      scf.if %cond3A_33 {
        %ge3A = arith.constant 1 : i32
        %ge3A_55 = arith.cmpi sge, %scan3A_21, %ge3A : i32
        %convert_element_type3A_56 = arith.extui %ge3A_55 : i1 to i32
        %cond3A_57 = arith.constant 0 : i32
        %cond3A_58 = arith.cmpi ne, %convert_element_type3A_56, %cond3A_57 : i32
        scf.if %cond3A_58 {
          %sub3A = arith.constant 1 : i32
          %sub3A_78 = arith.subi %scan3A_21, %sub3A : i32
          %mul3A_79 = arith.constant 1000 : i32
          %mul3A_80 = arith.muli %sub3A_78, %mul3A_79 : i32
          %dma_wait3A_81 = tpu.memref_slice %arg7[%mul3A_80] : memref<10000xi32, #tpu.memory_space<vmem>> -> memref<1000xi32, #tpu.memory_space<vmem>>
          %dma_wait3A_82 = arith.constant 0 : i32
          %dma_wait3A_83 = arith.constant 0 : i32
          %dma_wait3A_84 = tpu.memref_slice %arg10[%dma_wait3A_82, %dma_wait3A_83] : memref<10240x32xf32, #tpu.memory_space<vmem_shared>> -> memref<10240x32xf32, #tpu.memory_space<vmem_shared>>
          tpu.wait_indirect_dma semaphore(%arg14 : memref<!tpu.dma_semaphore, #tpu.memory_space<semaphore_mem>>) src(%arg9 : memref<1000x32xf32, #tpu.memory_space<vmem>>) dst(%dma_wait3A_84 : memref<10240x32xf32, #tpu.memory_space<vmem_shared>>)
        } else {
        }
        %add3A_59 = arith.constant 1 : i32
        %add3A_60 = arith.addi %scan3A_21, %add3A_59 : i32
        %lt3A_61 = arith.constant 10 : i32
        %lt3A_62 = arith.cmpi slt, %add3A_60, %lt3A_61 : i32
        %convert_element_type3A_63 = arith.extui %lt3A_62 : i1 to i32
        %cond3A_64 = arith.constant 0 : i32
        %cond3A_65 = arith.cmpi ne, %convert_element_type3A_63, %cond3A_64 : i32
        scf.if %cond3A_65 {
          %add3A_78 = arith.constant 1 : i32
          %add3A_79 = arith.addi %scan3A_21, %add3A_78 : i32
          %mul3A_80 = arith.constant 1000 : i32
          %mul3A_81 = arith.muli %add3A_79, %mul3A_80 : i32
          %dma_start3A_82 = tpu.memref_slice %arg6[%mul3A_81] : memref<10000xi32, #tpu.memory_space<vmem>> -> memref<1000xi32, #tpu.memory_space<vmem>>
          %dma_start3A_83 = arith.constant 0 : i32
          %dma_start3A_84 = arith.constant 0 : i32
          %dma_start3A_85 = tpu.memref_slice %arg3[%dma_start3A_83, %dma_start3A_84] : memref<10000x32xf32, #tpu.memory_space<hbm>> -> memref<10000x32xf32, #tpu.memory_space<hbm>>
          tpu.enqueue_indirect_dma source(%dma_start3A_85 : memref<10000x32xf32, #tpu.memory_space<hbm>>) target(%arg9 : memref<1000x32xf32, #tpu.memory_space<vmem>>) offsets(%dma_start3A_82 : memref<1000xi32, #tpu.memory_space<vmem>>) semaphore(%arg12 : memref<!tpu.dma_semaphore, #tpu.memory_space<semaphore_mem>>)
        } else {
        }
        %mul3A_66 = arith.constant 1000 : i32
        %mul3A_67 = arith.muli %scan3A_21, %mul3A_66 : i32
        %dma_wait3A_68 = tpu.memref_slice %arg6[%mul3A_67] : memref<10000xi32, #tpu.memory_space<vmem>> -> memref<1000xi32, #tpu.memory_space<vmem>>
        %dma_wait3A_69 = arith.constant 0 : i32
        %dma_wait3A_70 = arith.constant 0 : i32
        %dma_wait3A_71 = tpu.memref_slice %arg3[%dma_wait3A_69, %dma_wait3A_70] : memref<10000x32xf32, #tpu.memory_space<hbm>> -> memref<10000x32xf32, #tpu.memory_space<hbm>>
        tpu.wait_indirect_dma semaphore(%arg11 : memref<!tpu.dma_semaphore, #tpu.memory_space<semaphore_mem>>) src(%dma_wait3A_71 : memref<10000x32xf32, #tpu.memory_space<hbm>>) dst(%arg8 : memref<1000x32xf32, #tpu.memory_space<vmem>>)
        %mul3A_72 = arith.constant 1000 : i32
        %mul3A_73 = arith.muli %scan3A_21, %mul3A_72 : i32
        %dma_start3A_74 = tpu.memref_slice %arg7[%mul3A_73] : memref<10000xi32, #tpu.memory_space<vmem>> -> memref<1000xi32, #tpu.memory_space<vmem>>
        %dma_start3A_75 = arith.constant 0 : i32
        %dma_start3A_76 = arith.constant 0 : i32
        %dma_start3A_77 = tpu.memref_slice %arg10[%dma_start3A_75, %dma_start3A_76] : memref<10240x32xf32, #tpu.memory_space<vmem_shared>> -> memref<10240x32xf32, #tpu.memory_space<vmem_shared>>
        tpu.enqueue_indirect_dma source(%arg8 : memref<1000x32xf32, #tpu.memory_space<vmem>>) target(%dma_start3A_77 : memref<10240x32xf32, #tpu.memory_space<vmem_shared>>) offsets(%dma_start3A_74 : memref<1000xi32, #tpu.memory_space<vmem>>) semaphore(%arg13 : memref<!tpu.dma_semaphore, #tpu.memory_space<semaphore_mem>>) {add = true}
      } else {
      }
      %jit3A_34 = arith.constant 2 : i32
      %eq3A_35 = arith.constant 0 : i32
      %eq3A_36 = arith.cmpi eq, %jit3A_34, %eq3A_35 : i32
      %jit3A_37 = arith.constant 1 : i32
      %select_n3A_38 = arith.select %eq3A_36, %jit3A_37, %jit3A_34 : i32
      %rem3A_39 = arith.remsi %scan3A_21, %select_n3A_38 : i32
      %ne3A_40 = arith.constant 0 : i32
      %ne3A_41 = arith.cmpi ne, %rem3A_39, %ne3A_40 : i32
      %lt3A_42 = arith.constant 0 : i32
      %lt3A_43 = arith.cmpi slt, %rem3A_39, %lt3A_42 : i32
      %lt3A_44 = arith.constant 0 : i32
      %lt3A_45 = arith.cmpi slt, %select_n3A_38, %lt3A_44 : i32
      %ne3A_46 = arith.xori %lt3A_43, %lt3A_45 : i1
      %and3A_47 = arith.andi %ne3A_46, %ne3A_41 : i1
      %add3A_48 = arith.addi %rem3A_39, %select_n3A_38 : i32
      %select_n3A_49 = arith.select %and3A_47, %add3A_48, %rem3A_39 : i32
      %eq3A_50 = arith.constant 1 : i32
      %eq3A_51 = arith.cmpi eq, %select_n3A_49, %eq3A_50 : i32
      %convert_element_type3A_52 = arith.extui %eq3A_51 : i1 to i32
      %cond3A_53 = arith.constant 0 : i32
      %cond3A_54 = arith.cmpi ne, %convert_element_type3A_52, %cond3A_53 : i32
      scf.if %cond3A_54 {
        %ge3A = arith.constant 1 : i32
        %ge3A_55 = arith.cmpi sge, %scan3A_21, %ge3A : i32
        %convert_element_type3A_56 = arith.extui %ge3A_55 : i1 to i32
        %cond3A_57 = arith.constant 0 : i32
        %cond3A_58 = arith.cmpi ne, %convert_element_type3A_56, %cond3A_57 : i32
        scf.if %cond3A_58 {
          %sub3A = arith.constant 1 : i32
          %sub3A_78 = arith.subi %scan3A_21, %sub3A : i32
          %mul3A_79 = arith.constant 1000 : i32
          %mul3A_80 = arith.muli %sub3A_78, %mul3A_79 : i32
          %dma_wait3A_81 = tpu.memref_slice %arg7[%mul3A_80] : memref<10000xi32, #tpu.memory_space<vmem>> -> memref<1000xi32, #tpu.memory_space<vmem>>
          %dma_wait3A_82 = arith.constant 0 : i32
          %dma_wait3A_83 = arith.constant 0 : i32
          %dma_wait3A_84 = tpu.memref_slice %arg10[%dma_wait3A_82, %dma_wait3A_83] : memref<10240x32xf32, #tpu.memory_space<vmem_shared>> -> memref<10240x32xf32, #tpu.memory_space<vmem_shared>>
          tpu.wait_indirect_dma semaphore(%arg13 : memref<!tpu.dma_semaphore, #tpu.memory_space<semaphore_mem>>) src(%arg8 : memref<1000x32xf32, #tpu.memory_space<vmem>>) dst(%dma_wait3A_84 : memref<10240x32xf32, #tpu.memory_space<vmem_shared>>)
        } else {
        }
        %add3A_59 = arith.constant 1 : i32
        %add3A_60 = arith.addi %scan3A_21, %add3A_59 : i32
        %lt3A_61 = arith.constant 10 : i32
        %lt3A_62 = arith.cmpi slt, %add3A_60, %lt3A_61 : i32
        %convert_element_type3A_63 = arith.extui %lt3A_62 : i1 to i32
        %cond3A_64 = arith.constant 0 : i32
        %cond3A_65 = arith.cmpi ne, %convert_element_type3A_63, %cond3A_64 : i32
        scf.if %cond3A_65 {
          %add3A_78 = arith.constant 1 : i32
          %add3A_79 = arith.addi %scan3A_21, %add3A_78 : i32
          %mul3A_80 = arith.constant 1000 : i32
          %mul3A_81 = arith.muli %add3A_79, %mul3A_80 : i32
          %dma_start3A_82 = tpu.memref_slice %arg6[%mul3A_81] : memref<10000xi32, #tpu.memory_space<vmem>> -> memref<1000xi32, #tpu.memory_space<vmem>>
          %dma_start3A_83 = arith.constant 0 : i32
          %dma_start3A_84 = arith.constant 0 : i32
          %dma_start3A_85 = tpu.memref_slice %arg3[%dma_start3A_83, %dma_start3A_84] : memref<10000x32xf32, #tpu.memory_space<hbm>> -> memref<10000x32xf32, #tpu.memory_space<hbm>>
          tpu.enqueue_indirect_dma source(%dma_start3A_85 : memref<10000x32xf32, #tpu.memory_space<hbm>>) target(%arg8 : memref<1000x32xf32, #tpu.memory_space<vmem>>) offsets(%dma_start3A_82 : memref<1000xi32, #tpu.memory_space<vmem>>) semaphore(%arg11 : memref<!tpu.dma_semaphore, #tpu.memory_space<semaphore_mem>>)
        } else {
        }
        %mul3A_66 = arith.constant 1000 : i32
        %mul3A_67 = arith.muli %scan3A_21, %mul3A_66 : i32
        %dma_wait3A_68 = tpu.memref_slice %arg6[%mul3A_67] : memref<10000xi32, #tpu.memory_space<vmem>> -> memref<1000xi32, #tpu.memory_space<vmem>>
        %dma_wait3A_69 = arith.constant 0 : i32
        %dma_wait3A_70 = arith.constant 0 : i32
        %dma_wait3A_71 = tpu.memref_slice %arg3[%dma_wait3A_69, %dma_wait3A_70] : memref<10000x32xf32, #tpu.memory_space<hbm>> -> memref<10000x32xf32, #tpu.memory_space<hbm>>
        tpu.wait_indirect_dma semaphore(%arg12 : memref<!tpu.dma_semaphore, #tpu.memory_space<semaphore_mem>>) src(%dma_wait3A_71 : memref<10000x32xf32, #tpu.memory_space<hbm>>) dst(%arg9 : memref<1000x32xf32, #tpu.memory_space<vmem>>)
        %mul3A_72 = arith.constant 1000 : i32
        %mul3A_73 = arith.muli %scan3A_21, %mul3A_72 : i32
        %dma_start3A_74 = tpu.memref_slice %arg7[%mul3A_73] : memref<10000xi32, #tpu.memory_space<vmem>> -> memref<1000xi32, #tpu.memory_space<vmem>>
        %dma_start3A_75 = arith.constant 0 : i32
        %dma_start3A_76 = arith.constant 0 : i32
        %dma_start3A_77 = tpu.memref_slice %arg10[%dma_start3A_75, %dma_start3A_76] : memref<10240x32xf32, #tpu.memory_space<vmem_shared>> -> memref<10240x32xf32, #tpu.memory_space<vmem_shared>>
        tpu.enqueue_indirect_dma source(%arg9 : memref<1000x32xf32, #tpu.memory_space<vmem>>) target(%dma_start3A_77 : memref<10240x32xf32, #tpu.memory_space<vmem_shared>>) offsets(%dma_start3A_74 : memref<1000xi32, #tpu.memory_space<vmem>>) semaphore(%arg14 : memref<!tpu.dma_semaphore, #tpu.memory_space<semaphore_mem>>) {add = true}
      } else {
      }
    }
    %scan3A_15 = arith.constant 10 : i32
    %dma_wait3A = arith.constant 9000 : i32
    %dma_wait3A_16 = tpu.memref_slice %arg7[%dma_wait3A] : memref<10000xi32, #tpu.memory_space<vmem>> -> memref<1000xi32, #tpu.memory_space<vmem>>
    %dma_wait3A_17 = arith.constant 0 : i32
    %dma_wait3A_18 = arith.constant 0 : i32
    %dma_wait3A_19 = tpu.memref_slice %arg10[%dma_wait3A_17, %dma_wait3A_18] : memref<10240x32xf32, #tpu.memory_space<vmem_shared>> -> memref<10240x32xf32, #tpu.memory_space<vmem_shared>>
    tpu.wait_indirect_dma semaphore(%arg14 : memref<!tpu.dma_semaphore, #tpu.memory_space<semaphore_mem>>) src(%arg9 : memref<1000x32xf32, #tpu.memory_space<vmem>>) dst(%dma_wait3A_19 : memref<10240x32xf32, #tpu.memory_space<vmem_shared>>)
    %barrier3A_20 = arith.constant 0 : index
    tpu.barrier barrier_id(%barrier3A_20)
    "tpu.region"() ({
      %run_scoped3A = tpu.sem_alloc : memref<!tpu.dma_semaphore, #tpu.memory_space<semaphore_mem>>
      %dma_start3A_21 = arith.constant 0 : i32
      %dma_start3A_22 = tpu.memref_slice %arg5[%arg0, %mul3A_6, %dma_start3A_21] : memref<2x10240x32xf32, #tpu.memory_space<hbm>> -> memref<1x640x32xf32, #tpu.memory_space<hbm>>
      %dma_start3A_23 = tpu.memref_squeeze %dma_start3A_22 : memref<1x640x32xf32, #tpu.memory_space<hbm>> -> memref<640x32xf32, #tpu.memory_space<hbm>>
      %dma_start3A_24 = arith.constant 0 : i32
      %dma_start3A_25 = tpu.memref_slice %arg10[%mul3A_6, %dma_start3A_24] : memref<10240x32xf32, #tpu.memory_space<vmem_shared>> -> memref<640x32xf32, #tpu.memory_space<vmem_shared>>
      tpu.enqueue_dma source(%dma_start3A_25 : memref<640x32xf32, #tpu.memory_space<vmem_shared>>) target(%dma_start3A_23 : memref<640x32xf32, #tpu.memory_space<hbm>>) target_semaphore(%run_scoped3A : memref<!tpu.dma_semaphore, #tpu.memory_space<semaphore_mem>>)
      %dma_wait3A_26 = arith.constant 0 : i32
      %dma_wait3A_27 = tpu.memref_slice %arg5[%arg0, %mul3A_6, %dma_wait3A_26] : memref<2x10240x32xf32, #tpu.memory_space<hbm>> -> memref<1x640x32xf32, #tpu.memory_space<hbm>>
      %dma_wait3A_28 = tpu.memref_squeeze %dma_wait3A_27 : memref<1x640x32xf32, #tpu.memory_space<hbm>> -> memref<640x32xf32, #tpu.memory_space<hbm>>
      %dma_wait3A_29 = arith.constant 0 : i32
      %dma_wait3A_30 = tpu.memref_slice %arg10[%mul3A_6, %dma_wait3A_29] : memref<10240x32xf32, #tpu.memory_space<vmem_shared>> -> memref<640x32xf32, #tpu.memory_space<vmem_shared>>
      tpu.wait_dma2 semaphore(%run_scoped3A : memref<!tpu.dma_semaphore, #tpu.memory_space<semaphore_mem>>) src(%dma_wait3A_30 : memref<640x32xf32, #tpu.memory_space<vmem_shared>>) dst(%dma_wait3A_28 : memref<640x32xf32, #tpu.memory_space<hbm>>)
      tpu.yield
    }) : () -> ()
    return
  }
}

module attributes {stable_mosaic.version = 14 : i64} {
  func.func @body(%arg0: i32, %arg1: memref<2048x128xf32, #tpu.memory_space<vmem>>, %arg2: memref<128x64xf32, #tpu.memory_space<vmem>>, %arg3: memref<128x64xf32, #tpu.memory_space<vmem>>, %arg4: memref<1x64xf32, #tpu.memory_space<vmem>>, %arg5: memref<2048x64xf32, #tpu.memory_space<vmem>>, %arg6: memref<2048x64xf32, #tpu.memory_space<vmem>>) attributes {dimension_semantics = [#tpu.dimension_semantics<arbitrary>], iteration_bounds = array<i64: 5>, scalar_prefetch = 0 : i64, scratch_operands = 0 : i64, tpu.core_type = #tpu.core_type<tc>, window_params = [{transform_indices = @transform_0, window_bounds = array<i64: 2048, 128>}, {pipeline_mode = #tpu.pipeline_mode<synchronous>, transform_indices = @transform_1, window_bounds = array<i64: 128, 64>}, {pipeline_mode = #tpu.pipeline_mode<synchronous>, transform_indices = @transform_2, window_bounds = array<i64: 128, 64>}, {pipeline_mode = #tpu.pipeline_mode<synchronous>, transform_indices = @transform_3, window_bounds = array<i64: 1, 64>}, {transform_indices = @transform_4, window_bounds = array<i64: 2048, 64>}, {transform_indices = @transform_5, window_bounds = array<i64: 2048, 64>}]} {
    %get3A = arith.constant 0 : index
    %get3A_0 = arith.constant 0 : index
    %get3A_1 = vector.load %arg1[%get3A, %get3A_0] : memref<2048x128xf32, #tpu.memory_space<vmem>>, vector<2048x128xf32>
    %get3A_2 = arith.constant 0 : index
    %get3A_3 = arith.constant 0 : index
    %get3A_4 = vector.load %arg2[%get3A_2, %get3A_3] : memref<128x64xf32, #tpu.memory_space<vmem>>, vector<128x64xf32>
    %dot_general3A = arith.constant dense<0.000000e+00> : vector<2048x64xf32>
    %dot_general3A_5 = tpu.matmul %get3A_1, %get3A_4, %dot_general3A {dimension_numbers = #tpu.dot_dimension_numbers<[1], [0], [0], [1], [0, 0, 1, 1], [], []>, transpose_lhs_hint = false} : vector<2048x128xf32>, vector<128x64xf32>, vector<2048x64xf32> -> vector<2048x64xf32>
    %swap3A = arith.constant 0 : index
    %swap3A_6 = arith.constant 0 : index
    %swap3A_7 = vector.load %arg5[%swap3A, %swap3A_6] : memref<2048x64xf32, #tpu.memory_space<vmem>>, vector<2048x64xf32>
    tpu.vector_store %arg5[%swap3A, %swap3A_6], %dot_general3A_5 {strides = array<i32>} : memref<2048x64xf32, #tpu.memory_space<vmem>>, vector<2048x64xf32>,
    %get3A_8 = arith.constant 0 : index
    %get3A_9 = arith.constant 0 : index
    %get3A_10 = vector.load %arg3[%get3A_8, %get3A_9] : memref<128x64xf32, #tpu.memory_space<vmem>>, vector<128x64xf32>
    %dot_general3A_11 = arith.constant dense<0.000000e+00> : vector<2048x64xf32>
    %dot_general3A_12 = tpu.matmul %get3A_1, %get3A_10, %dot_general3A_11 {dimension_numbers = #tpu.dot_dimension_numbers<[1], [0], [0], [1], [0, 0, 1, 1], [], []>, transpose_lhs_hint = false} : vector<2048x128xf32>, vector<128x64xf32>, vector<2048x64xf32> -> vector<2048x64xf32>
    %get3A_13 = arith.constant 0 : index
    %get3A_14 = arith.constant 0 : index
    %get3A_15 = vector.load %arg4[%get3A_13, %get3A_14] : memref<1x64xf32, #tpu.memory_space<vmem>>, vector<1x64xf32>
    %add3A = vector.broadcast %get3A_15 : vector<1x64xf32> to vector<2048x64xf32>
    %add3A_16 = arith.addf %dot_general3A_12, %add3A : vector<2048x64xf32>
    %swap3A_17 = arith.constant 0 : index
    %swap3A_18 = arith.constant 0 : index
    %swap3A_19 = vector.load %arg6[%swap3A_17, %swap3A_18] : memref<2048x64xf32, #tpu.memory_space<vmem>>, vector<2048x64xf32>
    tpu.vector_store %arg6[%swap3A_17, %swap3A_18], %add3A_16 {strides = array<i32>} : memref<2048x64xf32, #tpu.memory_space<vmem>>, vector<2048x64xf32>,
    return
  }
  func.func @transform_0(%arg0: i32) -> (i32, i32) {
    %c0_i32 = arith.constant 0 : i32
    %c0_i32_0 = arith.constant 0 : i32
    return %arg0, %c0_i32 : i32, i32
  }
  func.func @transform_1(%arg0: i32) -> (i32, i32) {
    %c0_i32 = arith.constant 0 : i32
    %c0_i32_0 = arith.constant 0 : i32
    %c0_i32_1 = arith.constant 0 : i32
    return %c0_i32, %c0_i32_0 : i32, i32
  }
  func.func @transform_2(%arg0: i32) -> (i32, i32) {
    %c0_i32 = arith.constant 0 : i32
    %c0_i32_0 = arith.constant 0 : i32
    %c0_i32_1 = arith.constant 0 : i32
    return %c0_i32, %c0_i32_0 : i32, i32
  }
  func.func @transform_3(%arg0: i32) -> (i32, i32) {
    %c0_i32 = arith.constant 0 : i32
    %c0_i32_0 = arith.constant 0 : i32
    %c0_i32_1 = arith.constant 0 : i32
    return %c0_i32, %c0_i32_0 : i32, i32
  }
  func.func @transform_4(%arg0: i32) -> (i32, i32) {
    %c0_i32 = arith.constant 0 : i32
    %c0_i32_0 = arith.constant 0 : i32
    return %arg0, %c0_i32 : i32, i32
  }
  func.func @transform_5(%arg0: i32) -> (i32, i32) {
    %c0_i32 = arith.constant 0 : i32
    %c0_i32_0 = arith.constant 0 : i32
    return %arg0, %c0_i32 : i32, i32
  }
}

module attributes {stable_mosaic.version = 14 : i64} {
  func.func @body(%arg0: i32, %arg1: memref<2x2048x64xf32, #tpu.memory_space<vmem>>, %arg2: memref<32x2048xf32, #tpu.memory_space<vmem>>, %arg3: memref<2048x64xf32, #tpu.memory_space<vmem>>, %arg4: memref<64x32xf32, #tpu.memory_space<vmem>>, %arg5: memref<64x32xf32, #tpu.memory_space<vmem>>, %arg6: memref<1x32xf32, #tpu.memory_space<vmem>>, %arg7: memref<2048x32xf32, #tpu.memory_space<vmem>>, %arg8: memref<2048x32xf32, #tpu.memory_space<vmem>>, %arg9: memref<2048xf32, #tpu.memory_space<vmem>>) attributes {dimension_semantics = [#tpu.dimension_semantics<arbitrary>], iteration_bounds = array<i64: 5>, scalar_prefetch = 0 : i64, scratch_operands = 0 : i64, tpu.core_type = #tpu.core_type<tc>, window_params = [{transform_indices = @transform_0, window_bounds = array<i64: 2, 2048, 64>}, {transform_indices = @transform_1, window_bounds = array<i64: 32, 2048>}, {transform_indices = @transform_2, window_bounds = array<i64: 2048, 64>}, {pipeline_mode = #tpu.pipeline_mode<synchronous>, transform_indices = @transform_3, window_bounds = array<i64: 64, 32>}, {pipeline_mode = #tpu.pipeline_mode<synchronous>, transform_indices = @transform_4, window_bounds = array<i64: 64, 32>}, {pipeline_mode = #tpu.pipeline_mode<synchronous>, transform_indices = @transform_5, window_bounds = array<i64: 1, 32>}, {transform_indices = @transform_6, window_bounds = array<i64: 2048, 32>}, {transform_indices = @transform_7, window_bounds = array<i64: 2048, 32>}, {transform_indices = @transform_8, window_bounds = array<i64: 2048>}]} {
    %get3A = arith.constant 0 : index
    %get3A_0 = arith.constant 0 : index
    %get3A_1 = arith.constant 0 : index
    %get3A_2 = vector.load %arg1[%get3A, %get3A_0, %get3A_1] : memref<2x2048x64xf32, #tpu.memory_space<vmem>>, vector<1x2048x64xf32>
    %get3A_3 = vector.shape_cast %get3A_2 : vector<1x2048x64xf32> to vector<2048x64xf32>
    %get3A_4 = arith.constant 1 : index
    %get3A_5 = arith.constant 0 : index
    %get3A_6 = arith.constant 0 : index
    %get3A_7 = vector.load %arg1[%get3A_4, %get3A_5, %get3A_6] : memref<2x2048x64xf32, #tpu.memory_space<vmem>>, vector<1x2048x64xf32>
    %get3A_8 = vector.shape_cast %get3A_7 : vector<1x2048x64xf32> to vector<2048x64xf32>
    %add3A = arith.addf %get3A_3, %get3A_8 : vector<2048x64xf32>
    %get3A_9 = arith.constant 0 : index
    %get3A_10 = arith.constant 0 : index
    %get3A_11 = vector.load %arg2[%get3A_9, %get3A_10] : memref<32x2048xf32, #tpu.memory_space<vmem>>, vector<32x2048xf32>
    %reduce_sum3A = arith.constant dense<0.000000e+00> : vector<2048xf32>
    %reduce_sum3A_12 = vector.multi_reduction <add>, %get3A_11, %reduce_sum3A [0] : vector<32x2048xf32> to vector<2048xf32>
    %max3A = arith.constant 1.000000e+00 : f32
    %max3A_13 = vector.broadcast %max3A : f32 to vector<2048xf32>
    %max3A_14 = arith.maximumf %reduce_sum3A_12, %max3A_13 : vector<2048xf32>
    %div3A = arith.constant 1.000000e+00 : f32
    %div3A_15 = vector.broadcast %div3A : f32 to vector<2048xf32>
    %div3A_16 = arith.divf %div3A_15, %max3A_14 : vector<2048xf32>
    %reshape3A = vector.shape_cast %div3A_16 : vector<2048xf32> to vector<2048x1xf32>
    %mul3A = vector.broadcast %reshape3A : vector<2048x1xf32> to vector<2048x64xf32>
    %mul3A_17 = arith.mulf %add3A, %mul3A : vector<2048x64xf32>
    %get3A_18 = arith.constant 0 : index
    %get3A_19 = arith.constant 0 : index
    %get3A_20 = vector.load %arg3[%get3A_18, %get3A_19] : memref<2048x64xf32, #tpu.memory_space<vmem>>, vector<2048x64xf32>
    %add3A_21 = arith.addf %mul3A_17, %get3A_20 : vector<2048x64xf32>
    %max3A_22 = arith.constant 0.000000e+00 : f32
    %max3A_23 = vector.broadcast %max3A_22 : f32 to vector<2048x64xf32>
    %max3A_24 = arith.maximumf %add3A_21, %max3A_23 : vector<2048x64xf32>
    %get3A_25 = arith.constant 0 : index
    %get3A_26 = arith.constant 0 : index
    %get3A_27 = vector.load %arg4[%get3A_25, %get3A_26] : memref<64x32xf32, #tpu.memory_space<vmem>>, vector<64x32xf32>
    %dot_general3A = arith.constant dense<0.000000e+00> : vector<2048x32xf32>
    %dot_general3A_28 = tpu.matmul %max3A_24, %get3A_27, %dot_general3A {dimension_numbers = #tpu.dot_dimension_numbers<[1], [0], [0], [1], [0, 0, 1, 1], [], []>, transpose_lhs_hint = false} : vector<2048x64xf32>, vector<64x32xf32>, vector<2048x32xf32> -> vector<2048x32xf32>
    %swap3A = arith.constant 0 : index
    %swap3A_29 = arith.constant 0 : index
    %swap3A_30 = vector.load %arg7[%swap3A, %swap3A_29] : memref<2048x32xf32, #tpu.memory_space<vmem>>, vector<2048x32xf32>
    tpu.vector_store %arg7[%swap3A, %swap3A_29], %dot_general3A_28 {strides = array<i32>} : memref<2048x32xf32, #tpu.memory_space<vmem>>, vector<2048x32xf32>,
    %get3A_31 = arith.constant 0 : index
    %get3A_32 = arith.constant 0 : index
    %get3A_33 = vector.load %arg5[%get3A_31, %get3A_32] : memref<64x32xf32, #tpu.memory_space<vmem>>, vector<64x32xf32>
    %dot_general3A_34 = arith.constant dense<0.000000e+00> : vector<2048x32xf32>
    %dot_general3A_35 = tpu.matmul %max3A_24, %get3A_33, %dot_general3A_34 {dimension_numbers = #tpu.dot_dimension_numbers<[1], [0], [0], [1], [0, 0, 1, 1], [], []>, transpose_lhs_hint = false} : vector<2048x64xf32>, vector<64x32xf32>, vector<2048x32xf32> -> vector<2048x32xf32>
    %get3A_36 = arith.constant 0 : index
    %get3A_37 = arith.constant 0 : index
    %get3A_38 = vector.load %arg6[%get3A_36, %get3A_37] : memref<1x32xf32, #tpu.memory_space<vmem>>, vector<1x32xf32>
    %add3A_39 = vector.broadcast %get3A_38 : vector<1x32xf32> to vector<2048x32xf32>
    %add3A_40 = arith.addf %dot_general3A_35, %add3A_39 : vector<2048x32xf32>
    %swap3A_41 = arith.constant 0 : index
    %swap3A_42 = arith.constant 0 : index
    %swap3A_43 = vector.load %arg8[%swap3A_41, %swap3A_42] : memref<2048x32xf32, #tpu.memory_space<vmem>>, vector<2048x32xf32>
    tpu.vector_store %arg8[%swap3A_41, %swap3A_42], %add3A_40 {strides = array<i32>} : memref<2048x32xf32, #tpu.memory_space<vmem>>, vector<2048x32xf32>,
    %swap3A_44 = arith.constant 0 : index
    %swap3A_45 = vector.load %arg9[%swap3A_44] : memref<2048xf32, #tpu.memory_space<vmem>>, vector<2048xf32>
    tpu.vector_store %arg9[%swap3A_44], %div3A_16 {strides = array<i32>} : memref<2048xf32, #tpu.memory_space<vmem>>, vector<2048xf32>,
    return
  }
  func.func @transform_0(%arg0: i32) -> (i32, i32, i32) {
    %c0_i32 = arith.constant 0 : i32
    %c0_i32_0 = arith.constant 0 : i32
    %c0_i32_1 = arith.constant 0 : i32
    return %c0_i32, %arg0, %c0_i32_0 : i32, i32, i32
  }
  func.func @transform_1(%arg0: i32) -> (i32, i32) {
    %c0_i32 = arith.constant 0 : i32
    %c0_i32_0 = arith.constant 0 : i32
    return %c0_i32, %arg0 : i32, i32
  }
  func.func @transform_2(%arg0: i32) -> (i32, i32) {
    %c0_i32 = arith.constant 0 : i32
    %c0_i32_0 = arith.constant 0 : i32
    return %arg0, %c0_i32 : i32, i32
  }
  func.func @transform_3(%arg0: i32) -> (i32, i32) {
    %c0_i32 = arith.constant 0 : i32
    %c0_i32_0 = arith.constant 0 : i32
    %c0_i32_1 = arith.constant 0 : i32
    return %c0_i32, %c0_i32_0 : i32, i32
  }
  func.func @transform_4(%arg0: i32) -> (i32, i32) {
    %c0_i32 = arith.constant 0 : i32
    %c0_i32_0 = arith.constant 0 : i32
    %c0_i32_1 = arith.constant 0 : i32
    return %c0_i32, %c0_i32_0 : i32, i32
  }
  func.func @transform_5(%arg0: i32) -> (i32, i32) {
    %c0_i32 = arith.constant 0 : i32
    %c0_i32_0 = arith.constant 0 : i32
    %c0_i32_1 = arith.constant 0 : i32
    return %c0_i32, %c0_i32_0 : i32, i32
  }
  func.func @transform_6(%arg0: i32) -> (i32, i32) {
    %c0_i32 = arith.constant 0 : i32
    %c0_i32_0 = arith.constant 0 : i32
    return %arg0, %c0_i32 : i32, i32
  }
  func.func @transform_7(%arg0: i32) -> (i32, i32) {
    %c0_i32 = arith.constant 0 : i32
    %c0_i32_0 = arith.constant 0 : i32
    return %arg0, %c0_i32 : i32, i32
  }
  func.func @transform_8(%arg0: i32) -> i32 {
    %c0_i32 = arith.constant 0 : i32
    return %arg0 : i32
  }
}

module attributes {stable_mosaic.version = 14 : i64} {
  func.func @body(%arg0: i32, %arg1: memref<2x2048x32xf32, #tpu.memory_space<vmem>>, %arg2: memref<2048xf32, #tpu.memory_space<vmem>>, %arg3: memref<2048x32xf32, #tpu.memory_space<vmem>>, %arg4: memref<32x16xf32, #tpu.memory_space<vmem>>, %arg5: memref<32x16xf32, #tpu.memory_space<vmem>>, %arg6: memref<1x16xf32, #tpu.memory_space<vmem>>, %arg7: memref<2048x16xf32, #tpu.memory_space<vmem>>, %arg8: memref<2048x16xf32, #tpu.memory_space<vmem>>) attributes {dimension_semantics = [#tpu.dimension_semantics<arbitrary>], iteration_bounds = array<i64: 5>, scalar_prefetch = 0 : i64, scratch_operands = 0 : i64, tpu.core_type = #tpu.core_type<tc>, window_params = [{transform_indices = @transform_0, window_bounds = array<i64: 2, 2048, 32>}, {transform_indices = @transform_1, window_bounds = array<i64: 2048>}, {transform_indices = @transform_2, window_bounds = array<i64: 2048, 32>}, {pipeline_mode = #tpu.pipeline_mode<synchronous>, transform_indices = @transform_3, window_bounds = array<i64: 32, 16>}, {pipeline_mode = #tpu.pipeline_mode<synchronous>, transform_indices = @transform_4, window_bounds = array<i64: 32, 16>}, {pipeline_mode = #tpu.pipeline_mode<synchronous>, transform_indices = @transform_5, window_bounds = array<i64: 1, 16>}, {transform_indices = @transform_6, window_bounds = array<i64: 2048, 16>}, {transform_indices = @transform_7, window_bounds = array<i64: 2048, 16>}]} {
    %get3A = arith.constant 0 : index
    %get3A_0 = arith.constant 0 : index
    %get3A_1 = arith.constant 0 : index
    %get3A_2 = vector.load %arg1[%get3A, %get3A_0, %get3A_1] : memref<2x2048x32xf32, #tpu.memory_space<vmem>>, vector<1x2048x32xf32>
    %get3A_3 = vector.shape_cast %get3A_2 : vector<1x2048x32xf32> to vector<2048x32xf32>
    %get3A_4 = arith.constant 1 : index
    %get3A_5 = arith.constant 0 : index
    %get3A_6 = arith.constant 0 : index
    %get3A_7 = vector.load %arg1[%get3A_4, %get3A_5, %get3A_6] : memref<2x2048x32xf32, #tpu.memory_space<vmem>>, vector<1x2048x32xf32>
    %get3A_8 = vector.shape_cast %get3A_7 : vector<1x2048x32xf32> to vector<2048x32xf32>
    %add3A = arith.addf %get3A_3, %get3A_8 : vector<2048x32xf32>
    %get3A_9 = arith.constant 0 : index
    %get3A_10 = vector.load %arg2[%get3A_9] : memref<2048xf32, #tpu.memory_space<vmem>>, vector<2048xf32>
    %reshape3A = vector.shape_cast %get3A_10 : vector<2048xf32> to vector<2048x1xf32>
    %mul3A = vector.broadcast %reshape3A : vector<2048x1xf32> to vector<2048x32xf32>
    %mul3A_11 = arith.mulf %add3A, %mul3A : vector<2048x32xf32>
    %get3A_12 = arith.constant 0 : index
    %get3A_13 = arith.constant 0 : index
    %get3A_14 = vector.load %arg3[%get3A_12, %get3A_13] : memref<2048x32xf32, #tpu.memory_space<vmem>>, vector<2048x32xf32>
    %add3A_15 = arith.addf %mul3A_11, %get3A_14 : vector<2048x32xf32>
    %max3A = arith.constant 0.000000e+00 : f32
    %max3A_16 = vector.broadcast %max3A : f32 to vector<2048x32xf32>
    %max3A_17 = arith.maximumf %add3A_15, %max3A_16 : vector<2048x32xf32>
    %get3A_18 = arith.constant 0 : index
    %get3A_19 = arith.constant 0 : index
    %get3A_20 = vector.load %arg4[%get3A_18, %get3A_19] : memref<32x16xf32, #tpu.memory_space<vmem>>, vector<32x16xf32>
    %dot_general3A = arith.constant dense<0.000000e+00> : vector<2048x16xf32>
    %dot_general3A_21 = tpu.matmul %max3A_17, %get3A_20, %dot_general3A {dimension_numbers = #tpu.dot_dimension_numbers<[1], [0], [0], [1], [0, 0, 1, 1], [], []>, transpose_lhs_hint = false} : vector<2048x32xf32>, vector<32x16xf32>, vector<2048x16xf32> -> vector<2048x16xf32>
    %swap3A = arith.constant 0 : index
    %swap3A_22 = arith.constant 0 : index
    %swap3A_23 = vector.load %arg7[%swap3A, %swap3A_22] : memref<2048x16xf32, #tpu.memory_space<vmem>>, vector<2048x16xf32>
    tpu.vector_store %arg7[%swap3A, %swap3A_22], %dot_general3A_21 {strides = array<i32>} : memref<2048x16xf32, #tpu.memory_space<vmem>>, vector<2048x16xf32>,
    %get3A_24 = arith.constant 0 : index
    %get3A_25 = arith.constant 0 : index
    %get3A_26 = vector.load %arg5[%get3A_24, %get3A_25] : memref<32x16xf32, #tpu.memory_space<vmem>>, vector<32x16xf32>
    %dot_general3A_27 = arith.constant dense<0.000000e+00> : vector<2048x16xf32>
    %dot_general3A_28 = tpu.matmul %max3A_17, %get3A_26, %dot_general3A_27 {dimension_numbers = #tpu.dot_dimension_numbers<[1], [0], [0], [1], [0, 0, 1, 1], [], []>, transpose_lhs_hint = false} : vector<2048x32xf32>, vector<32x16xf32>, vector<2048x16xf32> -> vector<2048x16xf32>
    %get3A_29 = arith.constant 0 : index
    %get3A_30 = arith.constant 0 : index
    %get3A_31 = vector.load %arg6[%get3A_29, %get3A_30] : memref<1x16xf32, #tpu.memory_space<vmem>>, vector<1x16xf32>
    %add3A_32 = vector.broadcast %get3A_31 : vector<1x16xf32> to vector<2048x16xf32>
    %add3A_33 = arith.addf %dot_general3A_28, %add3A_32 : vector<2048x16xf32>
    %swap3A_34 = arith.constant 0 : index
    %swap3A_35 = arith.constant 0 : index
    %swap3A_36 = vector.load %arg8[%swap3A_34, %swap3A_35] : memref<2048x16xf32, #tpu.memory_space<vmem>>, vector<2048x16xf32>
    tpu.vector_store %arg8[%swap3A_34, %swap3A_35], %add3A_33 {strides = array<i32>} : memref<2048x16xf32, #tpu.memory_space<vmem>>, vector<2048x16xf32>,
    return
  }
  func.func @transform_0(%arg0: i32) -> (i32, i32, i32) {
    %c0_i32 = arith.constant 0 : i32
    %c0_i32_0 = arith.constant 0 : i32
    %c0_i32_1 = arith.constant 0 : i32
    return %c0_i32, %arg0, %c0_i32_0 : i32, i32, i32
  }
  func.func @transform_1(%arg0: i32) -> i32 {
    %c0_i32 = arith.constant 0 : i32
    return %arg0 : i32
  }
  func.func @transform_2(%arg0: i32) -> (i32, i32) {
    %c0_i32 = arith.constant 0 : i32
    %c0_i32_0 = arith.constant 0 : i32
    return %arg0, %c0_i32 : i32, i32
  }
  func.func @transform_3(%arg0: i32) -> (i32, i32) {
    %c0_i32 = arith.constant 0 : i32
    %c0_i32_0 = arith.constant 0 : i32
    %c0_i32_1 = arith.constant 0 : i32
    return %c0_i32, %c0_i32_0 : i32, i32
  }
  func.func @transform_4(%arg0: i32) -> (i32, i32) {
    %c0_i32 = arith.constant 0 : i32
    %c0_i32_0 = arith.constant 0 : i32
    %c0_i32_1 = arith.constant 0 : i32
    return %c0_i32, %c0_i32_0 : i32, i32
  }
  func.func @transform_5(%arg0: i32) -> (i32, i32) {
    %c0_i32 = arith.constant 0 : i32
    %c0_i32_0 = arith.constant 0 : i32
    %c0_i32_1 = arith.constant 0 : i32
    return %c0_i32, %c0_i32_0 : i32, i32
  }
  func.func @transform_6(%arg0: i32) -> (i32, i32) {
    %c0_i32 = arith.constant 0 : i32
    %c0_i32_0 = arith.constant 0 : i32
    return %arg0, %c0_i32 : i32, i32
  }
  func.func @transform_7(%arg0: i32) -> (i32, i32) {
    %c0_i32 = arith.constant 0 : i32
    %c0_i32_0 = arith.constant 0 : i32
    return %arg0, %c0_i32 : i32, i32
  }
}

module attributes {stable_mosaic.version = 14 : i64} {
  func.func @body(%arg0: i32, %arg1: memref<2x2048x16xf32, #tpu.memory_space<vmem>>, %arg2: memref<2048xf32, #tpu.memory_space<vmem>>, %arg3: memref<2048x16xf32, #tpu.memory_space<vmem>>, %arg4: memref<16x16xf32, #tpu.memory_space<vmem>>, %arg5: memref<16x16xf32, #tpu.memory_space<vmem>>, %arg6: memref<1x16xf32, #tpu.memory_space<vmem>>, %arg7: memref<2048x16xf32, #tpu.memory_space<vmem>>, %arg8: memref<2048x16xf32, #tpu.memory_space<vmem>>) attributes {dimension_semantics = [#tpu.dimension_semantics<arbitrary>], iteration_bounds = array<i64: 5>, scalar_prefetch = 0 : i64, scratch_operands = 0 : i64, tpu.core_type = #tpu.core_type<tc>, window_params = [{transform_indices = @transform_0, window_bounds = array<i64: 2, 2048, 16>}, {transform_indices = @transform_1, window_bounds = array<i64: 2048>}, {transform_indices = @transform_2, window_bounds = array<i64: 2048, 16>}, {pipeline_mode = #tpu.pipeline_mode<synchronous>, transform_indices = @transform_3, window_bounds = array<i64: 16, 16>}, {pipeline_mode = #tpu.pipeline_mode<synchronous>, transform_indices = @transform_4, window_bounds = array<i64: 16, 16>}, {pipeline_mode = #tpu.pipeline_mode<synchronous>, transform_indices = @transform_5, window_bounds = array<i64: 1, 16>}, {transform_indices = @transform_6, window_bounds = array<i64: 2048, 16>}, {transform_indices = @transform_7, window_bounds = array<i64: 2048, 16>}]} {
    %get3A = arith.constant 0 : index
    %get3A_0 = arith.constant 0 : index
    %get3A_1 = arith.constant 0 : index
    %get3A_2 = vector.load %arg1[%get3A, %get3A_0, %get3A_1] : memref<2x2048x16xf32, #tpu.memory_space<vmem>>, vector<1x2048x16xf32>
    %get3A_3 = vector.shape_cast %get3A_2 : vector<1x2048x16xf32> to vector<2048x16xf32>
    %get3A_4 = arith.constant 1 : index
    %get3A_5 = arith.constant 0 : index
    %get3A_6 = arith.constant 0 : index
    %get3A_7 = vector.load %arg1[%get3A_4, %get3A_5, %get3A_6] : memref<2x2048x16xf32, #tpu.memory_space<vmem>>, vector<1x2048x16xf32>
    %get3A_8 = vector.shape_cast %get3A_7 : vector<1x2048x16xf32> to vector<2048x16xf32>
    %add3A = arith.addf %get3A_3, %get3A_8 : vector<2048x16xf32>
    %get3A_9 = arith.constant 0 : index
    %get3A_10 = vector.load %arg2[%get3A_9] : memref<2048xf32, #tpu.memory_space<vmem>>, vector<2048xf32>
    %reshape3A = vector.shape_cast %get3A_10 : vector<2048xf32> to vector<2048x1xf32>
    %mul3A = vector.broadcast %reshape3A : vector<2048x1xf32> to vector<2048x16xf32>
    %mul3A_11 = arith.mulf %add3A, %mul3A : vector<2048x16xf32>
    %get3A_12 = arith.constant 0 : index
    %get3A_13 = arith.constant 0 : index
    %get3A_14 = vector.load %arg3[%get3A_12, %get3A_13] : memref<2048x16xf32, #tpu.memory_space<vmem>>, vector<2048x16xf32>
    %add3A_15 = arith.addf %mul3A_11, %get3A_14 : vector<2048x16xf32>
    %max3A = arith.constant 0.000000e+00 : f32
    %max3A_16 = vector.broadcast %max3A : f32 to vector<2048x16xf32>
    %max3A_17 = arith.maximumf %add3A_15, %max3A_16 : vector<2048x16xf32>
    %get3A_18 = arith.constant 0 : index
    %get3A_19 = arith.constant 0 : index
    %get3A_20 = vector.load %arg4[%get3A_18, %get3A_19] : memref<16x16xf32, #tpu.memory_space<vmem>>, vector<16x16xf32>
    %dot_general3A = arith.constant dense<0.000000e+00> : vector<2048x16xf32>
    %dot_general3A_21 = tpu.matmul %max3A_17, %get3A_20, %dot_general3A {dimension_numbers = #tpu.dot_dimension_numbers<[1], [0], [0], [1], [0, 0, 1, 1], [], []>, transpose_lhs_hint = false} : vector<2048x16xf32>, vector<16x16xf32>, vector<2048x16xf32> -> vector<2048x16xf32>
    %swap3A = arith.constant 0 : index
    %swap3A_22 = arith.constant 0 : index
    %swap3A_23 = vector.load %arg7[%swap3A, %swap3A_22] : memref<2048x16xf32, #tpu.memory_space<vmem>>, vector<2048x16xf32>
    tpu.vector_store %arg7[%swap3A, %swap3A_22], %dot_general3A_21 {strides = array<i32>} : memref<2048x16xf32, #tpu.memory_space<vmem>>, vector<2048x16xf32>,
    %get3A_24 = arith.constant 0 : index
    %get3A_25 = arith.constant 0 : index
    %get3A_26 = vector.load %arg5[%get3A_24, %get3A_25] : memref<16x16xf32, #tpu.memory_space<vmem>>, vector<16x16xf32>
    %dot_general3A_27 = arith.constant dense<0.000000e+00> : vector<2048x16xf32>
    %dot_general3A_28 = tpu.matmul %max3A_17, %get3A_26, %dot_general3A_27 {dimension_numbers = #tpu.dot_dimension_numbers<[1], [0], [0], [1], [0, 0, 1, 1], [], []>, transpose_lhs_hint = false} : vector<2048x16xf32>, vector<16x16xf32>, vector<2048x16xf32> -> vector<2048x16xf32>
    %get3A_29 = arith.constant 0 : index
    %get3A_30 = arith.constant 0 : index
    %get3A_31 = vector.load %arg6[%get3A_29, %get3A_30] : memref<1x16xf32, #tpu.memory_space<vmem>>, vector<1x16xf32>
    %add3A_32 = vector.broadcast %get3A_31 : vector<1x16xf32> to vector<2048x16xf32>
    %add3A_33 = arith.addf %dot_general3A_28, %add3A_32 : vector<2048x16xf32>
    %swap3A_34 = arith.constant 0 : index
    %swap3A_35 = arith.constant 0 : index
    %swap3A_36 = vector.load %arg8[%swap3A_34, %swap3A_35] : memref<2048x16xf32, #tpu.memory_space<vmem>>, vector<2048x16xf32>
    tpu.vector_store %arg8[%swap3A_34, %swap3A_35], %add3A_33 {strides = array<i32>} : memref<2048x16xf32, #tpu.memory_space<vmem>>, vector<2048x16xf32>,
    return
  }
  func.func @transform_0(%arg0: i32) -> (i32, i32, i32) {
    %c0_i32 = arith.constant 0 : i32
    %c0_i32_0 = arith.constant 0 : i32
    %c0_i32_1 = arith.constant 0 : i32
    return %c0_i32, %arg0, %c0_i32_0 : i32, i32, i32
  }
  func.func @transform_1(%arg0: i32) -> i32 {
    %c0_i32 = arith.constant 0 : i32
    return %arg0 : i32
  }
  func.func @transform_2(%arg0: i32) -> (i32, i32) {
    %c0_i32 = arith.constant 0 : i32
    %c0_i32_0 = arith.constant 0 : i32
    return %arg0, %c0_i32 : i32, i32
  }
  func.func @transform_3(%arg0: i32) -> (i32, i32) {
    %c0_i32 = arith.constant 0 : i32
    %c0_i32_0 = arith.constant 0 : i32
    %c0_i32_1 = arith.constant 0 : i32
    return %c0_i32, %c0_i32_0 : i32, i32
  }
  func.func @transform_4(%arg0: i32) -> (i32, i32) {
    %c0_i32 = arith.constant 0 : i32
    %c0_i32_0 = arith.constant 0 : i32
    %c0_i32_1 = arith.constant 0 : i32
    return %c0_i32, %c0_i32_0 : i32, i32
  }
  func.func @transform_5(%arg0: i32) -> (i32, i32) {
    %c0_i32 = arith.constant 0 : i32
    %c0_i32_0 = arith.constant 0 : i32
    %c0_i32_1 = arith.constant 0 : i32
    return %c0_i32, %c0_i32_0 : i32, i32
  }
  func.func @transform_6(%arg0: i32) -> (i32, i32) {
    %c0_i32 = arith.constant 0 : i32
    %c0_i32_0 = arith.constant 0 : i32
    return %arg0, %c0_i32 : i32, i32
  }
  func.func @transform_7(%arg0: i32) -> (i32, i32) {
    %c0_i32 = arith.constant 0 : i32
    %c0_i32_0 = arith.constant 0 : i32
    return %arg0, %c0_i32 : i32, i32
  }
}

module attributes {stable_mosaic.version = 14 : i64} {
  func.func @body(%arg0: i32, %arg1: memref<2x2048x16xf32, #tpu.memory_space<vmem>>, %arg2: memref<2048xf32, #tpu.memory_space<vmem>>, %arg3: memref<2048x16xf32, #tpu.memory_space<vmem>>, %arg4: memref<2048x10xf32, #tpu.memory_space<vmem>>) attributes {dimension_semantics = [#tpu.dimension_semantics<arbitrary>], iteration_bounds = array<i64: 5>, scalar_prefetch = 0 : i64, scratch_operands = 0 : i64, tpu.core_type = #tpu.core_type<tc>, window_params = [{transform_indices = @transform_0, window_bounds = array<i64: 2, 2048, 16>}, {transform_indices = @transform_1, window_bounds = array<i64: 2048>}, {transform_indices = @transform_2, window_bounds = array<i64: 2048, 16>}, {transform_indices = @transform_3, window_bounds = array<i64: 2048, 10>}]} {
    %get3A = arith.constant 0 : index
    %get3A_0 = vector.load %arg2[%get3A] : memref<2048xf32, #tpu.memory_space<vmem>>, vector<2048xf32>
    %reshape3A = vector.shape_cast %get3A_0 : vector<2048xf32> to vector<2048x1xf32>
    %get3A_1 = arith.constant 0 : index
    %get3A_2 = arith.constant 0 : index
    %get3A_3 = arith.constant 0 : index
    %get3A_4 = vector.load %arg1[%get3A_1, %get3A_2, %get3A_3] : memref<2x2048x16xf32, #tpu.memory_space<vmem>>, vector<1x2048x16xf32>
    %get3A_5 = vector.shape_cast %get3A_4 : vector<1x2048x16xf32> to vector<2048x16xf32>
    %get3A_6 = arith.constant 1 : index
    %get3A_7 = arith.constant 0 : index
    %get3A_8 = arith.constant 0 : index
    %get3A_9 = vector.load %arg1[%get3A_6, %get3A_7, %get3A_8] : memref<2x2048x16xf32, #tpu.memory_space<vmem>>, vector<1x2048x16xf32>
    %get3A_10 = vector.shape_cast %get3A_9 : vector<1x2048x16xf32> to vector<2048x16xf32>
    %add3A = arith.addf %get3A_5, %get3A_10 : vector<2048x16xf32>
    %mul3A = vector.broadcast %reshape3A : vector<2048x1xf32> to vector<2048x16xf32>
    %mul3A_11 = arith.mulf %add3A, %mul3A : vector<2048x16xf32>
    %get3A_12 = arith.constant 0 : index
    %get3A_13 = arith.constant 0 : index
    %get3A_14 = vector.load %arg3[%get3A_12, %get3A_13] : memref<2048x16xf32, #tpu.memory_space<vmem>>, vector<2048x16xf32>
    %add3A_15 = arith.addf %mul3A_11, %get3A_14 : vector<2048x16xf32>
    %slice3A = vector.extract_strided_slice %add3A_15 {offsets = [0, 0], sizes = [2048, 10], strides = [1, 1]} : vector<2048x16xf32> to vector<2048x10xf32>
    %swap3A = arith.constant 0 : index
    %swap3A_16 = arith.constant 0 : index
    %swap3A_17 = vector.load %arg4[%swap3A, %swap3A_16] : memref<2048x10xf32, #tpu.memory_space<vmem>>, vector<2048x10xf32>
    tpu.vector_store %arg4[%swap3A, %swap3A_16], %slice3A {strides = array<i32>} : memref<2048x10xf32, #tpu.memory_space<vmem>>, vector<2048x10xf32>,
    return
  }
  func.func @transform_0(%arg0: i32) -> (i32, i32, i32) {
    %c0_i32 = arith.constant 0 : i32
    %c0_i32_0 = arith.constant 0 : i32
    %c0_i32_1 = arith.constant 0 : i32
    return %c0_i32, %arg0, %c0_i32_0 : i32, i32, i32
  }
  func.func @transform_1(%arg0: i32) -> i32 {
    %c0_i32 = arith.constant 0 : i32
    return %arg0 : i32
  }
  func.func @transform_2(%arg0: i32) -> (i32, i32) {
    %c0_i32 = arith.constant 0 : i32
    %c0_i32_0 = arith.constant 0 : i32
    return %arg0, %c0_i32 : i32, i32
  }
  func.func @transform_3(%arg0: i32) -> (i32, i32) {
    %c0_i32 = arith.constant 0 : i32
    %c0_i32_0 = arith.constant 0 : i32
    return %arg0, %c0_i32 : i32, i32
  }
}

</mosaic_0001>

<sc_bundles>
// kernel: kernel.11.cloned.1.call-start
scs
__scs_entry_jumppad:
0x0: {  	(pc) =	sbr.rel $0x88, $3  }
0x1: {  	(tag) =	ssettag $0x0;
	lr =	simm.s32 $0x1  }
0x2: {  	[smem:$0x3F93] =	sst lr;
	_ =	strace $0xD0000000  }
0x3: {  	_ = 	snop  }
0x4: {  	_ = 	snop  }
0x5: {  	_ = 	snop  }
0x6: {  	_ = 	snop  }
0x7: {  	_ = 	snop  }
__scs_overlays_trampoline_lowered:
0x8: {  	[smem:$0x3FA2] =	sst s0  }
0x9: {  	[smem:$0x3FA3] =	sst s1  }
0xa: {  	[smem:$0x3FA4] =	sst s2  }
0xb: {  	[smem:$0x3FA5] =	sst s3  }
0xc: {  	[smem:$0x3FA6] =	sst s4  }
0xd: {  	[smem:$0x3FA7] =	sst s5  }
0xe: {  	[smem:$0x3FA8] =	sst s6  }
0xf: {  	[smem:$0x3FA9] =	sst s7  }
0x10: {  	[smem:$0x3FAA] =	sst s8  }
0x11: {  	[smem:$0x3FAB] =	sst s9;
	s0 =	simm.s32 @!p0 $0x0  }
0x12: {  	s1 =	sld [smem:$0x3F91];
	s0 =	simm.s32 @p0 $0x1  }
0x13: {  	[smem:$0x3FAC] =	sst s0;
	s0 =	simm.s32 @!p1 $0x0  }
0x14: {  	s2 =	sld [smem:$0x3F90];
	s0 =	simm.s32 @p1 $0x1  }
0x15: {  	[smem:$0x3FAD] =	sst s0;
	s0 =	simm.s32 @!p2 $0x0  }
0x16: {  	s3 =	sld [smem:$0x3FDB];
	s0 =	simm.s32 @p2 $0x1  }
0x17: {  	s4 =	simm.s32 $0x1BF5;
	[smem:$0x3FAF] =	sst s0  }
0x18: {  	s0 =	sld [smem:$0x3F92];
	_ =	swait.ge [sflag:s4], $0x0  }
0x19: {  	s7 =	sld [smem:$0x3F93]  }
0x1a: {  	s8 =	sadd.s32 $0xFFFFE003, lr  }
0x1b: {  	s9 =	sadd.s32 $0xFFFFFEF7, lr;
	s5 =	simm.s32 $0xFFFFFFFF;
	p2 =	slt.u32 s8, $0xFFFFF086  }
0x1c: {  	p1 =	slt.u32 s9, $0xF7A;
	s5 =	simm.s32 @!p2 $0x0  }
0x1d: {  	s5 =	simm.s32 @p1 $0x1;
	p0 =	seq.s32 s7, s2  }
0x1e: {  	s7 =	smul.u32 @!p0 $0xF7A, s2;
	p2 =	seq.s32 @!p0 s5, $0x0  }
0x1f: {  	s9 =	smul.u32 $0xF7A, s1;
	s8 =	simm.s32 @!p0 $0x1BF5;
	p2 =	por !p2, p0  }
0x20: {  	[sflag:s8] =	ssyncset.s32 @!p0 $0xFFFFF086;
	s6 =	sadd.s32 @!p0 s3, s7;
	s7 =	simm.s32 @!p0 $0x108  }
0x21: {  	s3 =	sadd.s32 s3, s9;
	s6 =	sadd.s32 @!p0 $0x88, s6;
	s7 =	simm.s32 @p2 $0x1082  }
0x22: {  	[simem:s7], [sflag:s8] =	dma.local @!p0 [hbm:s6], $0xF7A  }
0x23: {  	s9 =	sor.u32 $0xD0000000, s2;
	s6 =	simm.s32 $0x108;
	_ =	swait.ge @!p0 [sflag:s8], $0x0  }
0x24: {  	s3 =	sadd.s32 $0x88, s3;
	s6 =	simm.s32 @!p1 $0x1082;
	[sflag:s4] =	ssyncset.s32 $0xFFFFF086  }
0x25: {  	[simem:s6], [sflag:s4] =	dma.local [hbm:s3], $0xF7A  }
0x26: {  	[smem:$0x3F93] =	sst s1;
	(tag) =	ssettag s2;
	_ =	strace s9  }
0x27: {  	s1 =	sld [smem:$0x3FA3]  }
0x28: {  	s2 =	sld [smem:$0x3FA4]  }
0x29: {  	s4 =	sld [smem:$0x3FA6]  }
0x2a: {  	p0 =	seq.s32 s5, $0x0;
	s5 =	sld [smem:$0x3FA7]  }
0x2b: {  	s6 =	sld [smem:$0x3FA8]  }
0x2c: {  	s7 =	sld [smem:$0x3FA9]  }
0x2d: {  	s3 =	simm.s32 $0x108;
	s8 =	sld [smem:$0x3FAA]  }
0x2e: {  	s3 =	simm.s32 @!p0 $0x1082;
	s9 =	sld [smem:$0x3FAB]  }
0x2f: {  	lr =	sadd.s32 s0, s3;
	s0 =	sld [smem:$0x3FA2]  }
0x30: {  	s3 =	sld [smem:$0x3FA5]  }
0x31: {  	[smem:$0x3FAE] =	sst s10  }
0x32: {  	s10 =	sld [smem:$0x3FAC];
	_ =	sdelay $0x3  }
0x33: {  	p0 =	seq.s32 s10, $0x1;
	s10 =	sld [smem:$0x3FAE];
	_ =	sdelay $0x3  }
0x34: {  	[smem:$0x3FAE] =	sst s10  }
0x35: {  	s10 =	sld [smem:$0x3FAD];
	_ =	sdelay $0x3  }
0x36: {  	p1 =	seq.s32 s10, $0x1;
	s10 =	sld [smem:$0x3FAE];
	_ =	sdelay $0x3  }
0x37: {  	[smem:$0x3FAE] =	sst s10  }
0x38: {  	s10 =	sld [smem:$0x3FAF]  }
0x39: {  	_ = 	snop;
	(pc) =	sbr.ind lr, $3  }
0x3a: {  	_ = 	snop  }
0x3b: {  	_ = 	snop  }
0x3c: {  	p2 =	seq.s32 s10, $0x1;
	s10 =	sld [smem:$0x3FAE]  }
0x3d: {  	_ =	shalt  }
0x3e: {  	_ =	shalt  }
0x3f: {  	_ =	shalt  }
0x40: {  	_ =	shalt  }
0x41: {  	_ =	shalt  }
0x42: {  	_ =	shalt  }
0x43: {  	_ =	shalt  }
0x44: {  	_ =	shalt  }
0x45: {  	_ =	shalt  }
0x46: {  	_ =	shalt  }
0x47: {  	_ =	shalt  }
0x48: {  	_ =	shalt  }
0x49: {  	_ =	shalt  }
0x4a: {  	_ =	shalt  }
0x4b: {  	_ =	shalt  }
0x4c: {  	_ =	shalt  }
0x4d: {  	_ =	shalt  }
0x4e: {  	_ =	shalt  }
0x4f: {  	_ =	shalt  }
0x50: {  	_ =	shalt  }
0x51: {  	_ =	shalt  }
0x52: {  	_ =	shalt  }
0x53: {  	_ =	shalt  }
0x54: {  	_ =	shalt  }
0x55: {  	_ =	shalt  }
0x56: {  	_ =	shalt  }
0x57: {  	_ =	shalt  }
0x58: {  	_ =	shalt  }
0x59: {  	_ =	shalt  }
0x5a: {  	_ =	shalt  }
0x5b: {  	_ =	shalt  }
0x5c: {  	_ =	shalt  }
0x5d: {  	_ =	shalt  }
0x5e: {  	_ =	shalt  }
0x5f: {  	_ =	shalt  }
0x60: {  	_ =	shalt  }
0x61: {  	_ =	shalt  }
0x62: {  	_ =	shalt  }
0x63: {  	_ =	shalt  }
0x64: {  	_ =	shalt  }
0x65: {  	_ =	shalt  }
0x66: {  	_ =	shalt  }
0x67: {  	_ =	shalt  }
0x68: {  	_ =	shalt  }
0x69: {  	_ =	shalt  }
0x6a: {  	_ =	shalt  }
0x6b: {  	_ =	shalt  }
0x6c: {  	_ =	shalt  }
0x6d: {  	_ =	shalt  }
0x6e: {  	_ =	shalt  }
0x6f: {  	_ =	shalt  }
0x70: {  	_ =	shalt  }
0x71: {  	_ =	shalt  }
0x72: {  	_ =	shalt  }
0x73: {  	_ =	shalt  }
0x74: {  	_ =	shalt  }
0x75: {  	_ =	shalt  }
0x76: {  	_ =	shalt  }
0x77: {  	_ =	shalt  }
0x78: {  	_ =	shalt  }
0x79: {  	_ =	shalt  }
0x7a: {  	_ =	shalt  }
0x7b: {  	_ =	shalt  }
0x7c: {  	_ =	shalt  }
0x7d: {  	_ =	shalt  }
0x7e: {  	_ =	shalt  }
0x7f: {  	_ =	shalt  }
0x80: {  	_ =	shalt  }
0x81: {  	_ =	shalt  }
0x82: {  	_ =	shalt  }
0x83: {  	_ =	shalt  }
0x84: {  	_ =	shalt  }
0x85: {  	_ =	shalt  }
0x86: {  	_ =	shalt  }
0x87: {  	_ =	shalt  }
.Lfunc_end0:
.L_simem_size_0:
called_computation_lowered:
.L_overlay_start_0:
0x88: {  	s2 =	sld [smem:$0x3FD9]  }
0x89: {  	s3 =	sld [smem:$0x3FFE];
	_ =	sdelay $0x1  }
0x8a: {  	s1 =	srdreg.scid  }
0x8b: {  	s0 =	sand.u32 $0x1, s1  }
0x8c: {  	s16 =	sshll.u32 s0, $0xA;
	s2 =	sadd.s32 s3, s2  }
0x8d: {  	s2 =	sadd.s32 s2, s16  }
0x8e: {  	[smem:$0x3FBA] =	sst s2  }
0x8f: {  	_ = 	snop  }
0x90: {  	(tm) =	ssettm $0x1  }
0x91: {  	s17 =	sld [smem:$0x3FFB];
	_ =	sdelay $0x3  }
0x92: {  	_ =	strace s17  }
0x93: {  	s2 =	sld [smem:$0x3FFC];
	_ =	sdelay $0x3  }
0x94: {  	_ =	strace s2  }
0x95: {  	s2 =	sld [smem:$0x3FFD];
	_ =	sdelay $0x3  }
0x96: {  	_ =	strace s2  }
0x97: {  	_ =	strace $0x8FFFFFFF  }
0x98: {  	s18 =	sld [smem:$0x3FDB];
	_ =	sdelay $0x1  }
0x99: {  	s19 =	simm.s32 $_scs_section_size  }
0x9a: {  	s4 =	simm.s32 $_size__tile_overlayer_lowered;
	s5 =	simm.s32 $_tile_overlayer_lowered  }
0x9b: {  	s22 =	simm.s32 $0x1BFF;
	s21 =	sshll.u32 s5, $0x1;
	s2 =	sadd.s32 s19, s18  }
0x9c: {  	s6 =	simm.s32 $0x0;
	s20 =	sshll.u32 s4, $0x1;
	s4 =	sadd.s32 s21, s2  }
0x9d: {  	[timem:s6], [sflag:s22] =	dma.local [hbm:s4], s20  }
0x9e: {  	_ =	swait.ge [sflag:s22], s20  }
0x9f: {  	s3 =	ssub.s32 $0x0, s20;
	[sflag:s22] =	ssyncset.done $0x0  }
0xa0: {  	[sflag:s22] =	ssyncadd.s32 s3;
	_ =	sdelay $0x1  }
0xa1: {  	s23 =	simm.s32 $0x1B8B  }
0xa2: {  	_ =	swait.ge [sflag:s23], $0x1  }
0xa3: {  	[sflag:s23] =	ssyncset.done $0x0  }
0xa4: {  	s25 =	simm.s32 $0x1B8E;
	s24 =	sld [smem:$0x3FFE];
	[sflag:s23] =	ssyncadd.s32 $0xFFFFFFFF  }
0xa5: {  	s26 =	simm.s32 $execute0_lowered;
	[smem:$0x3FD2] =	sst s25  }
0xa6: {  	s4 =	sshll.u32 s26, $0x1;
	_ =	strace $0x80000046;
	[dreg:$0x1] =	wrdreg $0xFFFFFFFF  }
0xa7: {  	s28 =	simm.s32 $_size_execute0_lowered;
	s2 =	sadd.s32 s2, s4;
	[dreg:$0x0] =	wrdreg $0x0  }
0xa8: {  	s4 =	sshll.u32 s28, $0x1;
	[dreg:$0x2] =	wrdreg s2  }
0xa9: {  	[dreg:$0x3] =	wrdreg s4  }
0xaa: {  	[dreg:$0x4] =	wrdreg $0xC0  }
0xab: {  	_ =	task [dreg:s6], $0x5FFFF  }
0xac: {  	[dreg:$0x1] =	wrdreg $0xFFFFFFFF  }
0xad: {  	[dreg:$0x0] =	wrdreg $0x60  }
0xae: {  	[dreg:$0x2] =	wrdreg s24  }
0xaf: {  	[dreg:$0x3] =	wrdreg $0x116200  }
0xb0: {  	[dreg:$0x4] =	wrdreg $0x9  }
0xb1: {  	_ =	task.clear_ibuf [dreg:s6], $0x5FFFF;
	_ =	strace $0x90000046  }
0xb2: {  	s29 =	simm.s32 $0x9;
	_ =	strace $0x80000048  }
0xb3: {  	_ =	swait.ge [sflag:s29], $0x1  }
0xb4: {  	[sflag:s29] =	ssyncadd.s32 $0xFFFFFFFF  }
0xb5: {  	_ =	strace $0x90000048  }
0xb6: {  	_ =	sfence  }
0xb7: {  	s30 =	sld [smem:$0x0];
	_ =	sdelay $0x2  }
0xb8: {  	s31 =	sshll.u32 s1, $0xD;
	s1 =	sshrl.u32 s1, $0x2  }
0xb9: {  	s3 =	sand.u32 $0x4000, s31;
	s1 =	sadd.s32 s1, s30  }
0xba: {  	s0 =	sor.u32 s3, s0;
	s1 =	sshll.u32 s1, $0x11  }
0xbb: {  	s0 =	sor.u32 s1, s0  }
0xbc: {  	s0 =	sadd.s32 $0x8F2B, s0  }
0xbd: {  	[sflag:s0] =	ssyncadd.remote.s32 $0x1  }
0xbe: {  	_ =	sfence.sel $0xFFFF  }
0xbf: {  	[dreg:$0x0] =	wrdreg $0xFFFFFFFF;
	(pc) =	sbr.abs _section_cstart, $3  }
0xc0: {  	[dreg:$0x1] =	wrdreg $0xFFFFFFFF  }
0xc1: {  	_ =	task.clear_ibuf [dreg:s6], $0x2FFFF;
	_ =	strace $0x9FFFFFFF  }
0xc2: {  	(tm) =	ssettm $0x7FFFFFFF  }
0xc3: {  	_ =	shalt  }
tec
execute0_lowered:
.L_overlay_start_1:
0x0: {  	(tag) =	ssettag $0x1  }
0x1: {  	s1 =	srdreg.scid  }
0x2: {  	s0 =	stileid.u32;
	s6 =	rddreg [dreg:$0x0]  }
0x3: {  	s2 =	rddreg [dreg:$0x1];
	s3 =	simm.s32 $0x0;
	s15 =	simm.s32 $0x190  }
0x4: {  	s16 =	simm.s32 $0x4E20;
	s17 =	simm.s32 $0x3;
	s18 =	simm.s32 $0x1B620  }
0x5: {  	s19 =	simm.s32 $0x2;
	s20 =	simm.s32 $0xB220;
	s21 =	simm.s32 $0x1  }
0x6: {  	s22 =	simm.s32 $0x0;
	s5 =	sand.u32 $0x1, s1;
	s1 =	rddreg [dreg:$0x2]  }
0x7: {  	s29 =	sshll.u32 s0, $0x1;
	s8 =	smul.u32 $0xA000, s0;
	[smem:$0x7FF] =	sst s3  }
0x8: {  	s31 =	sshll.u32 s0, $0x6;
	s7 =	sor.u32 s5, s29;
	s9 =	smul.u32 $0xA0000, s5  }
0x9: {  	_ =	strace $0x80000047;
	s5 =	ssub.s32 $0x2, s5;
	s4 =	smul.u32 $0x2710, s7  }
0xa: {  	s11 =	sshrl.u32 s8, $0x3;
	s7 =	smul.u32 $0x500, s7;
	s30 =	sshrl.u32 s5, $0x1  }
0xb: {  	s14 =	sadd.s32 s8, s2;
	s9 =	sadd.s32 s8, s9;
	s11 =	sadd.s32 s11, s6  }
0xc: {  	s13 =	ssub.s32 s5, s30;
	s14 =	sshrl.u32 s14, $0x3;
	s4 =	sshrl.u32 s4, $0x3  }
.Ltmp0:
0xd: {  	s9 =	sshrl.u32 s9, $0x3;
	s12 =	sadd.s32 s7, s6;
	(pc) =	sbr.rel .LBB2_1-.Ltmp0, $4  }
0xe: {  	s7 =	sadd.s32 $0x2AC00, s11;
	s11 =	simm.s32 $0x5;
	s10 =	sadd.s32 s4, s6  }
0xf: {  	s4 =	sadd.s32 $0x17200, s6;
	s9 =	sadd.s32 s9, s6;
	s8 =	sadd.s32 $0x66C00, s12  }
0x10: {  	s12 =	simm.s32 $0x2710;
	s5 =	sadd.s32 $0x3800, s10;
	s6 =	sadd.s32 $0xD440, s10  }
0x11: {  	v0 =	vimm.f32 $0.0e+00;
	v1 =	vimm.f32 $1.000000000e+00;
	s9 =	sadd.s32 $0x3EC00, s9;
	s10 =	smax.u32 s13, $0x1;
	s13 =	sor.u32 $0x1C05, s31  }
.LBB2_8:
0x12: {  	_ =	swait.ge [sflag:s17], $0x6400  }
0x13: {  	[sflag:s17] =	ssyncset.done $0x0  }
0x14: {  	[sflag:s17] =	ssyncadd.s32 $0xFFFF9C00  }
0x15: {  	[hbm4b:s8+s3] =	stream.linear.scatter [tilespmem:s18], [sflag:$0x5], $0x2800, $0x38;
	[tilespmem:$0x1DE20] =	vst v63  }
0x16: {  	_ =	swait.ge [sflag:s11], $0x2800  }
0x17: {  	s22 =	sadd.s32 $0x1, s22;
	[sflag:s11] =	ssyncset.done $0x0  }
0x18: {  	p0 =	sne.s32 s22, s10;
	[sflag:s11] =	ssyncadd.s32 $0xFFFFD800  }
.Ltmp1:
0x19: {  	[bflag:$0x0] =	sbarrier.arrive $0xFFFF;
	(pc) =	sbr.rel @!p0 .LBB2_9-.Ltmp1, $4  }
0x1a: {  	[hbm:s9], [sflag:s13] =	dma.local [spmem:s14], $0x1400  }
0x1b: {  	_ =	swait.ge [sflag:s11], $0x1400  }
0x1c: {  	[sflag:s11] =	ssyncset.done $0x0  }
0x1d: {  	[sflag:s11] =	ssyncadd.s32 $0xFFFFEC00  }
.LBB2_1:
0x1e: {  	[tilespmem:s3], [sflag:$0x5] =	stream.linear.gather [hbm4b:s5+s3], $0x2710, $0x38;
	[tilespmem:$0x1DE20] =	vst v63  }
0x1f: {  	_ =	swait.ge [sflag:s11], $0x2710  }
0x20: {  	[sflag:s11] =	ssyncset.done $0x0  }
0x21: {  	[sflag:s11] =	ssyncadd.s32 $0xFFFFD8F0  }
0x22: {  	[tilespmem:s12], [sflag:$0x5] =	stream.linear.gather [hbm4b:s6+s3], $0x2710, $0x38;
	[tilespmem:$0x1DE20] =	vst v63  }
0x23: {  	_ =	swait.ge [sflag:s11], $0x2710  }
0x24: {  	[sflag:s11] =	ssyncset.done $0x0  }
0x25: {  	[sflag:s11] =	ssyncadd.s32 $0xFFFFD8F0  }
0x26: {  	[spmem:s14], [sflag:s13] =	dma.local [hbm:s7], $0x1400  }
0x27: {  	_ =	swait.ge [sflag:s11], $0x1400  }
0x28: {  	[sflag:s11] =	ssyncset.done $0x0  }
0x29: {  	s23 =	simm.s32 $0x40;
	s24 =	simm.s32 $0x0;
	[sflag:s11] =	ssyncadd.s32 $0xFFFFEC00  }
.LBB2_2:
0x2a: {  	p0 =	sne.s32 s23, $0x9FC0;
	[tilespmem:s24+$0x1B620] =	vst v0;
	s24 =	smov.u32 s23;
	s23 =	sadd.s32 $0x40, s23  }
.Ltmp2:
0x2b: {  	(pc) =	sbr.rel @p0 .LBB2_2-.Ltmp2, $2  }
0x2c: {  	_ =	sdelay $0x2  }
0x2d: {  	s24 =	sshra.s32 s24, $0x2  }
.Ltmp3:
0x2e: {  	(pc) =	sbr.rel .LBB2_4-.Ltmp3, $4  }
0x2f: {  	_ = 	snop  }
0x30: {  	[tilespmem:s24+$0x1B620] =	vst v0  }
0x31: {  	s23 =	simm.s32 $0x0;
	s24 =	simm.s32 $0x0;
	[bflag:$0x0] =	sbarrier.arrive $0xFFFF  }
0x32: {  	[tilespmem:s16], [sflag:$0x1] =	stream.indirect.gather [hbm4b:s4+s15], $0x40, s23, s15, $0xb8;
	[tilespmem:$0x1DE20] =	vst v63  }
.LBB2_6:
0x33: {  	_ =	swait.ge [sflag:s17], $0x6400;
	p0 =	seq.s32 s23, $0x9600  }
0x34: {  	[sflag:s17] =	ssyncset.done $0x0;
	s25 =	sshra.s32 @!p0 s23, $0x2;
	s26 =	simm.s32 @!p0 $0x190  }
0x35: {  	s28 =	simm.s32 @!p0 $0x4E20;
	[sflag:s17] =	ssyncadd.s32 $0xFFFF9C00;
	s25 =	sadd.s32 @!p0 $0x190, s25  }
0x36: {  	[tilespmem:s28], [sflag:$0x1] =	stream.indirect.gather @!p0 [hbm4b:s4+s26], $0x40, s25, s26, $0xb8;
	[tilespmem:$0x1DE20] =	vst v63  }
0x37: {  	s25 =	smov.u32 s23  }
0x38: {  	s25 =	simm.s32 @p0 $0x9600  }
0x39: {  	s25 =	sshra.s32 s25, $0x2  }
0x3a: {  	v2 =	vld [tilespmem:s25+$0x2710];
	_ =	sdelay $0x7  }
0x3b: {  	[tilespmem:v2+s18+$0x0] =	vst.idx.add.f32.msk $0xffff, v1  }
0x3c: {  	v2 =	vld [tilespmem:s25+$0x2720];
	_ =	sdelay $0x7  }
0x3d: {  	[tilespmem:v2+s18+$0x0] =	vst.idx.add.f32.msk $0xffff, v1  }
0x3e: {  	v2 =	vld [tilespmem:s25+$0x2730];
	_ =	sdelay $0x7  }
0x3f: {  	[tilespmem:v2+s18+$0x0] =	vst.idx.add.f32.msk $0xffff, v1  }
0x40: {  	v2 =	vld [tilespmem:s25+$0x2740];
	_ =	sdelay $0x7  }
0x41: {  	[tilespmem:v2+s18+$0x0] =	vst.idx.add.f32.msk $0xffff, v1  }
0x42: {  	v2 =	vld [tilespmem:s25+$0x2750];
	_ =	sdelay $0x7  }
0x43: {  	[tilespmem:v2+s18+$0x0] =	vst.idx.add.f32.msk $0xffff, v1  }
0x44: {  	v2 =	vld [tilespmem:s25+$0x2760];
	_ =	sdelay $0x7  }
0x45: {  	[tilespmem:v2+s18+$0x0] =	vst.idx.add.f32.msk $0xffff, v1  }
0x46: {  	v2 =	vld [tilespmem:s25+$0x2770];
	_ =	sdelay $0x7  }
0x47: {  	[tilespmem:v2+s18+$0x0] =	vst.idx.add.f32.msk $0xffff, v1  }
0x48: {  	v2 =	vld [tilespmem:s25+$0x2780];
	_ =	sdelay $0x7  }
0x49: {  	[tilespmem:v2+s18+$0x0] =	vst.idx.add.f32.msk $0xffff, v1  }
0x4a: {  	v2 =	vld [tilespmem:s25+$0x2790];
	_ =	sdelay $0x7  }
0x4b: {  	[tilespmem:v2+s18+$0x0] =	vst.idx.add.f32.msk $0xffff, v1  }
0x4c: {  	v2 =	vld [tilespmem:s25+$0x27A0];
	_ =	sdelay $0x7  }
0x4d: {  	[tilespmem:v2+s18+$0x0] =	vst.idx.add.f32.msk $0xffff, v1  }
0x4e: {  	v2 =	vld [tilespmem:s25+$0x27B0];
	_ =	sdelay $0x7  }
0x4f: {  	[tilespmem:v2+s18+$0x0] =	vst.idx.add.f32.msk $0xffff, v1  }
0x50: {  	v2 =	vld [tilespmem:s25+$0x27C0];
	_ =	sdelay $0x7  }
0x51: {  	[tilespmem:v2+s18+$0x0] =	vst.idx.add.f32.msk $0xffff, v1  }
0x52: {  	v2 =	vld [tilespmem:s25+$0x27D0];
	_ =	sdelay $0x7  }
0x53: {  	[tilespmem:v2+s18+$0x0] =	vst.idx.add.f32.msk $0xffff, v1  }
0x54: {  	v2 =	vld [tilespmem:s25+$0x27E0];
	_ =	sdelay $0x7  }
0x55: {  	[tilespmem:v2+s18+$0x0] =	vst.idx.add.f32.msk $0xffff, v1  }
0x56: {  	v2 =	vld [tilespmem:s25+$0x27F0];
	_ =	sdelay $0x7  }
0x57: {  	[tilespmem:v2+s18+$0x0] =	vst.idx.add.f32.msk $0xffff, v1  }
0x58: {  	v2 =	vld [tilespmem:s25+$0x2800];
	_ =	sdelay $0x7  }
0x59: {  	[tilespmem:v2+s18+$0x0] =	vst.idx.add.f32.msk $0xffff, v1  }
0x5a: {  	v2 =	vld [tilespmem:s25+$0x2810];
	_ =	sdelay $0x7  }
0x5b: {  	[tilespmem:v2+s18+$0x0] =	vst.idx.add.f32.msk $0xffff, v1  }
0x5c: {  	v2 =	vld [tilespmem:s25+$0x2820];
	_ =	sdelay $0x7  }
0x5d: {  	[tilespmem:v2+s18+$0x0] =	vst.idx.add.f32.msk $0xffff, v1  }
0x5e: {  	v2 =	vld [tilespmem:s25+$0x2830];
	_ =	sdelay $0x7  }
0x5f: {  	[tilespmem:v2+s18+$0x0] =	vst.idx.add.f32.msk $0xffff, v1  }
0x60: {  	v2 =	vld [tilespmem:s25+$0x2840];
	_ =	sdelay $0x7  }
0x61: {  	[tilespmem:v2+s18+$0x0] =	vst.idx.add.f32.msk $0xffff, v1  }
0x62: {  	v2 =	vld [tilespmem:s25+$0x2850];
	_ =	sdelay $0x7  }
0x63: {  	[tilespmem:v2+s18+$0x0] =	vst.idx.add.f32.msk $0xffff, v1  }
0x64: {  	v2 =	vld [tilespmem:s25+$0x2860];
	_ =	sdelay $0x7  }
0x65: {  	[tilespmem:v2+s18+$0x0] =	vst.idx.add.f32.msk $0xffff, v1  }
0x66: {  	v2 =	vld [tilespmem:s25+$0x2870];
	_ =	sdelay $0x7  }
0x67: {  	[tilespmem:v2+s18+$0x0] =	vst.idx.add.f32.msk $0xffff, v1  }
0x68: {  	v2 =	vld [tilespmem:s25+$0x2880];
	_ =	sdelay $0x7  }
0x69: {  	[tilespmem:v2+s18+$0x0] =	vst.idx.add.f32.msk $0xffff, v1  }
0x6a: {  	v2 =	vld [tilespmem:s25+$0x2890];
	_ =	sdelay $0x7  }
0x6b: {  	[tilespmem:v2+s18+$0x0] =	vst.idx.add.f32.msk $0xffff, v1  }
0x6c: {  	_ =	swait.ge [sflag:s19], $0x6400  }
0x6d: {  	[sflag:s19] =	ssyncset.done $0x0  }
0x6e: {  	s25 =	sadd.s32 $0x2710, s25;
	[sflag:s19] =	ssyncadd.s32 $0xFFFF9C00  }
0x6f: {  	[spmem:s2] =	stream.indirect.scatter.add.f32 [tilespmem:s20], [sflag:$0x4], $0x40, s25, s15, $0xb8;
	[tilespmem:$0x1DE20] =	vst v63  }
.LBB2_7:
0x70: {  	s23 =	sadd.s32 $0x640, s23  }
0x71: {  	p0 =	sne.s32 s23, $0x9C40  }
.Ltmp4:
0x72: {  	_ = 	snop;
	(pc) =	sbr.rel @!p0 .LBB2_8-.Ltmp4, $2  }
0x73: {  	_ =	sdelay $0x2  }
0x74: {  	s24 =	sadd.s32 $0x1, s24  }
.LBB2_4:
0x75: {  	s25 =	sand.u32 $0x1, s24  }
0x76: {  	p0 =	seq.s32 s25, $0x1  }
.Ltmp5:
0x77: {  	_ = 	snop;
	(pc) =	sbr.rel @p0 .LBB2_6-.Ltmp5, $1  }
0x78: {  	_ =	sdelay $0x3  }
0x79: {  	p0 =	seq.s32 s23, $0x0  }
0x7a: {  	s26 =	simm.s32 @!p0 $0x4  }
0x7b: {  	_ =	swait.ge @!p0 [sflag:s26], $0x6400  }
0x7c: {  	p1 =	seq.s32 @!p0 s23, $0x9600;
	[sflag:s26] =	ssyncset.done @!p0 $0x0  }
0x7d: {  	p1 =	por p0, !p1;
	[sflag:s26] =	ssyncadd.s32 @!p0 $0xFFFF9C00;
	s26 =	simm.s32 @!p0 $0x9600  }
0x7e: {  	s26 =	sshra.s32 @p1 s23, $0x2  }
0x7f: {  	s26 =	sadd.s32 @p1 $0x190, s26  }
0x80: {  	[tilespmem:s20], [sflag:$0x2] =	stream.indirect.gather @p1 [hbm4b:s4+s15], $0x40, s26, s15, $0xb8;
	[tilespmem:$0x1DE20] =	vst v63  }
0x81: {  	s26 =	smov.u32 @p1 s23  }
0x82: {  	s26 =	sshra.s32 s26, $0x2  }
0x83: {  	v2 =	vld [tilespmem:s26+$0x2710];
	_ =	sdelay $0x7  }
0x84: {  	[tilespmem:v2+s18+$0x0] =	vst.idx.add.f32.msk $0xffff, v1  }
0x85: {  	v2 =	vld [tilespmem:s26+$0x2720];
	_ =	sdelay $0x7  }
0x86: {  	[tilespmem:v2+s18+$0x0] =	vst.idx.add.f32.msk $0xffff, v1  }
0x87: {  	v2 =	vld [tilespmem:s26+$0x2730];
	_ =	sdelay $0x7  }
0x88: {  	[tilespmem:v2+s18+$0x0] =	vst.idx.add.f32.msk $0xffff, v1  }
0x89: {  	v2 =	vld [tilespmem:s26+$0x2740];
	_ =	sdelay $0x7  }
0x8a: {  	[tilespmem:v2+s18+$0x0] =	vst.idx.add.f32.msk $0xffff, v1  }
0x8b: {  	v2 =	vld [tilespmem:s26+$0x2750];
	_ =	sdelay $0x7  }
0x8c: {  	[tilespmem:v2+s18+$0x0] =	vst.idx.add.f32.msk $0xffff, v1  }
0x8d: {  	v2 =	vld [tilespmem:s26+$0x2760];
	_ =	sdelay $0x7  }
0x8e: {  	[tilespmem:v2+s18+$0x0] =	vst.idx.add.f32.msk $0xffff, v1  }
0x8f: {  	v2 =	vld [tilespmem:s26+$0x2770];
	_ =	sdelay $0x7  }
0x90: {  	[tilespmem:v2+s18+$0x0] =	vst.idx.add.f32.msk $0xffff, v1  }
0x91: {  	v2 =	vld [tilespmem:s26+$0x2780];
	_ =	sdelay $0x7  }
0x92: {  	[tilespmem:v2+s18+$0x0] =	vst.idx.add.f32.msk $0xffff, v1  }
0x93: {  	v2 =	vld [tilespmem:s26+$0x2790];
	_ =	sdelay $0x7  }
0x94: {  	[tilespmem:v2+s18+$0x0] =	vst.idx.add.f32.msk $0xffff, v1  }
0x95: {  	v2 =	vld [tilespmem:s26+$0x27A0];
	_ =	sdelay $0x7  }
0x96: {  	[tilespmem:v2+s18+$0x0] =	vst.idx.add.f32.msk $0xffff, v1  }
0x97: {  	v2 =	vld [tilespmem:s26+$0x27B0];
	_ =	sdelay $0x7  }
0x98: {  	[tilespmem:v2+s18+$0x0] =	vst.idx.add.f32.msk $0xffff, v1  }
0x99: {  	v2 =	vld [tilespmem:s26+$0x27C0];
	_ =	sdelay $0x7  }
0x9a: {  	[tilespmem:v2+s18+$0x0] =	vst.idx.add.f32.msk $0xffff, v1  }
0x9b: {  	v2 =	vld [tilespmem:s26+$0x27D0];
	_ =	sdelay $0x7  }
0x9c: {  	[tilespmem:v2+s18+$0x0] =	vst.idx.add.f32.msk $0xffff, v1  }
0x9d: {  	v2 =	vld [tilespmem:s26+$0x27E0];
	_ =	sdelay $0x7  }
0x9e: {  	[tilespmem:v2+s18+$0x0] =	vst.idx.add.f32.msk $0xffff, v1  }
0x9f: {  	v2 =	vld [tilespmem:s26+$0x27F0];
	_ =	sdelay $0x7  }
0xa0: {  	[tilespmem:v2+s18+$0x0] =	vst.idx.add.f32.msk $0xffff, v1  }
0xa1: {  	v2 =	vld [tilespmem:s26+$0x2800];
	_ =	sdelay $0x7  }
0xa2: {  	[tilespmem:v2+s18+$0x0] =	vst.idx.add.f32.msk $0xffff, v1  }
0xa3: {  	v2 =	vld [tilespmem:s26+$0x2810];
	_ =	sdelay $0x7  }
0xa4: {  	[tilespmem:v2+s18+$0x0] =	vst.idx.add.f32.msk $0xffff, v1  }
0xa5: {  	v2 =	vld [tilespmem:s26+$0x2820];
	_ =	sdelay $0x7  }
0xa6: {  	[tilespmem:v2+s18+$0x0] =	vst.idx.add.f32.msk $0xffff, v1  }
0xa7: {  	v2 =	vld [tilespmem:s26+$0x2830];
	_ =	sdelay $0x7  }
0xa8: {  	[tilespmem:v2+s18+$0x0] =	vst.idx.add.f32.msk $0xffff, v1  }
0xa9: {  	v2 =	vld [tilespmem:s26+$0x2840];
	_ =	sdelay $0x7  }
0xaa: {  	[tilespmem:v2+s18+$0x0] =	vst.idx.add.f32.msk $0xffff, v1  }
0xab: {  	v2 =	vld [tilespmem:s26+$0x2850];
	_ =	sdelay $0x7  }
0xac: {  	[tilespmem:v2+s18+$0x0] =	vst.idx.add.f32.msk $0xffff, v1  }
0xad: {  	v2 =	vld [tilespmem:s26+$0x2860];
	_ =	sdelay $0x7  }
0xae: {  	[tilespmem:v2+s18+$0x0] =	vst.idx.add.f32.msk $0xffff, v1  }
0xaf: {  	v2 =	vld [tilespmem:s26+$0x2870];
	_ =	sdelay $0x7  }
0xb0: {  	[tilespmem:v2+s18+$0x0] =	vst.idx.add.f32.msk $0xffff, v1  }
0xb1: {  	v2 =	vld [tilespmem:s26+$0x2880];
	_ =	sdelay $0x7  }
0xb2: {  	[tilespmem:v2+s18+$0x0] =	vst.idx.add.f32.msk $0xffff, v1  }
0xb3: {  	v2 =	vld [tilespmem:s26+$0x2890];
	_ =	sdelay $0x6  }
0xb4: {  	p0 =	seq.s32 s25, $0x0  }
.Ltmp6:
0xb5: {  	[tilespmem:v2+s18+$0x0] =	vst.idx.add.f32.msk $0xffff, v1;
	(pc) =	sbr.rel @p0 .LBB2_7-.Ltmp6, $4  }
.Ltmp7:
0xb6: {  	_ =	swait.ge [sflag:s21], $0x6400;
	(pc) =	sbr.rel @!p0 .LBB2_6-.Ltmp7, $4  }
0xb7: {  	[sflag:s21] =	ssyncset.done $0x0  }
0xb8: {  	s26 =	sadd.s32 $0x2710, s26;
	[sflag:s21] =	ssyncadd.s32 $0xFFFF9C00  }
0xb9: {  	[spmem:s2] =	stream.indirect.scatter.add.f32 [tilespmem:s16], [sflag:$0x3], $0x40, s26, s15, $0xb8;
	[tilespmem:$0x1DE20] =	vst v63  }
0xba: {  	_ = 	snop  }
.LBB2_9:
0xbb: {  	_ =	sfence.sel $0x180000  }
0xbc: {  	[bflag:$0x0] =	sbarrier.arrive $0xFFFF  }
0xbd: {  	p0 =	sne.s32 s0, $0x0;
	_ =	strace $0x90000047  }
0xbe: {  	s0 =	sadd.s32 @!p0 $0x100000, s1;
	[bflag:$0x2] =	sbarrier.arrive $0xFFFF  }
0xbf: {  	[sflag:s0] =	ssyncadd.tile.s32 @!p0 $0x1;
	_ =	shalt  }
.Lfunc_end2:
_tile_overlayer_lowered:
.L_overlay_start_2:
0xc0: {  	(tag) =	ssettag $0x2  }
0xc1: {  	s0 =	rddreg [dreg:$0x0];
	s2 =	stileid.u32  }
0xc2: {  	s1 =	rddreg [dreg:$0x1];
	p0 =	sne.s32 s2, $0x0  }
0xc3: {  	s3 =	rddreg [dreg:$0x2];
	[bflag:$0x3] =	sbarrier.arrive $0xFFFF;
	s2 =	simm.s32 @!p0 $0x1C05  }
0xc4: {  	[timem:s3], [sflag:s2] =	dma.local @!p0 [hbm:s0], s1  }
0xc5: {  	s0 =	simm.s32 @!p0 $0x5  }
0xc6: {  	_ =	swait.ge @!p0 [sflag:s0], s1  }
0xc7: {  	s1 =	ssub.s32 @!p0 $0x0, s1;
	[sflag:s0] =	ssyncset.done @!p0 $0x0  }
0xc8: {  	[sflag:s0] =	ssyncadd.s32 @!p0 s1  }
0xc9: {  	[bflag:$0x3] =	sbarrier.arrive $0xFFFF  }
0xca: {  	_ =	shalt  }

// kernel: kernel.14.cloned.1.call-start
scs
__scs_entry_jumppad:
0x0: {  	(pc) =	sbr.rel $0x88, $3  }
0x1: {  	(tag) =	ssettag $0x0;
	lr =	simm.s32 $0x1  }
0x2: {  	[smem:$0x3F93] =	sst lr;
	_ =	strace $0xD0000000  }
0x3: {  	_ = 	snop  }
0x4: {  	_ = 	snop  }
0x5: {  	_ = 	snop  }
0x6: {  	_ = 	snop  }
0x7: {  	_ = 	snop  }
__scs_overlays_trampoline_lowered:
0x8: {  	[smem:$0x3FA2] =	sst s0  }
0x9: {  	[smem:$0x3FA3] =	sst s1  }
0xa: {  	[smem:$0x3FA4] =	sst s2  }
0xb: {  	[smem:$0x3FA5] =	sst s3  }
0xc: {  	[smem:$0x3FA6] =	sst s4  }
0xd: {  	[smem:$0x3FA7] =	sst s5  }
0xe: {  	[smem:$0x3FA8] =	sst s6  }
0xf: {  	[smem:$0x3FA9] =	sst s7  }
0x10: {  	[smem:$0x3FAA] =	sst s8  }
0x11: {  	[smem:$0x3FAB] =	sst s9;
	s0 =	simm.s32 @!p0 $0x0  }
0x12: {  	s1 =	sld [smem:$0x3F91];
	s0 =	simm.s32 @p0 $0x1  }
0x13: {  	[smem:$0x3FAC] =	sst s0;
	s0 =	simm.s32 @!p1 $0x0  }
0x14: {  	s2 =	sld [smem:$0x3F90];
	s0 =	simm.s32 @p1 $0x1  }
0x15: {  	[smem:$0x3FAD] =	sst s0;
	s0 =	simm.s32 @!p2 $0x0  }
0x16: {  	s3 =	sld [smem:$0x3FDB];
	s0 =	simm.s32 @p2 $0x1  }
0x17: {  	s4 =	simm.s32 $0x1BF5;
	[smem:$0x3FAF] =	sst s0  }
0x18: {  	s0 =	sld [smem:$0x3F92];
	_ =	swait.ge [sflag:s4], $0x0  }
0x19: {  	s7 =	sld [smem:$0x3F93]  }
0x1a: {  	s8 =	sadd.s32 $0xFFFFE003, lr  }
0x1b: {  	s9 =	sadd.s32 $0xFFFFFEF7, lr;
	s5 =	simm.s32 $0xFFFFFFFF;
	p2 =	slt.u32 s8, $0xFFFFF086  }
0x1c: {  	p1 =	slt.u32 s9, $0xF7A;
	s5 =	simm.s32 @!p2 $0x0  }
0x1d: {  	s5 =	simm.s32 @p1 $0x1;
	p0 =	seq.s32 s7, s2  }
0x1e: {  	s7 =	smul.u32 @!p0 $0xF7A, s2;
	p2 =	seq.s32 @!p0 s5, $0x0  }
0x1f: {  	s9 =	smul.u32 $0xF7A, s1;
	s8 =	simm.s32 @!p0 $0x1BF5;
	p2 =	por !p2, p0  }
0x20: {  	[sflag:s8] =	ssyncset.s32 @!p0 $0xFFFFF086;
	s6 =	sadd.s32 @!p0 s3, s7;
	s7 =	simm.s32 @!p0 $0x108  }
0x21: {  	s3 =	sadd.s32 s3, s9;
	s6 =	sadd.s32 @!p0 $0x88, s6;
	s7 =	simm.s32 @p2 $0x1082  }
0x22: {  	[simem:s7], [sflag:s8] =	dma.local @!p0 [hbm:s6], $0xF7A  }
0x23: {  	s9 =	sor.u32 $0xD0000000, s2;
	s6 =	simm.s32 $0x108;
	_ =	swait.ge @!p0 [sflag:s8], $0x0  }
0x24: {  	s3 =	sadd.s32 $0x88, s3;
	s6 =	simm.s32 @!p1 $0x1082;
	[sflag:s4] =	ssyncset.s32 $0xFFFFF086  }
0x25: {  	[simem:s6], [sflag:s4] =	dma.local [hbm:s3], $0xF7A  }
0x26: {  	[smem:$0x3F93] =	sst s1;
	(tag) =	ssettag s2;
	_ =	strace s9  }
0x27: {  	s1 =	sld [smem:$0x3FA3]  }
0x28: {  	s2 =	sld [smem:$0x3FA4]  }
0x29: {  	s4 =	sld [smem:$0x3FA6]  }
0x2a: {  	p0 =	seq.s32 s5, $0x0;
	s5 =	sld [smem:$0x3FA7]  }
0x2b: {  	s6 =	sld [smem:$0x3FA8]  }
0x2c: {  	s7 =	sld [smem:$0x3FA9]  }
0x2d: {  	s3 =	simm.s32 $0x108;
	s8 =	sld [smem:$0x3FAA]  }
0x2e: {  	s3 =	simm.s32 @!p0 $0x1082;
	s9 =	sld [smem:$0x3FAB]  }
0x2f: {  	lr =	sadd.s32 s0, s3;
	s0 =	sld [smem:$0x3FA2]  }
0x30: {  	s3 =	sld [smem:$0x3FA5]  }
0x31: {  	[smem:$0x3FAE] =	sst s10  }
0x32: {  	s10 =	sld [smem:$0x3FAC];
	_ =	sdelay $0x3  }
0x33: {  	p0 =	seq.s32 s10, $0x1;
	s10 =	sld [smem:$0x3FAE];
	_ =	sdelay $0x3  }
0x34: {  	[smem:$0x3FAE] =	sst s10  }
0x35: {  	s10 =	sld [smem:$0x3FAD];
	_ =	sdelay $0x3  }
0x36: {  	p1 =	seq.s32 s10, $0x1;
	s10 =	sld [smem:$0x3FAE];
	_ =	sdelay $0x3  }
0x37: {  	[smem:$0x3FAE] =	sst s10  }
0x38: {  	s10 =	sld [smem:$0x3FAF]  }
0x39: {  	_ = 	snop;
	(pc) =	sbr.ind lr, $3  }
0x3a: {  	_ = 	snop  }
0x3b: {  	_ = 	snop  }
0x3c: {  	p2 =	seq.s32 s10, $0x1;
	s10 =	sld [smem:$0x3FAE]  }
0x3d: {  	_ =	shalt  }
0x3e: {  	_ =	shalt  }
0x3f: {  	_ =	shalt  }
0x40: {  	_ =	shalt  }
0x41: {  	_ =	shalt  }
0x42: {  	_ =	shalt  }
0x43: {  	_ =	shalt  }
0x44: {  	_ =	shalt  }
0x45: {  	_ =	shalt  }
0x46: {  	_ =	shalt  }
0x47: {  	_ =	shalt  }
0x48: {  	_ =	shalt  }
0x49: {  	_ =	shalt  }
0x4a: {  	_ =	shalt  }
0x4b: {  	_ =	shalt  }
0x4c: {  	_ =	shalt  }
0x4d: {  	_ =	shalt  }
0x4e: {  	_ =	shalt  }
0x4f: {  	_ =	shalt  }
0x50: {  	_ =	shalt  }
0x51: {  	_ =	shalt  }
0x52: {  	_ =	shalt  }
0x53: {  	_ =	shalt  }
0x54: {  	_ =	shalt  }
0x55: {  	_ =	shalt  }
0x56: {  	_ =	shalt  }
0x57: {  	_ =	shalt  }
0x58: {  	_ =	shalt  }
0x59: {  	_ =	shalt  }
0x5a: {  	_ =	shalt  }
0x5b: {  	_ =	shalt  }
0x5c: {  	_ =	shalt  }
0x5d: {  	_ =	shalt  }
0x5e: {  	_ =	shalt  }
0x5f: {  	_ =	shalt  }
0x60: {  	_ =	shalt  }
0x61: {  	_ =	shalt  }
0x62: {  	_ =	shalt  }
0x63: {  	_ =	shalt  }
0x64: {  	_ =	shalt  }
0x65: {  	_ =	shalt  }
0x66: {  	_ =	shalt  }
0x67: {  	_ =	shalt  }
0x68: {  	_ =	shalt  }
0x69: {  	_ =	shalt  }
0x6a: {  	_ =	shalt  }
0x6b: {  	_ =	shalt  }
0x6c: {  	_ =	shalt  }
0x6d: {  	_ =	shalt  }
0x6e: {  	_ =	shalt  }
0x6f: {  	_ =	shalt  }
0x70: {  	_ =	shalt  }
0x71: {  	_ =	shalt  }
0x72: {  	_ =	shalt  }
0x73: {  	_ =	shalt  }
0x74: {  	_ =	shalt  }
0x75: {  	_ =	shalt  }
0x76: {  	_ =	shalt  }
0x77: {  	_ =	shalt  }
0x78: {  	_ =	shalt  }
0x79: {  	_ =	shalt  }
0x7a: {  	_ =	shalt  }
0x7b: {  	_ =	shalt  }
0x7c: {  	_ =	shalt  }
0x7d: {  	_ =	shalt  }
0x7e: {  	_ =	shalt  }
0x7f: {  	_ =	shalt  }
0x80: {  	_ =	shalt  }
0x81: {  	_ =	shalt  }
0x82: {  	_ =	shalt  }
0x83: {  	_ =	shalt  }
0x84: {  	_ =	shalt  }
0x85: {  	_ =	shalt  }
0x86: {  	_ =	shalt  }
0x87: {  	_ =	shalt  }
.Lfunc_end0:
.L_simem_size_0:
called_computation.1_lowered:
.L_overlay_start_0:
0x88: {  	s2 =	sld [smem:$0x3FD9]  }
0x89: {  	s3 =	sld [smem:$0x3FFE];
	_ =	sdelay $0x1  }
0x8a: {  	s1 =	srdreg.scid  }
0x8b: {  	s0 =	sand.u32 $0x1, s1  }
0x8c: {  	s16 =	sshll.u32 s0, $0xA;
	s2 =	sadd.s32 s3, s2  }
0x8d: {  	s2 =	sadd.s32 s2, s16  }
0x8e: {  	[smem:$0x3FBA] =	sst s2  }
0x8f: {  	_ = 	snop  }
0x90: {  	(tm) =	ssettm $0x1  }
0x91: {  	s17 =	sld [smem:$0x3FFB];
	_ =	sdelay $0x3  }
0x92: {  	_ =	strace s17  }
0x93: {  	s2 =	sld [smem:$0x3FFC];
	_ =	sdelay $0x3  }
0x94: {  	_ =	strace s2  }
0x95: {  	s2 =	sld [smem:$0x3FFD];
	_ =	sdelay $0x3  }
0x96: {  	_ =	strace s2  }
0x97: {  	_ =	strace $0x8FFFFFFF  }
0x98: {  	s18 =	sld [smem:$0x3FDB];
	_ =	sdelay $0x1  }
0x99: {  	s19 =	simm.s32 $_scs_section_size  }
0x9a: {  	s4 =	simm.s32 $_size__tile_overlayer_lowered;
	s5 =	simm.s32 $_tile_overlayer_lowered  }
0x9b: {  	s22 =	simm.s32 $0x1BFF;
	s21 =	sshll.u32 s5, $0x1;
	s2 =	sadd.s32 s19, s18  }
0x9c: {  	s6 =	simm.s32 $0x0;
	s20 =	sshll.u32 s4, $0x1;
	s4 =	sadd.s32 s21, s2  }
0x9d: {  	[timem:s6], [sflag:s22] =	dma.local [hbm:s4], s20  }
0x9e: {  	_ =	swait.ge [sflag:s22], s20  }
0x9f: {  	s3 =	ssub.s32 $0x0, s20;
	[sflag:s22] =	ssyncset.done $0x0  }
0xa0: {  	[sflag:s22] =	ssyncadd.s32 s3;
	_ =	sdelay $0x1  }
0xa1: {  	s23 =	simm.s32 $0x1B8B  }
0xa2: {  	_ =	swait.ge [sflag:s23], $0x1  }
0xa3: {  	[sflag:s23] =	ssyncset.done $0x0  }
0xa4: {  	s25 =	simm.s32 $0x1B8E;
	s24 =	sld [smem:$0x3FFE];
	[sflag:s23] =	ssyncadd.s32 $0xFFFFFFFF  }
0xa5: {  	s26 =	simm.s32 $execute0_lowered;
	[smem:$0x3FD2] =	sst s25  }
0xa6: {  	s4 =	sshll.u32 s26, $0x1;
	_ =	strace $0x80000049;
	[dreg:$0x1] =	wrdreg $0xFFFFFFFF  }
0xa7: {  	s28 =	simm.s32 $_size_execute0_lowered;
	s2 =	sadd.s32 s2, s4;
	[dreg:$0x0] =	wrdreg $0x0  }
0xa8: {  	s4 =	sshll.u32 s28, $0x1;
	[dreg:$0x2] =	wrdreg s2  }
0xa9: {  	[dreg:$0x3] =	wrdreg s4  }
0xaa: {  	[dreg:$0x4] =	wrdreg $0xC0  }
0xab: {  	_ =	task [dreg:s6], $0x5FFFF  }
0xac: {  	[dreg:$0x1] =	wrdreg $0xFFFFFFFF  }
0xad: {  	[dreg:$0x0] =	wrdreg $0x60  }
0xae: {  	[dreg:$0x2] =	wrdreg s24  }
0xaf: {  	[dreg:$0x3] =	wrdreg $0x148200  }
0xb0: {  	[dreg:$0x4] =	wrdreg $0x9  }
0xb1: {  	_ =	task.clear_ibuf [dreg:s6], $0x5FFFF;
	_ =	strace $0x90000049  }
0xb2: {  	s29 =	simm.s32 $0x9;
	_ =	strace $0x8000004B  }
0xb3: {  	_ =	swait.ge [sflag:s29], $0x1  }
0xb4: {  	[sflag:s29] =	ssyncadd.s32 $0xFFFFFFFF  }
0xb5: {  	_ =	strace $0x9000004B  }
0xb6: {  	_ =	sfence  }
0xb7: {  	s30 =	sld [smem:$0x0];
	_ =	sdelay $0x2  }
0xb8: {  	s31 =	sshll.u32 s1, $0xD;
	s1 =	sshrl.u32 s1, $0x2  }
0xb9: {  	s3 =	sand.u32 $0x4000, s31;
	s1 =	sadd.s32 s1, s30  }
0xba: {  	s0 =	sor.u32 s3, s0;
	s1 =	sshll.u32 s1, $0x11  }
0xbb: {  	s0 =	sor.u32 s1, s0  }
0xbc: {  	s0 =	sadd.s32 $0x8F2B, s0  }
0xbd: {  	[sflag:s0] =	ssyncadd.remote.s32 $0x1  }
0xbe: {  	_ =	sfence.sel $0xFFFF  }
0xbf: {  	[dreg:$0x0] =	wrdreg $0xFFFFFFFF;
	(pc) =	sbr.abs _section_cstart, $3  }
0xc0: {  	[dreg:$0x1] =	wrdreg $0xFFFFFFFF  }
0xc1: {  	_ =	task.clear_ibuf [dreg:s6], $0x2FFFF;
	_ =	strace $0x9FFFFFFF  }
0xc2: {  	(tm) =	ssettm $0x7FFFFFFF  }
0xc3: {  	_ =	shalt  }
tec
execute0_lowered:
.L_overlay_start_1:
0x0: {  	(tag) =	ssettag $0x1  }
0x1: {  	s1 =	srdreg.scid;
	s0 =	stileid.u32  }
0x2: {  	s8 =	rddreg [dreg:$0x0];
	s20 =	simm.s32 $0x7D0;
	s22 =	simm.s32 $0x2AF8  }
0x3: {  	s1 =	sand.u32 $0x1, s1;
	s2 =	sshll.u32 s0, $0x1;
	s6 =	smul.u32 $0x5000, s0  }
0x4: {  	s3 =	sor.u32 s1, s2;
	s2 =	rddreg [dreg:$0x1];
	s5 =	smul.u32 $0x50000, s1  }
0x5: {  	s4 =	smul.u32 $0x2710, s3;
	s3 =	simm.s32 $0x0;
	s7 =	sshrl.u32 s6, $0x3  }
0x6: {  	[smem:$0x7FF] =	sst s3;
	s7 =	sadd.s32 s7, s8;
	s5 =	sadd.s32 s6, s5  }
0x7: {  	s4 =	sshrl.u32 s4, $0x3;
	_ =	strace $0x8000004A;
	[dreg:$0x7] =	wrdreg s20  }
0x8: {  	s18 =	sadd.s32 $0x21000, s7;
	[dreg:$0x8] =	wrdreg s22;
	s4 =	sadd.s32 s4, s8  }
0x9: {  	s5 =	sshrl.u32 s5, $0x3;
	[dreg:$0x5] =	wrdreg s18;
	s9 =	sadd.s32 $0x3800, s4  }
0xa: {  	s5 =	sadd.s32 s5, s8;
	s4 =	sadd.s32 $0xD440, s4;
	[dreg:$0x3] =	wrdreg s9  }
0xb: {  	s19 =	sadd.s32 $0x2B000, s5;
	[dreg:$0x4] =	wrdreg s4  }
0xc: {  	[dreg:$0x6] =	wrdreg s19  }
0xd: {  	s4 =	simm.s32 $0x5;
	s21 =	rddreg [dreg:$0x3]  }
0xe: {  	[tilespmem:s3], [sflag:$0x5] =	stream.linear.gather [hbm4b:s21+s3], $0x2710, $0x38;
	[tilespmem:$0x19820] =	vst v63  }
0xf: {  	_ =	swait.ge [sflag:s4], $0x2710  }
0x10: {  	[sflag:s4] =	ssyncset.done $0x0  }
0x11: {  	s5 =	simm.s32 $0x2710;
	s23 =	rddreg [dreg:$0x4];
	[sflag:s4] =	ssyncadd.s32 $0xFFFFD8F0  }
0x12: {  	[tilespmem:s5], [sflag:$0x5] =	stream.linear.gather [hbm4b:s23+s3], $0x2710, $0x38;
	[tilespmem:$0x19820] =	vst v63  }
0x13: {  	s26 =	sshll.u32 s0, $0x6;
	_ =	swait.ge [sflag:s4], $0x2710  }
0x14: {  	s25 =	sadd.s32 s6, s2;
	s6 =	sor.u32 $0x1C05, s26;
	[sflag:s4] =	ssyncset.done $0x0  }
0x15: {  	s7 =	sshrl.u32 s25, $0x3;
	s24 =	rddreg [dreg:$0x5];
	[sflag:s4] =	ssyncadd.s32 $0xFFFFD8F0  }
0x16: {  	[spmem:s7], [sflag:s6] =	dma.local [hbm:s24], $0xA00  }
0x17: {  	_ =	swait.ge [sflag:s4], $0xA00  }
0x18: {  	[sflag:s4] =	ssyncset.done $0x0  }
0x19: {  	s10 =	simm.s32 $0x4E20;
	[sflag:s4] =	ssyncadd.s32 $0xFFFFF600  }
0x1a: {  	s8 =	sadd.s32 $0x17200, s8;
	s9 =	simm.s32 $0x3E8;
	[bflag:$0x0] =	sbarrier.arrive $0xFFFF  }
0x1b: {  	[tilespmem:s10], [sflag:$0x1] =	stream.indirect.gather [hbm4b:s8+s9], $0x20, s3, s9, $0xb8;
	[tilespmem:$0x19820] =	vst v63  }
0x1c: {  	s11 =	simm.s32 $0xCB20;
	s12 =	simm.s32 $0x1  }
0x1d: {  	[tilespmem:s11], [sflag:$0x2] =	stream.indirect.gather [hbm4b:s8+s9], $0x20, s9, s9, $0xb8;
	[tilespmem:$0x19820] =	vst v63  }
0x1e: {  	_ =	swait.ge [sflag:s12], $0x7D00  }
0x1f: {  	[sflag:s12] =	ssyncset.done $0x0  }
0x20: {  	s13 =	simm.s32 $0x3;
	[sflag:s12] =	ssyncadd.s32 $0xFFFF8300  }
0x21: {  	[spmem:s2] =	stream.indirect.scatter.add.f32 [tilespmem:s10], [sflag:$0x3], $0x20, s5, s9, $0xb8;
	[tilespmem:$0x19820] =	vst v63  }
0x22: {  	_ =	swait.ge [sflag:s13], $0x7D00  }
0x23: {  	[sflag:s13] =	ssyncset.done $0x0  }
0x24: {  	s14 =	simm.s32 $0x2;
	s15 =	rddreg [dreg:$0x7];
	[sflag:s13] =	ssyncadd.s32 $0xFFFF8300  }
0x25: {  	[tilespmem:s10], [sflag:$0x1] =	stream.indirect.gather [hbm4b:s8+s9], $0x20, s15, s9, $0xb8;
	[tilespmem:$0x19820] =	vst v63  }
0x26: {  	_ =	swait.ge [sflag:s14], $0x7D00  }
0x27: {  	[sflag:s14] =	ssyncset.done $0x0  }
0x28: {  	s15 =	simm.s32 $0x4;
	s16 =	rddreg [dreg:$0x8];
	[sflag:s14] =	ssyncadd.s32 $0xFFFF8300  }
0x29: {  	[spmem:s2] =	stream.indirect.scatter.add.f32 [tilespmem:s11], [sflag:$0x4], $0x20, s16, s9, $0xb8;
	[tilespmem:$0x19820] =	vst v63  }
0x2a: {  	_ =	swait.ge [sflag:s15], $0x7D00  }
0x2b: {  	[sflag:s15] =	ssyncset.done $0x0  }
0x2c: {  	s16 =	simm.s32 $0xBB8;
	[sflag:s15] =	ssyncadd.s32 $0xFFFF8300  }
0x2d: {  	[tilespmem:s11], [sflag:$0x2] =	stream.indirect.gather [hbm4b:s8+s9], $0x20, s16, s9, $0xb8;
	[tilespmem:$0x19820] =	vst v63  }
0x2e: {  	_ =	swait.ge [sflag:s12], $0x7D00  }
0x2f: {  	[sflag:s12] =	ssyncset.done $0x0  }
0x30: {  	s17 =	simm.s32 $0x2EE0;
	[sflag:s12] =	ssyncadd.s32 $0xFFFF8300  }
0x31: {  	[spmem:s2] =	stream.indirect.scatter.add.f32 [tilespmem:s10], [sflag:$0x3], $0x20, s17, s9, $0xb8;
	[tilespmem:$0x19820] =	vst v63  }
0x32: {  	_ =	swait.ge [sflag:s13], $0x7D00  }
0x33: {  	[sflag:s13] =	ssyncset.done $0x0  }
0x34: {  	s18 =	simm.s32 $0xFA0;
	[sflag:s13] =	ssyncadd.s32 $0xFFFF8300  }
0x35: {  	[tilespmem:s10], [sflag:$0x1] =	stream.indirect.gather [hbm4b:s8+s9], $0x20, s18, s9, $0xb8;
	[tilespmem:$0x19820] =	vst v63  }
0x36: {  	_ =	swait.ge [sflag:s14], $0x7D00  }
0x37: {  	[sflag:s14] =	ssyncset.done $0x0  }
0x38: {  	s19 =	simm.s32 $0x32C8;
	[sflag:s14] =	ssyncadd.s32 $0xFFFF8300  }
0x39: {  	[spmem:s2] =	stream.indirect.scatter.add.f32 [tilespmem:s11], [sflag:$0x4], $0x20, s19, s9, $0xb8;
	[tilespmem:$0x19820] =	vst v63  }
0x3a: {  	_ =	swait.ge [sflag:s15], $0x7D00  }
0x3b: {  	[sflag:s15] =	ssyncset.done $0x0  }
0x3c: {  	s20 =	simm.s32 $0x1388;
	[sflag:s15] =	ssyncadd.s32 $0xFFFF8300  }
0x3d: {  	[tilespmem:s11], [sflag:$0x2] =	stream.indirect.gather [hbm4b:s8+s9], $0x20, s20, s9, $0xb8;
	[tilespmem:$0x19820] =	vst v63  }
0x3e: {  	_ =	swait.ge [sflag:s12], $0x7D00  }
0x3f: {  	[sflag:s12] =	ssyncset.done $0x0  }
0x40: {  	s21 =	simm.s32 $0x36B0;
	[sflag:s12] =	ssyncadd.s32 $0xFFFF8300  }
0x41: {  	[spmem:s2] =	stream.indirect.scatter.add.f32 [tilespmem:s10], [sflag:$0x3], $0x20, s21, s9, $0xb8;
	[tilespmem:$0x19820] =	vst v63  }
0x42: {  	_ =	swait.ge [sflag:s13], $0x7D00  }
0x43: {  	[sflag:s13] =	ssyncset.done $0x0  }
0x44: {  	s22 =	simm.s32 $0x1770;
	[sflag:s13] =	ssyncadd.s32 $0xFFFF8300  }
0x45: {  	[tilespmem:s10], [sflag:$0x1] =	stream.indirect.gather [hbm4b:s8+s9], $0x20, s22, s9, $0xb8;
	[tilespmem:$0x19820] =	vst v63  }
0x46: {  	_ =	swait.ge [sflag:s14], $0x7D00  }
0x47: {  	[sflag:s14] =	ssyncset.done $0x0  }
0x48: {  	s23 =	simm.s32 $0x3A98;
	[sflag:s14] =	ssyncadd.s32 $0xFFFF8300  }
0x49: {  	[spmem:s2] =	stream.indirect.scatter.add.f32 [tilespmem:s11], [sflag:$0x4], $0x20, s23, s9, $0xb8;
	[tilespmem:$0x19820] =	vst v63  }
0x4a: {  	_ =	swait.ge [sflag:s15], $0x7D00  }
0x4b: {  	[sflag:s15] =	ssyncset.done $0x0  }
0x4c: {  	s24 =	simm.s32 $0x1B58;
	[sflag:s15] =	ssyncadd.s32 $0xFFFF8300  }
0x4d: {  	[tilespmem:s11], [sflag:$0x2] =	stream.indirect.gather [hbm4b:s8+s9], $0x20, s24, s9, $0xb8;
	[tilespmem:$0x19820] =	vst v63  }
0x4e: {  	_ =	swait.ge [sflag:s12], $0x7D00  }
0x4f: {  	[sflag:s12] =	ssyncset.done $0x0  }
0x50: {  	s25 =	simm.s32 $0x3E80;
	[sflag:s12] =	ssyncadd.s32 $0xFFFF8300  }
0x51: {  	[spmem:s2] =	stream.indirect.scatter.add.f32 [tilespmem:s10], [sflag:$0x3], $0x20, s25, s9, $0xb8;
	[tilespmem:$0x19820] =	vst v63  }
0x52: {  	_ =	swait.ge [sflag:s13], $0x7D00  }
0x53: {  	[sflag:s13] =	ssyncset.done $0x0  }
0x54: {  	s26 =	simm.s32 $0x1F40;
	[sflag:s13] =	ssyncadd.s32 $0xFFFF8300  }
0x55: {  	[tilespmem:s10], [sflag:$0x1] =	stream.indirect.gather [hbm4b:s8+s9], $0x20, s26, s9, $0xb8;
	[tilespmem:$0x19820] =	vst v63  }
0x56: {  	_ =	swait.ge [sflag:s14], $0x7D00  }
0x57: {  	[sflag:s14] =	ssyncset.done $0x0  }
0x58: {  	s28 =	simm.s32 $0x4268;
	[sflag:s14] =	ssyncadd.s32 $0xFFFF8300  }
0x59: {  	[spmem:s2] =	stream.indirect.scatter.add.f32 [tilespmem:s11], [sflag:$0x4], $0x20, s28, s9, $0xb8;
	[tilespmem:$0x19820] =	vst v63  }
0x5a: {  	_ =	swait.ge [sflag:s15], $0x7D00  }
0x5b: {  	[sflag:s15] =	ssyncset.done $0x0  }
0x5c: {  	s29 =	simm.s32 $0x2328;
	[sflag:s15] =	ssyncadd.s32 $0xFFFF8300  }
0x5d: {  	[tilespmem:s11], [sflag:$0x2] =	stream.indirect.gather [hbm4b:s8+s9], $0x20, s29, s9, $0xb8;
	[tilespmem:$0x19820] =	vst v63  }
0x5e: {  	_ =	swait.ge [sflag:s12], $0x7D00  }
0x5f: {  	[sflag:s12] =	ssyncset.done $0x0  }
0x60: {  	s30 =	simm.s32 $0x4650;
	[sflag:s12] =	ssyncadd.s32 $0xFFFF8300  }
0x61: {  	[spmem:s2] =	stream.indirect.scatter.add.f32 [tilespmem:s10], [sflag:$0x3], $0x20, s30, s9, $0xb8;
	[tilespmem:$0x19820] =	vst v63  }
0x62: {  	_ =	swait.ge [sflag:s13], $0x7D00  }
0x63: {  	[sflag:s13] =	ssyncset.done $0x0  }
0x64: {  	[sflag:s13] =	ssyncadd.s32 $0xFFFF8300  }
0x65: {  	_ =	swait.ge [sflag:s14], $0x7D00  }
0x66: {  	[sflag:s14] =	ssyncset.done $0x0  }
0x67: {  	s31 =	simm.s32 $0x4A38;
	[sflag:s14] =	ssyncadd.s32 $0xFFFF8300  }
0x68: {  	[spmem:s2] =	stream.indirect.scatter.add.f32 [tilespmem:s11], [sflag:$0x4], $0x20, s31, s9, $0xb8;
	[tilespmem:$0x19820] =	vst v63  }
0x69: {  	_ =	swait.ge [sflag:s15], $0x7D00  }
0x6a: {  	[sflag:s15] =	ssyncset.done $0x0  }
0x6b: {  	[sflag:s15] =	ssyncadd.s32 $0xFFFF8300  }
0x6c: {  	[bflag:$0x0] =	sbarrier.arrive $0xFFFF  }
0x6d: {  	s1 =	ssub.s32 $0x2, s1;
	s0 =	rddreg [dreg:$0x6]  }
0x6e: {  	[dreg:$0x9] =	wrdreg s0;
	s0 =	sshrl.u32 s1, $0x1  }
0x6f: {  	s0 =	ssub.s32 s1, s0  }
0x70: {  	s0 =	smax.u32 s0, $0x1  }
0x71: {  	p0 =	sne.s32 s0, $0x1  }
.Ltmp0:
0x72: {  	_ = 	snop;
	(pc) =	sbr.rel @!p0 .LBB2_2-.Ltmp0, $4  }
0x73: {  	_ = 	snop  }
0x74: {  	s1 =	rddreg [dreg:$0x9]  }
0x75: {  	[hbm:s1], [sflag:s6] =	dma.local [spmem:s7], $0xA00  }
0x76: {  	s1 =	sadd.s32 $0xFFFFFFFF, s0;
	_ =	swait.ge [sflag:s4], $0xA00  }
.LBB2_1:
0x77: {  	[sflag:s4] =	ssyncset.done $0x0  }
0x78: {  	s0 =	rddreg [dreg:$0x3];
	[sflag:s4] =	ssyncadd.s32 $0xFFFFF600  }
0x79: {  	[tilespmem:s3], [sflag:$0x5] =	stream.linear.gather [hbm4b:s0+s3], $0x2710, $0x38;
	[tilespmem:$0x19820] =	vst v63  }
0x7a: {  	_ =	swait.ge [sflag:s4], $0x2710  }
0x7b: {  	[sflag:s4] =	ssyncset.done $0x0  }
0x7c: {  	s0 =	rddreg [dreg:$0x4];
	[sflag:s4] =	ssyncadd.s32 $0xFFFFD8F0  }
0x7d: {  	[tilespmem:s5], [sflag:$0x5] =	stream.linear.gather [hbm4b:s0+s3], $0x2710, $0x38;
	[tilespmem:$0x19820] =	vst v63  }
0x7e: {  	_ =	swait.ge [sflag:s4], $0x2710  }
0x7f: {  	[sflag:s4] =	ssyncset.done $0x0  }
0x80: {  	s0 =	rddreg [dreg:$0x5];
	[sflag:s4] =	ssyncadd.s32 $0xFFFFD8F0  }
0x81: {  	[spmem:s7], [sflag:s6] =	dma.local [hbm:s0], $0xA00  }
0x82: {  	_ =	swait.ge [sflag:s4], $0xA00  }
0x83: {  	[sflag:s4] =	ssyncset.done $0x0  }
0x84: {  	[sflag:s4] =	ssyncadd.s32 $0xFFFFF600  }
0x85: {  	[bflag:$0x0] =	sbarrier.arrive $0xFFFF  }
0x86: {  	[tilespmem:s10], [sflag:$0x1] =	stream.indirect.gather [hbm4b:s8+s9], $0x20, s3, s9, $0xb8;
	[tilespmem:$0x19820] =	vst v63  }
0x87: {  	_ = 	snop  }
0x88: {  	[tilespmem:s11], [sflag:$0x2] =	stream.indirect.gather [hbm4b:s8+s9], $0x20, s9, s9, $0xb8;
	[tilespmem:$0x19820] =	vst v63  }
0x89: {  	_ =	swait.ge [sflag:s12], $0x7D00  }
0x8a: {  	[sflag:s12] =	ssyncset.done $0x0  }
0x8b: {  	[sflag:s12] =	ssyncadd.s32 $0xFFFF8300  }
0x8c: {  	[spmem:s2] =	stream.indirect.scatter.add.f32 [tilespmem:s10], [sflag:$0x3], $0x20, s5, s9, $0xb8;
	[tilespmem:$0x19820] =	vst v63  }
0x8d: {  	_ =	swait.ge [sflag:s13], $0x7D00  }
0x8e: {  	[sflag:s13] =	ssyncset.done $0x0  }
0x8f: {  	s0 =	rddreg [dreg:$0x7];
	[sflag:s13] =	ssyncadd.s32 $0xFFFF8300  }
0x90: {  	[tilespmem:s10], [sflag:$0x1] =	stream.indirect.gather [hbm4b:s8+s9], $0x20, s0, s9, $0xb8;
	[tilespmem:$0x19820] =	vst v63  }
0x91: {  	_ =	swait.ge [sflag:s14], $0x7D00  }
0x92: {  	[sflag:s14] =	ssyncset.done $0x0  }
0x93: {  	s0 =	rddreg [dreg:$0x8];
	[sflag:s14] =	ssyncadd.s32 $0xFFFF8300  }
0x94: {  	[spmem:s2] =	stream.indirect.scatter.add.f32 [tilespmem:s11], [sflag:$0x4], $0x20, s0, s9, $0xb8;
	[tilespmem:$0x19820] =	vst v63  }
0x95: {  	_ =	swait.ge [sflag:s15], $0x7D00  }
0x96: {  	[sflag:s15] =	ssyncset.done $0x0  }
0x97: {  	[sflag:s15] =	ssyncadd.s32 $0xFFFF8300  }
0x98: {  	[tilespmem:s11], [sflag:$0x2] =	stream.indirect.gather [hbm4b:s8+s9], $0x20, s16, s9, $0xb8;
	[tilespmem:$0x19820] =	vst v63  }
0x99: {  	_ =	swait.ge [sflag:s12], $0x7D00  }
0x9a: {  	[sflag:s12] =	ssyncset.done $0x0  }
0x9b: {  	[sflag:s12] =	ssyncadd.s32 $0xFFFF8300  }
0x9c: {  	[spmem:s2] =	stream.indirect.scatter.add.f32 [tilespmem:s10], [sflag:$0x3], $0x20, s17, s9, $0xb8;
	[tilespmem:$0x19820] =	vst v63  }
0x9d: {  	_ =	swait.ge [sflag:s13], $0x7D00  }
0x9e: {  	[sflag:s13] =	ssyncset.done $0x0  }
0x9f: {  	[sflag:s13] =	ssyncadd.s32 $0xFFFF8300  }
0xa0: {  	[tilespmem:s10], [sflag:$0x1] =	stream.indirect.gather [hbm4b:s8+s9], $0x20, s18, s9, $0xb8;
	[tilespmem:$0x19820] =	vst v63  }
0xa1: {  	_ =	swait.ge [sflag:s14], $0x7D00  }
0xa2: {  	[sflag:s14] =	ssyncset.done $0x0  }
0xa3: {  	[sflag:s14] =	ssyncadd.s32 $0xFFFF8300  }
0xa4: {  	[spmem:s2] =	stream.indirect.scatter.add.f32 [tilespmem:s11], [sflag:$0x4], $0x20, s19, s9, $0xb8;
	[tilespmem:$0x19820] =	vst v63  }
0xa5: {  	_ =	swait.ge [sflag:s15], $0x7D00  }
0xa6: {  	[sflag:s15] =	ssyncset.done $0x0  }
0xa7: {  	[sflag:s15] =	ssyncadd.s32 $0xFFFF8300  }
0xa8: {  	[tilespmem:s11], [sflag:$0x2] =	stream.indirect.gather [hbm4b:s8+s9], $0x20, s20, s9, $0xb8;
	[tilespmem:$0x19820] =	vst v63  }
0xa9: {  	_ =	swait.ge [sflag:s12], $0x7D00  }
0xaa: {  	[sflag:s12] =	ssyncset.done $0x0  }
0xab: {  	[sflag:s12] =	ssyncadd.s32 $0xFFFF8300  }
0xac: {  	[spmem:s2] =	stream.indirect.scatter.add.f32 [tilespmem:s10], [sflag:$0x3], $0x20, s21, s9, $0xb8;
	[tilespmem:$0x19820] =	vst v63  }
0xad: {  	_ =	swait.ge [sflag:s13], $0x7D00  }
0xae: {  	[sflag:s13] =	ssyncset.done $0x0  }
0xaf: {  	[sflag:s13] =	ssyncadd.s32 $0xFFFF8300  }
0xb0: {  	[tilespmem:s10], [sflag:$0x1] =	stream.indirect.gather [hbm4b:s8+s9], $0x20, s22, s9, $0xb8;
	[tilespmem:$0x19820] =	vst v63  }
0xb1: {  	_ =	swait.ge [sflag:s14], $0x7D00  }
0xb2: {  	[sflag:s14] =	ssyncset.done $0x0  }
0xb3: {  	[sflag:s14] =	ssyncadd.s32 $0xFFFF8300  }
0xb4: {  	[spmem:s2] =	stream.indirect.scatter.add.f32 [tilespmem:s11], [sflag:$0x4], $0x20, s23, s9, $0xb8;
	[tilespmem:$0x19820] =	vst v63  }
0xb5: {  	_ =	swait.ge [sflag:s15], $0x7D00  }
0xb6: {  	[sflag:s15] =	ssyncset.done $0x0  }
0xb7: {  	[sflag:s15] =	ssyncadd.s32 $0xFFFF8300  }
0xb8: {  	[tilespmem:s11], [sflag:$0x2] =	stream.indirect.gather [hbm4b:s8+s9], $0x20, s24, s9, $0xb8;
	[tilespmem:$0x19820] =	vst v63  }
0xb9: {  	_ =	swait.ge [sflag:s12], $0x7D00  }
0xba: {  	[sflag:s12] =	ssyncset.done $0x0  }
0xbb: {  	[sflag:s12] =	ssyncadd.s32 $0xFFFF8300  }
0xbc: {  	[spmem:s2] =	stream.indirect.scatter.add.f32 [tilespmem:s10], [sflag:$0x3], $0x20, s25, s9, $0xb8;
	[tilespmem:$0x19820] =	vst v63  }
0xbd: {  	_ =	swait.ge [sflag:s13], $0x7D00  }
0xbe: {  	[sflag:s13] =	ssyncset.done $0x0  }
0xbf: {  	[sflag:s13] =	ssyncadd.s32 $0xFFFF8300  }
0xc0: {  	[tilespmem:s10], [sflag:$0x1] =	stream.indirect.gather [hbm4b:s8+s9], $0x20, s26, s9, $0xb8;
	[tilespmem:$0x19820] =	vst v63  }
0xc1: {  	_ =	swait.ge [sflag:s14], $0x7D00  }
0xc2: {  	[sflag:s14] =	ssyncset.done $0x0  }
0xc3: {  	[sflag:s14] =	ssyncadd.s32 $0xFFFF8300  }
0xc4: {  	[spmem:s2] =	stream.indirect.scatter.add.f32 [tilespmem:s11], [sflag:$0x4], $0x20, s28, s9, $0xb8;
	[tilespmem:$0x19820] =	vst v63  }
0xc5: {  	_ =	swait.ge [sflag:s15], $0x7D00  }
0xc6: {  	[sflag:s15] =	ssyncset.done $0x0  }
0xc7: {  	[sflag:s15] =	ssyncadd.s32 $0xFFFF8300  }
0xc8: {  	[tilespmem:s11], [sflag:$0x2] =	stream.indirect.gather [hbm4b:s8+s9], $0x20, s29, s9, $0xb8;
	[tilespmem:$0x19820] =	vst v63  }
0xc9: {  	_ =	swait.ge [sflag:s12], $0x7D00  }
0xca: {  	[sflag:s12] =	ssyncset.done $0x0  }
0xcb: {  	[sflag:s12] =	ssyncadd.s32 $0xFFFF8300  }
0xcc: {  	[spmem:s2] =	stream.indirect.scatter.add.f32 [tilespmem:s10], [sflag:$0x3], $0x20, s30, s9, $0xb8;
	[tilespmem:$0x19820] =	vst v63  }
0xcd: {  	_ =	swait.ge [sflag:s13], $0x7D00  }
0xce: {  	[sflag:s13] =	ssyncset.done $0x0  }
0xcf: {  	[sflag:s13] =	ssyncadd.s32 $0xFFFF8300  }
0xd0: {  	_ =	swait.ge [sflag:s14], $0x7D00  }
0xd1: {  	[sflag:s14] =	ssyncset.done $0x0  }
0xd2: {  	[sflag:s14] =	ssyncadd.s32 $0xFFFF8300  }
0xd3: {  	[spmem:s2] =	stream.indirect.scatter.add.f32 [tilespmem:s11], [sflag:$0x4], $0x20, s31, s9, $0xb8;
	[tilespmem:$0x19820] =	vst v63  }
0xd4: {  	_ =	swait.ge [sflag:s15], $0x7D00  }
0xd5: {  	p0 =	sne.s32 s1, $0x1;
	[sflag:s15] =	ssyncset.done $0x0  }
.Ltmp1:
0xd6: {  	[sflag:s15] =	ssyncadd.s32 $0xFFFF8300;
	(pc) =	sbr.rel @p0 .LBB2_1-.Ltmp1, $4  }
0xd7: {  	[bflag:$0x0] =	sbarrier.arrive $0xFFFF  }
0xd8: {  	s0 =	rddreg [dreg:$0x6]  }
0xd9: {  	[hbm:s0], [sflag:s6] =	dma.local [spmem:s7], $0xA00  }
0xda: {  	s1 =	sadd.s32 $0xFFFFFFFF, s1;
	_ =	swait.ge [sflag:s4], $0xA00  }
.LBB2_2:
0xdb: {  	[sflag:s4] =	ssyncset.done $0x0  }
0xdc: {  	[sflag:s4] =	ssyncadd.s32 $0xFFFFF600  }
0xdd: {  	_ =	sfence.sel $0x180000  }
0xde: {  	[bflag:$0x0] =	sbarrier.arrive $0xFFFF  }
0xdf: {  	_ =	strace $0x9000004A  }
0xe0: {  	s0 =	stileid.u32;
	[bflag:$0x2] =	sbarrier.arrive $0xFFFF  }
0xe1: {  	p0 =	sne.s32 s0, $0x0;
	s0 =	rddreg [dreg:$0x2]  }
0xe2: {  	s0 =	sadd.s32 @!p0 $0x100000, s0  }
0xe3: {  	[sflag:s0] =	ssyncadd.tile.s32 @!p0 $0x1;
	_ =	shalt  }
.Lfunc_end2:
_tile_overlayer_lowered:
.L_overlay_start_2:
0xe4: {  	(tag) =	ssettag $0x2  }
0xe5: {  	s0 =	rddreg [dreg:$0x0];
	s2 =	stileid.u32  }
0xe6: {  	s1 =	rddreg [dreg:$0x1];
	p0 =	sne.s32 s2, $0x0  }
0xe7: {  	s3 =	rddreg [dreg:$0x2];
	[bflag:$0x3] =	sbarrier.arrive $0xFFFF;
	s2 =	simm.s32 @!p0 $0x1C05  }
0xe8: {  	[timem:s3], [sflag:s2] =	dma.local @!p0 [hbm:s0], s1  }
0xe9: {  	s0 =	simm.s32 @!p0 $0x5  }
0xea: {  	_ =	swait.ge @!p0 [sflag:s0], s1  }
0xeb: {  	s1 =	ssub.s32 @!p0 $0x0, s1;
	[sflag:s0] =	ssyncset.done @!p0 $0x0  }
0xec: {  	[sflag:s0] =	ssyncadd.s32 @!p0 s1  }
0xed: {  	[bflag:$0x3] =	sbarrier.arrive $0xFFFF  }
0xee: {  	_ =	shalt  }

// kernel: kernel.17.cloned.1.call-start
scs
__scs_entry_jumppad:
0x0: {  	(pc) =	sbr.rel $0x88, $3  }
0x1: {  	(tag) =	ssettag $0x0;
	lr =	simm.s32 $0x1  }
0x2: {  	[smem:$0x3F93] =	sst lr;
	_ =	strace $0xD0000000  }
0x3: {  	_ = 	snop  }
0x4: {  	_ = 	snop  }
0x5: {  	_ = 	snop  }
0x6: {  	_ = 	snop  }
0x7: {  	_ = 	snop  }
__scs_overlays_trampoline_lowered:
0x8: {  	[smem:$0x3FA2] =	sst s0  }
0x9: {  	[smem:$0x3FA3] =	sst s1  }
0xa: {  	[smem:$0x3FA4] =	sst s2  }
0xb: {  	[smem:$0x3FA5] =	sst s3  }
0xc: {  	[smem:$0x3FA6] =	sst s4  }
0xd: {  	[smem:$0x3FA7] =	sst s5  }
0xe: {  	[smem:$0x3FA8] =	sst s6  }
0xf: {  	[smem:$0x3FA9] =	sst s7  }
0x10: {  	[smem:$0x3FAA] =	sst s8  }
0x11: {  	[smem:$0x3FAB] =	sst s9;
	s0 =	simm.s32 @!p0 $0x0  }
0x12: {  	s1 =	sld [smem:$0x3F91];
	s0 =	simm.s32 @p0 $0x1  }
0x13: {  	[smem:$0x3FAC] =	sst s0;
	s0 =	simm.s32 @!p1 $0x0  }
0x14: {  	s2 =	sld [smem:$0x3F90];
	s0 =	simm.s32 @p1 $0x1  }
0x15: {  	[smem:$0x3FAD] =	sst s0;
	s0 =	simm.s32 @!p2 $0x0  }
0x16: {  	s3 =	sld [smem:$0x3FDB];
	s0 =	simm.s32 @p2 $0x1  }
0x17: {  	s4 =	simm.s32 $0x1BF5;
	[smem:$0x3FAF] =	sst s0  }
0x18: {  	s0 =	sld [smem:$0x3F92];
	_ =	swait.ge [sflag:s4], $0x0  }
0x19: {  	s7 =	sld [smem:$0x3F93]  }
0x1a: {  	s8 =	sadd.s32 $0xFFFFE003, lr  }
0x1b: {  	s9 =	sadd.s32 $0xFFFFFEF7, lr;
	s5 =	simm.s32 $0xFFFFFFFF;
	p2 =	slt.u32 s8, $0xFFFFF086  }
0x1c: {  	p1 =	slt.u32 s9, $0xF7A;
	s5 =	simm.s32 @!p2 $0x0  }
0x1d: {  	s5 =	simm.s32 @p1 $0x1;
	p0 =	seq.s32 s7, s2  }
0x1e: {  	s7 =	smul.u32 @!p0 $0xF7A, s2;
	p2 =	seq.s32 @!p0 s5, $0x0  }
0x1f: {  	s9 =	smul.u32 $0xF7A, s1;
	s8 =	simm.s32 @!p0 $0x1BF5;
	p2 =	por !p2, p0  }
0x20: {  	[sflag:s8] =	ssyncset.s32 @!p0 $0xFFFFF086;
	s6 =	sadd.s32 @!p0 s3, s7;
	s7 =	simm.s32 @!p0 $0x108  }
0x21: {  	s3 =	sadd.s32 s3, s9;
	s6 =	sadd.s32 @!p0 $0x88, s6;
	s7 =	simm.s32 @p2 $0x1082  }
0x22: {  	[simem:s7], [sflag:s8] =	dma.local @!p0 [hbm:s6], $0xF7A  }
0x23: {  	s9 =	sor.u32 $0xD0000000, s2;
	s6 =	simm.s32 $0x108;
	_ =	swait.ge @!p0 [sflag:s8], $0x0  }
0x24: {  	s3 =	sadd.s32 $0x88, s3;
	s6 =	simm.s32 @!p1 $0x1082;
	[sflag:s4] =	ssyncset.s32 $0xFFFFF086  }
0x25: {  	[simem:s6], [sflag:s4] =	dma.local [hbm:s3], $0xF7A  }
0x26: {  	[smem:$0x3F93] =	sst s1;
	(tag) =	ssettag s2;
	_ =	strace s9  }
0x27: {  	s1 =	sld [smem:$0x3FA3]  }
0x28: {  	s2 =	sld [smem:$0x3FA4]  }
0x29: {  	s4 =	sld [smem:$0x3FA6]  }
0x2a: {  	p0 =	seq.s32 s5, $0x0;
	s5 =	sld [smem:$0x3FA7]  }
0x2b: {  	s6 =	sld [smem:$0x3FA8]  }
0x2c: {  	s7 =	sld [smem:$0x3FA9]  }
0x2d: {  	s3 =	simm.s32 $0x108;
	s8 =	sld [smem:$0x3FAA]  }
0x2e: {  	s3 =	simm.s32 @!p0 $0x1082;
	s9 =	sld [smem:$0x3FAB]  }
0x2f: {  	lr =	sadd.s32 s0, s3;
	s0 =	sld [smem:$0x3FA2]  }
0x30: {  	s3 =	sld [smem:$0x3FA5]  }
0x31: {  	[smem:$0x3FAE] =	sst s10  }
0x32: {  	s10 =	sld [smem:$0x3FAC];
	_ =	sdelay $0x3  }
0x33: {  	p0 =	seq.s32 s10, $0x1;
	s10 =	sld [smem:$0x3FAE];
	_ =	sdelay $0x3  }
0x34: {  	[smem:$0x3FAE] =	sst s10  }
0x35: {  	s10 =	sld [smem:$0x3FAD];
	_ =	sdelay $0x3  }
0x36: {  	p1 =	seq.s32 s10, $0x1;
	s10 =	sld [smem:$0x3FAE];
	_ =	sdelay $0x3  }
0x37: {  	[smem:$0x3FAE] =	sst s10  }
0x38: {  	s10 =	sld [smem:$0x3FAF]  }
0x39: {  	_ = 	snop;
	(pc) =	sbr.ind lr, $3  }
0x3a: {  	_ = 	snop  }
0x3b: {  	_ = 	snop  }
0x3c: {  	p2 =	seq.s32 s10, $0x1;
	s10 =	sld [smem:$0x3FAE]  }
0x3d: {  	_ =	shalt  }
0x3e: {  	_ =	shalt  }
0x3f: {  	_ =	shalt  }
0x40: {  	_ =	shalt  }
0x41: {  	_ =	shalt  }
0x42: {  	_ =	shalt  }
0x43: {  	_ =	shalt  }
0x44: {  	_ =	shalt  }
0x45: {  	_ =	shalt  }
0x46: {  	_ =	shalt  }
0x47: {  	_ =	shalt  }
0x48: {  	_ =	shalt  }
0x49: {  	_ =	shalt  }
0x4a: {  	_ =	shalt  }
0x4b: {  	_ =	shalt  }
0x4c: {  	_ =	shalt  }
0x4d: {  	_ =	shalt  }
0x4e: {  	_ =	shalt  }
0x4f: {  	_ =	shalt  }
0x50: {  	_ =	shalt  }
0x51: {  	_ =	shalt  }
0x52: {  	_ =	shalt  }
0x53: {  	_ =	shalt  }
0x54: {  	_ =	shalt  }
0x55: {  	_ =	shalt  }
0x56: {  	_ =	shalt  }
0x57: {  	_ =	shalt  }
0x58: {  	_ =	shalt  }
0x59: {  	_ =	shalt  }
0x5a: {  	_ =	shalt  }
0x5b: {  	_ =	shalt  }
0x5c: {  	_ =	shalt  }
0x5d: {  	_ =	shalt  }
0x5e: {  	_ =	shalt  }
0x5f: {  	_ =	shalt  }
0x60: {  	_ =	shalt  }
0x61: {  	_ =	shalt  }
0x62: {  	_ =	shalt  }
0x63: {  	_ =	shalt  }
0x64: {  	_ =	shalt  }
0x65: {  	_ =	shalt  }
0x66: {  	_ =	shalt  }
0x67: {  	_ =	shalt  }
0x68: {  	_ =	shalt  }
0x69: {  	_ =	shalt  }
0x6a: {  	_ =	shalt  }
0x6b: {  	_ =	shalt  }
0x6c: {  	_ =	shalt  }
0x6d: {  	_ =	shalt  }
0x6e: {  	_ =	shalt  }
0x6f: {  	_ =	shalt  }
0x70: {  	_ =	shalt  }
0x71: {  	_ =	shalt  }
0x72: {  	_ =	shalt  }
0x73: {  	_ =	shalt  }
0x74: {  	_ =	shalt  }
0x75: {  	_ =	shalt  }
0x76: {  	_ =	shalt  }
0x77: {  	_ =	shalt  }
0x78: {  	_ =	shalt  }
0x79: {  	_ =	shalt  }
0x7a: {  	_ =	shalt  }
0x7b: {  	_ =	shalt  }
0x7c: {  	_ =	shalt  }
0x7d: {  	_ =	shalt  }
0x7e: {  	_ =	shalt  }
0x7f: {  	_ =	shalt  }
0x80: {  	_ =	shalt  }
0x81: {  	_ =	shalt  }
0x82: {  	_ =	shalt  }
0x83: {  	_ =	shalt  }
0x84: {  	_ =	shalt  }
0x85: {  	_ =	shalt  }
0x86: {  	_ =	shalt  }
0x87: {  	_ =	shalt  }
.Lfunc_end0:
.L_simem_size_0:
called_computation.2_lowered:
.L_overlay_start_0:
0x88: {  	s2 =	sld [smem:$0x3FD9]  }
0x89: {  	s3 =	sld [smem:$0x3FFE];
	_ =	sdelay $0x1  }
0x8a: {  	s1 =	srdreg.scid  }
0x8b: {  	s0 =	sand.u32 $0x1, s1  }
0x8c: {  	s17 =	sshll.u32 s0, $0xA;
	s2 =	sadd.s32 s3, s2  }
0x8d: {  	s2 =	sadd.s32 s2, s17  }
0x8e: {  	[smem:$0x3FBA] =	sst s2  }
0x8f: {  	_ = 	snop  }
0x90: {  	s2 =	sld [smem:$0x3FD0];
	(tm) =	ssettm $0x1  }
0x91: {  	s18 =	sld [smem:$0x3FFB];
	_ =	sdelay $0x3  }
0x92: {  	_ =	strace s18  }
0x93: {  	s3 =	sld [smem:$0x3FFC];
	_ =	sdelay $0x3  }
0x94: {  	_ =	strace s3  }
0x95: {  	s3 =	sld [smem:$0x3FFD];
	_ =	sdelay $0x3  }
0x96: {  	_ =	strace s3  }
0x97: {  	_ =	strace $0x8FFFFFFF  }
0x98: {  	s19 =	sld [smem:$0x3FDB];
	_ =	sdelay $0x1  }
0x99: {  	s4 =	simm.s32 $_scs_section_size  }
0x9a: {  	s5 =	simm.s32 $_size__tile_overlayer_lowered;
	s6 =	simm.s32 $_tile_overlayer_lowered  }
0x9b: {  	s22 =	simm.s32 $0x1BFF;
	s21 =	sshll.u32 s6, $0x1;
	s3 =	sadd.s32 s4, s19  }
0x9c: {  	s7 =	simm.s32 $0x0;
	s20 =	sshll.u32 s5, $0x1;
	s5 =	sadd.s32 s21, s3  }
0x9d: {  	[timem:s7], [sflag:s22] =	dma.local [hbm:s5], s20  }
0x9e: {  	_ =	swait.ge [sflag:s22], s20  }
0x9f: {  	s4 =	ssub.s32 $0x0, s20;
	[sflag:s22] =	ssyncset.done $0x0  }
0xa0: {  	[sflag:s22] =	ssyncadd.s32 s4;
	_ =	sdelay $0x1  }
0xa1: {  	s23 =	simm.s32 $0x1B8B  }
0xa2: {  	_ =	swait.ge [sflag:s23], $0x1  }
0xa3: {  	[sflag:s23] =	ssyncset.done $0x0  }
0xa4: {  	s25 =	simm.s32 $0x1B8E;
	s24 =	sld [smem:$0x3FFE];
	[sflag:s23] =	ssyncadd.s32 $0xFFFFFFFF  }
0xa5: {  	s26 =	simm.s32 $execute0_lowered;
	[smem:$0x3FD2] =	sst s25  }
0xa6: {  	s5 =	sshll.u32 s26, $0x1;
	_ =	strace $0x8000004C;
	[dreg:$0x1] =	wrdreg $0xFFFFFFFF  }
0xa7: {  	s28 =	simm.s32 $_size_execute0_lowered;
	s3 =	sadd.s32 s3, s5;
	[dreg:$0x0] =	wrdreg $0x0  }
0xa8: {  	s5 =	sshll.u32 s28, $0x1;
	[dreg:$0x2] =	wrdreg s3  }
0xa9: {  	[dreg:$0x3] =	wrdreg s5  }
0xaa: {  	[dreg:$0x4] =	wrdreg $0xC0  }
0xab: {  	_ =	task [dreg:s7], $0x5FFFF  }
0xac: {  	[dreg:$0x1] =	wrdreg $0xFFFFFFFF  }
0xad: {  	[dreg:$0x0] =	wrdreg $0x60  }
0xae: {  	[dreg:$0x2] =	wrdreg s24  }
0xaf: {  	[dreg:$0x3] =	wrdreg s2  }
0xb0: {  	[dreg:$0x4] =	wrdreg $0x148200  }
0xb1: {  	[dreg:$0x5] =	wrdreg $0x9  }
0xb2: {  	_ =	task.clear_ibuf [dreg:s7], $0x6FFFF;
	_ =	strace $0x9000004C  }
0xb3: {  	s29 =	simm.s32 $0x9;
	_ =	strace $0x8000004E  }
0xb4: {  	_ =	swait.ge [sflag:s29], $0x1  }
0xb5: {  	[sflag:s29] =	ssyncadd.s32 $0xFFFFFFFF  }
0xb6: {  	_ =	strace $0x9000004E  }
0xb7: {  	_ =	sfence  }
0xb8: {  	s30 =	sld [smem:$0x0];
	_ =	sdelay $0x2  }
0xb9: {  	s31 =	sshll.u32 s1, $0xD;
	s1 =	sshrl.u32 s1, $0x2  }
0xba: {  	s3 =	sand.u32 $0x4000, s31;
	s1 =	sadd.s32 s1, s30  }
0xbb: {  	s0 =	sor.u32 s3, s0;
	s1 =	sshll.u32 s1, $0x11  }
0xbc: {  	s0 =	sor.u32 s1, s0  }
0xbd: {  	s0 =	sadd.s32 $0x8F2B, s0  }
0xbe: {  	[sflag:s0] =	ssyncadd.remote.s32 $0x1  }
0xbf: {  	_ =	sfence.sel $0xFFFF  }
0xc0: {  	[dreg:$0x0] =	wrdreg $0xFFFFFFFF;
	(pc) =	sbr.abs _section_cstart, $3  }
0xc1: {  	[dreg:$0x1] =	wrdreg $0xFFFFFFFF  }
0xc2: {  	_ =	task.clear_ibuf [dreg:s7], $0x2FFFF;
	_ =	strace $0x9FFFFFFF  }
0xc3: {  	(tm) =	ssettm $0x7FFFFFFF  }
tec
execute0_lowered:
.L_overlay_start_1:
0x0: {  	(tag) =	ssettag $0x1  }
0x1: {  	s1 =	srdreg.scid;
	s0 =	stileid.u32  }
0x2: {  	s28 =	sand.u32 $0x1, s1;
	s30 =	sshll.u32 s0, $0x1  }
0x3: {  	s26 =	rddreg [dreg:$0x0];
	s1 =	sor.u32 s28, s30  }
0x4: {  	s2 =	rddreg [dreg:$0x1];
	s5 =	smul.u32 $0x2710, s1  }
0x5: {  	s3 =	rddreg [dreg:$0x2];
	s4 =	simm.s32 $0x0  }
0x6: {  	[smem:$0x7FF] =	sst s4;
	s5 =	sshrl.u32 s5, $0x3  }
0x7: {  	s1 =	rddreg [dreg:$0x3];
	s7 =	sadd.s32 s5, s26  }
0x8: {  	_ =	strace $0x8000004D;
	s5 =	simm.s32 $0x5;
	s6 =	sadd.s32 $0x3800, s7  }
0x9: {  	[tilespmem:s4], [sflag:$0x5] =	stream.linear.gather [hbm4b:s6+s4], $0x2710, $0x38;
	[tilespmem:$0x17020] =	vst v63  }
0xa: {  	_ =	swait.ge [sflag:s5], $0x2710  }
0xb: {  	s8 =	simm.s32 $0x2710;
	s29 =	smul.u32 $0x2800, s0;
	[sflag:s5] =	ssyncset.done $0x0  }
0xc: {  	s10 =	sshll.u32 s0, $0x6;
	s7 =	sadd.s32 $0xD440, s7;
	[sflag:s5] =	ssyncadd.s32 $0xFFFFD8F0  }
0xd: {  	[tilespmem:s8], [sflag:$0x5] =	stream.linear.gather [hbm4b:s7+s4], $0x2710, $0x38;
	[tilespmem:$0x17020] =	vst v63  }
0xe: {  	s10 =	sor.u32 $0x1C05, s10;
	s9 =	sshrl.u32 s29, $0x3;
	_ =	swait.ge [sflag:s5], $0x2710  }
0xf: {  	s11 =	sadd.s32 s29, s3;
	s9 =	sadd.s32 s9, s26;
	[sflag:s5] =	ssyncset.done $0x0  }
0x10: {  	s11 =	sshrl.u32 s11, $0x3;
	s9 =	sadd.s32 $0x17200, s9;
	[sflag:s5] =	ssyncadd.s32 $0xFFFFD8F0  }
0x11: {  	[spmem:s11], [sflag:s10] =	dma.local [hbm:s9], $0x500  }
0x12: {  	_ =	swait.ge [sflag:s5], $0x500  }
0x13: {  	[sflag:s5] =	ssyncset.done $0x0  }
0x14: {  	[sflag:s5] =	ssyncadd.s32 $0xFFFFFB00  }
0x15: {  	s12 =	simm.s32 $0x7D0;
	s13 =	simm.s32 $0x4E20;
	[bflag:$0x0] =	sbarrier.arrive $0xFFFF  }
0x16: {  	[tilespmem:s13], [sflag:$0x1] =	stream.indirect.gather [hbm4b:s2+s12], $0x10, s4, s12, $0xb8;
	[tilespmem:$0x17020] =	vst v63  }
0x17: {  	s14 =	simm.s32 $0xCB20;
	s15 =	simm.s32 $0x1  }
0x18: {  	[tilespmem:s14], [sflag:$0x2] =	stream.indirect.gather [hbm4b:s2+s12], $0x10, s12, s12, $0xb8;
	[tilespmem:$0x17020] =	vst v63  }
0x19: {  	_ =	swait.ge [sflag:s15], $0x7D00  }
0x1a: {  	[sflag:s15] =	ssyncset.done $0x0  }
0x1b: {  	s16 =	simm.s32 $0x3;
	[sflag:s15] =	ssyncadd.s32 $0xFFFF8300  }
0x1c: {  	[spmem:s3] =	stream.indirect.scatter.add.f32 [tilespmem:s13], [sflag:$0x3], $0x10, s8, s12, $0xb8;
	[tilespmem:$0x17020] =	vst v63  }
0x1d: {  	_ =	swait.ge [sflag:s16], $0x7D00  }
0x1e: {  	[sflag:s16] =	ssyncset.done $0x0  }
0x1f: {  	s17 =	simm.s32 $0xFA0;
	s18 =	simm.s32 $0x2;
	[sflag:s16] =	ssyncadd.s32 $0xFFFF8300  }
0x20: {  	[tilespmem:s13], [sflag:$0x1] =	stream.indirect.gather [hbm4b:s2+s12], $0x10, s17, s12, $0xb8;
	[tilespmem:$0x17020] =	vst v63  }
0x21: {  	_ =	swait.ge [sflag:s18], $0x7D00  }
0x22: {  	[sflag:s18] =	ssyncset.done $0x0  }
0x23: {  	s19 =	simm.s32 $0x2EE0;
	s20 =	simm.s32 $0x4;
	[sflag:s18] =	ssyncadd.s32 $0xFFFF8300  }
0x24: {  	[spmem:s3] =	stream.indirect.scatter.add.f32 [tilespmem:s14], [sflag:$0x4], $0x10, s19, s12, $0xb8;
	[tilespmem:$0x17020] =	vst v63  }
0x25: {  	_ =	swait.ge [sflag:s20], $0x7D00  }
0x26: {  	[sflag:s20] =	ssyncset.done $0x0  }
0x27: {  	s21 =	simm.s32 $0x1770;
	[sflag:s20] =	ssyncadd.s32 $0xFFFF8300  }
0x28: {  	[tilespmem:s14], [sflag:$0x2] =	stream.indirect.gather [hbm4b:s2+s12], $0x10, s21, s12, $0xb8;
	[tilespmem:$0x17020] =	vst v63  }
0x29: {  	_ =	swait.ge [sflag:s15], $0x7D00  }
0x2a: {  	[sflag:s15] =	ssyncset.done $0x0  }
0x2b: {  	s22 =	simm.s32 $0x36B0;
	[sflag:s15] =	ssyncadd.s32 $0xFFFF8300  }
0x2c: {  	[spmem:s3] =	stream.indirect.scatter.add.f32 [tilespmem:s13], [sflag:$0x3], $0x10, s22, s12, $0xb8;
	[tilespmem:$0x17020] =	vst v63  }
0x2d: {  	_ =	swait.ge [sflag:s16], $0x7D00  }
0x2e: {  	[sflag:s16] =	ssyncset.done $0x0  }
0x2f: {  	s23 =	simm.s32 $0x1F40;
	[sflag:s16] =	ssyncadd.s32 $0xFFFF8300  }
0x30: {  	[tilespmem:s13], [sflag:$0x1] =	stream.indirect.gather [hbm4b:s2+s12], $0x10, s23, s12, $0xb8;
	[tilespmem:$0x17020] =	vst v63  }
0x31: {  	_ =	swait.ge [sflag:s18], $0x7D00  }
0x32: {  	[sflag:s18] =	ssyncset.done $0x0  }
0x33: {  	s24 =	simm.s32 $0x3E80;
	[sflag:s18] =	ssyncadd.s32 $0xFFFF8300  }
0x34: {  	[spmem:s3] =	stream.indirect.scatter.add.f32 [tilespmem:s14], [sflag:$0x4], $0x10, s24, s12, $0xb8;
	[tilespmem:$0x17020] =	vst v63  }
0x35: {  	_ =	swait.ge [sflag:s20], $0x7D00  }
0x36: {  	[sflag:s20] =	ssyncset.done $0x0  }
0x37: {  	[sflag:s20] =	ssyncadd.s32 $0xFFFF8300  }
0x38: {  	s30 =	smul.u32 $0x28000, s28;
	s28 =	ssub.s32 $0x2, s28;
	_ =	swait.ge [sflag:s15], $0x7D00  }
0x39: {  	s31 =	sshrl.u32 s28, $0x1;
	[sflag:s15] =	ssyncset.done $0x0  }
0x3a: {  	s25 =	simm.s32 $0x4650;
	s28 =	ssub.s32 s28, s31;
	[sflag:s15] =	ssyncadd.s32 $0xFFFF8300  }
0x3b: {  	[spmem:s3] =	stream.indirect.scatter.add.f32 [tilespmem:s13], [sflag:$0x3], $0x10, s25, s12, $0xb8;
	[tilespmem:$0x17020] =	vst v63  }
0x3c: {  	s29 =	sadd.s32 s29, s30;
	s28 =	smax.u32 s28, $0x1;
	_ =	swait.ge [sflag:s16], $0x7D00  }
0x3d: {  	s29 =	sshrl.u32 s29, $0x3;
	p0 =	sne.s32 s28, $0x1;
	[sflag:s16] =	ssyncset.done $0x0  }
.Ltmp0:
0x3e: {  	s26 =	sadd.s32 s29, s26;
	[sflag:s16] =	ssyncadd.s32 $0xFFFF8300;
	(pc) =	sbr.rel @!p0 .LBB2_2-.Ltmp0, $4  }
0x3f: {  	s26 =	sadd.s32 $0x1C200, s26;
	[bflag:$0x0] =	sbarrier.arrive $0xFFFF  }
0x40: {  	[hbm:s26], [sflag:s10] =	dma.local [spmem:s11], $0x500  }
0x41: {  	_ =	swait.ge [sflag:s5], $0x500  }
0x42: {  	s28 =	sadd.s32 $0xFFFFFFFF, s28;
	[sflag:s5] =	ssyncset.done $0x0  }
.LBB2_1:
0x43: {  	p0 =	sne.s32 s28, $0x1;
	s28 =	sadd.s32 $0xFFFFFFFF, s28;
	[sflag:s5] =	ssyncadd.s32 $0xFFFFFB00  }
0x44: {  	[tilespmem:s4], [sflag:$0x5] =	stream.linear.gather [hbm4b:s6+s4], $0x2710, $0x38;
	[tilespmem:$0x17020] =	vst v63  }
0x45: {  	_ =	swait.ge [sflag:s5], $0x2710  }
0x46: {  	[sflag:s5] =	ssyncset.done $0x0  }
0x47: {  	[sflag:s5] =	ssyncadd.s32 $0xFFFFD8F0  }
0x48: {  	[tilespmem:s8], [sflag:$0x5] =	stream.linear.gather [hbm4b:s7+s4], $0x2710, $0x38;
	[tilespmem:$0x17020] =	vst v63  }
0x49: {  	_ =	swait.ge [sflag:s5], $0x2710  }
0x4a: {  	[sflag:s5] =	ssyncset.done $0x0  }
0x4b: {  	[sflag:s5] =	ssyncadd.s32 $0xFFFFD8F0  }
0x4c: {  	[spmem:s11], [sflag:s10] =	dma.local [hbm:s9], $0x500  }
0x4d: {  	_ =	swait.ge [sflag:s5], $0x500  }
0x4e: {  	[sflag:s5] =	ssyncset.done $0x0  }
0x4f: {  	[sflag:s5] =	ssyncadd.s32 $0xFFFFFB00  }
0x50: {  	[bflag:$0x0] =	sbarrier.arrive $0xFFFF  }
0x51: {  	[tilespmem:s13], [sflag:$0x1] =	stream.indirect.gather [hbm4b:s2+s12], $0x10, s4, s12, $0xb8;
	[tilespmem:$0x17020] =	vst v63  }
0x52: {  	_ = 	snop  }
0x53: {  	[tilespmem:s14], [sflag:$0x2] =	stream.indirect.gather [hbm4b:s2+s12], $0x10, s12, s12, $0xb8;
	[tilespmem:$0x17020] =	vst v63  }
0x54: {  	_ =	swait.ge [sflag:s15], $0x7D00  }
0x55: {  	[sflag:s15] =	ssyncset.done $0x0  }
0x56: {  	[sflag:s15] =	ssyncadd.s32 $0xFFFF8300  }
0x57: {  	[spmem:s3] =	stream.indirect.scatter.add.f32 [tilespmem:s13], [sflag:$0x3], $0x10, s8, s12, $0xb8;
	[tilespmem:$0x17020] =	vst v63  }
0x58: {  	_ =	swait.ge [sflag:s16], $0x7D00  }
0x59: {  	[sflag:s16] =	ssyncset.done $0x0  }
0x5a: {  	[sflag:s16] =	ssyncadd.s32 $0xFFFF8300  }
0x5b: {  	[tilespmem:s13], [sflag:$0x1] =	stream.indirect.gather [hbm4b:s2+s12], $0x10, s17, s12, $0xb8;
	[tilespmem:$0x17020] =	vst v63  }
0x5c: {  	_ =	swait.ge [sflag:s18], $0x7D00  }
0x5d: {  	[sflag:s18] =	ssyncset.done $0x0  }
0x5e: {  	[sflag:s18] =	ssyncadd.s32 $0xFFFF8300  }
0x5f: {  	[spmem:s3] =	stream.indirect.scatter.add.f32 [tilespmem:s14], [sflag:$0x4], $0x10, s19, s12, $0xb8;
	[tilespmem:$0x17020] =	vst v63  }
0x60: {  	_ =	swait.ge [sflag:s20], $0x7D00  }
0x61: {  	[sflag:s20] =	ssyncset.done $0x0  }
0x62: {  	[sflag:s20] =	ssyncadd.s32 $0xFFFF8300  }
0x63: {  	[tilespmem:s14], [sflag:$0x2] =	stream.indirect.gather [hbm4b:s2+s12], $0x10, s21, s12, $0xb8;
	[tilespmem:$0x17020] =	vst v63  }
0x64: {  	_ =	swait.ge [sflag:s15], $0x7D00  }
0x65: {  	[sflag:s15] =	ssyncset.done $0x0  }
0x66: {  	[sflag:s15] =	ssyncadd.s32 $0xFFFF8300  }
0x67: {  	[spmem:s3] =	stream.indirect.scatter.add.f32 [tilespmem:s13], [sflag:$0x3], $0x10, s22, s12, $0xb8;
	[tilespmem:$0x17020] =	vst v63  }
0x68: {  	_ =	swait.ge [sflag:s16], $0x7D00  }
0x69: {  	[sflag:s16] =	ssyncset.done $0x0  }
0x6a: {  	[sflag:s16] =	ssyncadd.s32 $0xFFFF8300  }
0x6b: {  	[tilespmem:s13], [sflag:$0x1] =	stream.indirect.gather [hbm4b:s2+s12], $0x10, s23, s12, $0xb8;
	[tilespmem:$0x17020] =	vst v63  }
0x6c: {  	_ =	swait.ge [sflag:s18], $0x7D00  }
0x6d: {  	[sflag:s18] =	ssyncset.done $0x0  }
0x6e: {  	[sflag:s18] =	ssyncadd.s32 $0xFFFF8300  }
0x6f: {  	[spmem:s3] =	stream.indirect.scatter.add.f32 [tilespmem:s14], [sflag:$0x4], $0x10, s24, s12, $0xb8;
	[tilespmem:$0x17020] =	vst v63  }
0x70: {  	_ =	swait.ge [sflag:s20], $0x7D00  }
0x71: {  	[sflag:s20] =	ssyncset.done $0x0  }
0x72: {  	[sflag:s20] =	ssyncadd.s32 $0xFFFF8300  }
0x73: {  	_ =	swait.ge [sflag:s15], $0x7D00  }
0x74: {  	[sflag:s15] =	ssyncset.done $0x0  }
0x75: {  	[sflag:s15] =	ssyncadd.s32 $0xFFFF8300  }
0x76: {  	[spmem:s3] =	stream.indirect.scatter.add.f32 [tilespmem:s13], [sflag:$0x3], $0x10, s25, s12, $0xb8;
	[tilespmem:$0x17020] =	vst v63  }
0x77: {  	_ =	swait.ge [sflag:s16], $0x7D00  }
0x78: {  	[sflag:s16] =	ssyncset.done $0x0  }
.Ltmp1:
0x79: {  	[sflag:s16] =	ssyncadd.s32 $0xFFFF8300;
	(pc) =	sbr.rel @p0 .LBB2_1-.Ltmp1, $4  }
0x7a: {  	[bflag:$0x0] =	sbarrier.arrive $0xFFFF  }
0x7b: {  	[hbm:s26], [sflag:s10] =	dma.local [spmem:s11], $0x500  }
0x7c: {  	_ =	swait.ge [sflag:s5], $0x500  }
0x7d: {  	[sflag:s5] =	ssyncset.done $0x0  }
.LBB2_2:
0x7e: {  	[sflag:s5] =	ssyncadd.s32 $0xFFFFFB00  }
0x7f: {  	_ =	sfence.sel $0x180000  }
0x80: {  	[bflag:$0x0] =	sbarrier.arrive $0xFFFF  }
0x81: {  	p0 =	sne.s32 s0, $0x0;
	_ =	strace $0x9000004D  }
0x82: {  	s0 =	sadd.s32 @!p0 $0x100000, s1;
	[bflag:$0x2] =	sbarrier.arrive $0xFFFF  }
0x83: {  	[sflag:s0] =	ssyncadd.tile.s32 @!p0 $0x1;
	_ =	shalt  }
.Lfunc_end2:
_tile_overlayer_lowered:
.L_overlay_start_2:
0x84: {  	(tag) =	ssettag $0x2  }
0x85: {  	s0 =	rddreg [dreg:$0x0];
	s2 =	stileid.u32  }
0x86: {  	s1 =	rddreg [dreg:$0x1];
	p0 =	sne.s32 s2, $0x0  }
0x87: {  	s3 =	rddreg [dreg:$0x2];
	[bflag:$0x3] =	sbarrier.arrive $0xFFFF;
	s2 =	simm.s32 @!p0 $0x1C05  }
0x88: {  	[timem:s3], [sflag:s2] =	dma.local @!p0 [hbm:s0], s1  }
0x89: {  	s0 =	simm.s32 @!p0 $0x5  }
0x8a: {  	_ =	swait.ge @!p0 [sflag:s0], s1  }
0x8b: {  	s1 =	ssub.s32 @!p0 $0x0, s1;
	[sflag:s0] =	ssyncset.done @!p0 $0x0  }
0x8c: {  	[sflag:s0] =	ssyncadd.s32 @!p0 s1  }
0x8d: {  	[bflag:$0x3] =	sbarrier.arrive $0xFFFF  }
0x8e: {  	_ =	shalt  }

// kernel: kernel.20.cloned.1.call-start
scs
__scs_entry_jumppad:
0x0: {  	(pc) =	sbr.rel $0x88, $3  }
0x1: {  	(tag) =	ssettag $0x0;
	lr =	simm.s32 $0x1  }
0x2: {  	[smem:$0x3F93] =	sst lr;
	_ =	strace $0xD0000000  }
0x3: {  	_ = 	snop  }
0x4: {  	_ = 	snop  }
0x5: {  	_ = 	snop  }
0x6: {  	_ = 	snop  }
0x7: {  	_ = 	snop  }
__scs_overlays_trampoline_lowered:
0x8: {  	[smem:$0x3FA2] =	sst s0  }
0x9: {  	[smem:$0x3FA3] =	sst s1  }
0xa: {  	[smem:$0x3FA4] =	sst s2  }
0xb: {  	[smem:$0x3FA5] =	sst s3  }
0xc: {  	[smem:$0x3FA6] =	sst s4  }
0xd: {  	[smem:$0x3FA7] =	sst s5  }
0xe: {  	[smem:$0x3FA8] =	sst s6  }
0xf: {  	[smem:$0x3FA9] =	sst s7  }
0x10: {  	[smem:$0x3FAA] =	sst s8  }
0x11: {  	[smem:$0x3FAB] =	sst s9;
	s0 =	simm.s32 @!p0 $0x0  }
0x12: {  	s1 =	sld [smem:$0x3F91];
	s0 =	simm.s32 @p0 $0x1  }
0x13: {  	[smem:$0x3FAC] =	sst s0;
	s0 =	simm.s32 @!p1 $0x0  }
0x14: {  	s2 =	sld [smem:$0x3F90];
	s0 =	simm.s32 @p1 $0x1  }
0x15: {  	[smem:$0x3FAD] =	sst s0;
	s0 =	simm.s32 @!p2 $0x0  }
0x16: {  	s3 =	sld [smem:$0x3FDB];
	s0 =	simm.s32 @p2 $0x1  }
0x17: {  	s4 =	simm.s32 $0x1BF5;
	[smem:$0x3FAF] =	sst s0  }
0x18: {  	s0 =	sld [smem:$0x3F92];
	_ =	swait.ge [sflag:s4], $0x0  }
0x19: {  	s7 =	sld [smem:$0x3F93]  }
0x1a: {  	s8 =	sadd.s32 $0xFFFFE003, lr  }
0x1b: {  	s9 =	sadd.s32 $0xFFFFFEF7, lr;
	s5 =	simm.s32 $0xFFFFFFFF;
	p2 =	slt.u32 s8, $0xFFFFF086  }
0x1c: {  	p1 =	slt.u32 s9, $0xF7A;
	s5 =	simm.s32 @!p2 $0x0  }
0x1d: {  	s5 =	simm.s32 @p1 $0x1;
	p0 =	seq.s32 s7, s2  }
0x1e: {  	s7 =	smul.u32 @!p0 $0xF7A, s2;
	p2 =	seq.s32 @!p0 s5, $0x0  }
0x1f: {  	s9 =	smul.u32 $0xF7A, s1;
	s8 =	simm.s32 @!p0 $0x1BF5;
	p2 =	por !p2, p0  }
0x20: {  	[sflag:s8] =	ssyncset.s32 @!p0 $0xFFFFF086;
	s6 =	sadd.s32 @!p0 s3, s7;
	s7 =	simm.s32 @!p0 $0x108  }
0x21: {  	s3 =	sadd.s32 s3, s9;
	s6 =	sadd.s32 @!p0 $0x88, s6;
	s7 =	simm.s32 @p2 $0x1082  }
0x22: {  	[simem:s7], [sflag:s8] =	dma.local @!p0 [hbm:s6], $0xF7A  }
0x23: {  	s9 =	sor.u32 $0xD0000000, s2;
	s6 =	simm.s32 $0x108;
	_ =	swait.ge @!p0 [sflag:s8], $0x0  }
0x24: {  	s3 =	sadd.s32 $0x88, s3;
	s6 =	simm.s32 @!p1 $0x1082;
	[sflag:s4] =	ssyncset.s32 $0xFFFFF086  }
0x25: {  	[simem:s6], [sflag:s4] =	dma.local [hbm:s3], $0xF7A  }
0x26: {  	[smem:$0x3F93] =	sst s1;
	(tag) =	ssettag s2;
	_ =	strace s9  }
0x27: {  	s1 =	sld [smem:$0x3FA3]  }
0x28: {  	s2 =	sld [smem:$0x3FA4]  }
0x29: {  	s4 =	sld [smem:$0x3FA6]  }
0x2a: {  	p0 =	seq.s32 s5, $0x0;
	s5 =	sld [smem:$0x3FA7]  }
0x2b: {  	s6 =	sld [smem:$0x3FA8]  }
0x2c: {  	s7 =	sld [smem:$0x3FA9]  }
0x2d: {  	s3 =	simm.s32 $0x108;
	s8 =	sld [smem:$0x3FAA]  }
0x2e: {  	s3 =	simm.s32 @!p0 $0x1082;
	s9 =	sld [smem:$0x3FAB]  }
0x2f: {  	lr =	sadd.s32 s0, s3;
	s0 =	sld [smem:$0x3FA2]  }
0x30: {  	s3 =	sld [smem:$0x3FA5]  }
0x31: {  	[smem:$0x3FAE] =	sst s10  }
0x32: {  	s10 =	sld [smem:$0x3FAC];
	_ =	sdelay $0x3  }
0x33: {  	p0 =	seq.s32 s10, $0x1;
	s10 =	sld [smem:$0x3FAE];
	_ =	sdelay $0x3  }
0x34: {  	[smem:$0x3FAE] =	sst s10  }
0x35: {  	s10 =	sld [smem:$0x3FAD];
	_ =	sdelay $0x3  }
0x36: {  	p1 =	seq.s32 s10, $0x1;
	s10 =	sld [smem:$0x3FAE];
	_ =	sdelay $0x3  }
0x37: {  	[smem:$0x3FAE] =	sst s10  }
0x38: {  	s10 =	sld [smem:$0x3FAF]  }
0x39: {  	_ = 	snop;
	(pc) =	sbr.ind lr, $3  }
0x3a: {  	_ = 	snop  }
0x3b: {  	_ = 	snop  }
0x3c: {  	p2 =	seq.s32 s10, $0x1;
	s10 =	sld [smem:$0x3FAE]  }
0x3d: {  	_ =	shalt  }
0x3e: {  	_ =	shalt  }
0x3f: {  	_ =	shalt  }
0x40: {  	_ =	shalt  }
0x41: {  	_ =	shalt  }
0x42: {  	_ =	shalt  }
0x43: {  	_ =	shalt  }
0x44: {  	_ =	shalt  }
0x45: {  	_ =	shalt  }
0x46: {  	_ =	shalt  }
0x47: {  	_ =	shalt  }
0x48: {  	_ =	shalt  }
0x49: {  	_ =	shalt  }
0x4a: {  	_ =	shalt  }
0x4b: {  	_ =	shalt  }
0x4c: {  	_ =	shalt  }
0x4d: {  	_ =	shalt  }
0x4e: {  	_ =	shalt  }
0x4f: {  	_ =	shalt  }
0x50: {  	_ =	shalt  }
0x51: {  	_ =	shalt  }
0x52: {  	_ =	shalt  }
0x53: {  	_ =	shalt  }
0x54: {  	_ =	shalt  }
0x55: {  	_ =	shalt  }
0x56: {  	_ =	shalt  }
0x57: {  	_ =	shalt  }
0x58: {  	_ =	shalt  }
0x59: {  	_ =	shalt  }
0x5a: {  	_ =	shalt  }
0x5b: {  	_ =	shalt  }
0x5c: {  	_ =	shalt  }
0x5d: {  	_ =	shalt  }
0x5e: {  	_ =	shalt  }
0x5f: {  	_ =	shalt  }
0x60: {  	_ =	shalt  }
0x61: {  	_ =	shalt  }
0x62: {  	_ =	shalt  }
0x63: {  	_ =	shalt  }
0x64: {  	_ =	shalt  }
0x65: {  	_ =	shalt  }
0x66: {  	_ =	shalt  }
0x67: {  	_ =	shalt  }
0x68: {  	_ =	shalt  }
0x69: {  	_ =	shalt  }
0x6a: {  	_ =	shalt  }
0x6b: {  	_ =	shalt  }
0x6c: {  	_ =	shalt  }
0x6d: {  	_ =	shalt  }
0x6e: {  	_ =	shalt  }
0x6f: {  	_ =	shalt  }
0x70: {  	_ =	shalt  }
0x71: {  	_ =	shalt  }
0x72: {  	_ =	shalt  }
0x73: {  	_ =	shalt  }
0x74: {  	_ =	shalt  }
0x75: {  	_ =	shalt  }
0x76: {  	_ =	shalt  }
0x77: {  	_ =	shalt  }
0x78: {  	_ =	shalt  }
0x79: {  	_ =	shalt  }
0x7a: {  	_ =	shalt  }
0x7b: {  	_ =	shalt  }
0x7c: {  	_ =	shalt  }
0x7d: {  	_ =	shalt  }
0x7e: {  	_ =	shalt  }
0x7f: {  	_ =	shalt  }
0x80: {  	_ =	shalt  }
0x81: {  	_ =	shalt  }
0x82: {  	_ =	shalt  }
0x83: {  	_ =	shalt  }
0x84: {  	_ =	shalt  }
0x85: {  	_ =	shalt  }
0x86: {  	_ =	shalt  }
0x87: {  	_ =	shalt  }
.Lfunc_end0:
.L_simem_size_0:
called_computation.3_lowered:
.L_overlay_start_0:
0x88: {  	s2 =	sld [smem:$0x3FD9]  }
0x89: {  	s3 =	sld [smem:$0x3FFE];
	_ =	sdelay $0x1  }
0x8a: {  	s1 =	srdreg.scid  }
0x8b: {  	s0 =	sand.u32 $0x1, s1  }
0x8c: {  	s17 =	sshll.u32 s0, $0xA;
	s2 =	sadd.s32 s3, s2  }
0x8d: {  	s2 =	sadd.s32 s2, s17  }
0x8e: {  	[smem:$0x3FBA] =	sst s2  }
0x8f: {  	_ = 	snop  }
0x90: {  	s2 =	sld [smem:$0x3FD0];
	(tm) =	ssettm $0x1  }
0x91: {  	s18 =	sld [smem:$0x3FFB];
	_ =	sdelay $0x3  }
0x92: {  	_ =	strace s18  }
0x93: {  	s3 =	sld [smem:$0x3FFC];
	_ =	sdelay $0x3  }
0x94: {  	_ =	strace s3  }
0x95: {  	s3 =	sld [smem:$0x3FFD];
	_ =	sdelay $0x3  }
0x96: {  	_ =	strace s3  }
0x97: {  	_ =	strace $0x8FFFFFFF  }
0x98: {  	s19 =	sld [smem:$0x3FDB];
	_ =	sdelay $0x1  }
0x99: {  	s4 =	simm.s32 $_scs_section_size  }
0x9a: {  	s5 =	simm.s32 $_size__tile_overlayer_lowered;
	s6 =	simm.s32 $_tile_overlayer_lowered  }
0x9b: {  	s22 =	simm.s32 $0x1BFF;
	s21 =	sshll.u32 s6, $0x1;
	s3 =	sadd.s32 s4, s19  }
0x9c: {  	s7 =	simm.s32 $0x0;
	s20 =	sshll.u32 s5, $0x1;
	s5 =	sadd.s32 s21, s3  }
0x9d: {  	[timem:s7], [sflag:s22] =	dma.local [hbm:s5], s20  }
0x9e: {  	_ =	swait.ge [sflag:s22], s20  }
0x9f: {  	s4 =	ssub.s32 $0x0, s20;
	[sflag:s22] =	ssyncset.done $0x0  }
0xa0: {  	[sflag:s22] =	ssyncadd.s32 s4;
	_ =	sdelay $0x1  }
0xa1: {  	s23 =	simm.s32 $0x1B8B  }
0xa2: {  	_ =	swait.ge [sflag:s23], $0x1  }
0xa3: {  	[sflag:s23] =	ssyncset.done $0x0  }
0xa4: {  	s25 =	simm.s32 $0x1B8E;
	s24 =	sld [smem:$0x3FFE];
	[sflag:s23] =	ssyncadd.s32 $0xFFFFFFFF  }
0xa5: {  	s26 =	simm.s32 $execute0_lowered;
	[smem:$0x3FD2] =	sst s25  }
0xa6: {  	s5 =	sshll.u32 s26, $0x1;
	_ =	strace $0x8000004F;
	[dreg:$0x1] =	wrdreg $0xFFFFFFFF  }
0xa7: {  	s28 =	simm.s32 $_size_execute0_lowered;
	s3 =	sadd.s32 s3, s5;
	[dreg:$0x0] =	wrdreg $0x0  }
0xa8: {  	s5 =	sshll.u32 s28, $0x1;
	[dreg:$0x2] =	wrdreg s3  }
0xa9: {  	[dreg:$0x3] =	wrdreg s5  }
0xaa: {  	[dreg:$0x4] =	wrdreg $0xC0  }
0xab: {  	_ =	task [dreg:s7], $0x5FFFF  }
0xac: {  	[dreg:$0x1] =	wrdreg $0xFFFFFFFF  }
0xad: {  	[dreg:$0x0] =	wrdreg $0x60  }
0xae: {  	[dreg:$0x2] =	wrdreg s24  }
0xaf: {  	[dreg:$0x3] =	wrdreg s2  }
0xb0: {  	[dreg:$0x4] =	wrdreg $0x148200  }
0xb1: {  	[dreg:$0x5] =	wrdreg $0x9  }
0xb2: {  	_ =	task.clear_ibuf [dreg:s7], $0x6FFFF;
	_ =	strace $0x9000004F  }
0xb3: {  	s29 =	simm.s32 $0x9;
	_ =	strace $0x80000051  }
0xb4: {  	_ =	swait.ge [sflag:s29], $0x1  }
0xb5: {  	[sflag:s29] =	ssyncadd.s32 $0xFFFFFFFF  }
0xb6: {  	_ =	strace $0x90000051  }
0xb7: {  	_ =	sfence  }
0xb8: {  	s30 =	sld [smem:$0x0];
	_ =	sdelay $0x2  }
0xb9: {  	s31 =	sshll.u32 s1, $0xD;
	s1 =	sshrl.u32 s1, $0x2  }
0xba: {  	s3 =	sand.u32 $0x4000, s31;
	s1 =	sadd.s32 s1, s30  }
0xbb: {  	s0 =	sor.u32 s3, s0;
	s1 =	sshll.u32 s1, $0x11  }
0xbc: {  	s0 =	sor.u32 s1, s0  }
0xbd: {  	s0 =	sadd.s32 $0x8F2B, s0  }
0xbe: {  	[sflag:s0] =	ssyncadd.remote.s32 $0x1  }
0xbf: {  	_ =	sfence.sel $0xFFFF  }
0xc0: {  	[dreg:$0x0] =	wrdreg $0xFFFFFFFF;
	(pc) =	sbr.abs _section_cstart, $3  }
0xc1: {  	[dreg:$0x1] =	wrdreg $0xFFFFFFFF  }
0xc2: {  	_ =	task.clear_ibuf [dreg:s7], $0x2FFFF;
	_ =	strace $0x9FFFFFFF  }
0xc3: {  	(tm) =	ssettm $0x7FFFFFFF  }
tec
execute0_lowered:
.L_overlay_start_1:
0x0: {  	(tag) =	ssettag $0x1  }
0x1: {  	s1 =	srdreg.scid;
	s0 =	stileid.u32  }
0x2: {  	s28 =	sand.u32 $0x1, s1;
	s30 =	sshll.u32 s0, $0x1  }
0x3: {  	s26 =	rddreg [dreg:$0x0];
	s1 =	sor.u32 s28, s30  }
0x4: {  	s2 =	rddreg [dreg:$0x1];
	s5 =	smul.u32 $0x2710, s1  }
0x5: {  	s3 =	rddreg [dreg:$0x2];
	s4 =	simm.s32 $0x0  }
0x6: {  	[smem:$0x7FF] =	sst s4;
	s5 =	sshrl.u32 s5, $0x3  }
0x7: {  	s1 =	rddreg [dreg:$0x3];
	s7 =	sadd.s32 s5, s26  }
0x8: {  	_ =	strace $0x80000050;
	s5 =	simm.s32 $0x5;
	s6 =	sadd.s32 $0x3800, s7  }
0x9: {  	[tilespmem:s4], [sflag:$0x5] =	stream.linear.gather [hbm4b:s6+s4], $0x2710, $0x38;
	[tilespmem:$0x17020] =	vst v63  }
0xa: {  	_ =	swait.ge [sflag:s5], $0x2710  }
0xb: {  	s8 =	simm.s32 $0x2710;
	s29 =	smul.u32 $0x2800, s0;
	[sflag:s5] =	ssyncset.done $0x0  }
0xc: {  	s10 =	sshll.u32 s0, $0x6;
	s7 =	sadd.s32 $0xD440, s7;
	[sflag:s5] =	ssyncadd.s32 $0xFFFFD8F0  }
0xd: {  	[tilespmem:s8], [sflag:$0x5] =	stream.linear.gather [hbm4b:s7+s4], $0x2710, $0x38;
	[tilespmem:$0x17020] =	vst v63  }
0xe: {  	s10 =	sor.u32 $0x1C05, s10;
	s9 =	sshrl.u32 s29, $0x3;
	_ =	swait.ge [sflag:s5], $0x2710  }
0xf: {  	s11 =	sadd.s32 s29, s3;
	s9 =	sadd.s32 s9, s26;
	[sflag:s5] =	ssyncset.done $0x0  }
0x10: {  	s11 =	sshrl.u32 s11, $0x3;
	s9 =	sadd.s32 $0x17200, s9;
	[sflag:s5] =	ssyncadd.s32 $0xFFFFD8F0  }
0x11: {  	[spmem:s11], [sflag:s10] =	dma.local [hbm:s9], $0x500  }
0x12: {  	_ =	swait.ge [sflag:s5], $0x500  }
0x13: {  	[sflag:s5] =	ssyncset.done $0x0  }
0x14: {  	[sflag:s5] =	ssyncadd.s32 $0xFFFFFB00  }
0x15: {  	s12 =	simm.s32 $0x7D0;
	s13 =	simm.s32 $0x4E20;
	[bflag:$0x0] =	sbarrier.arrive $0xFFFF  }
0x16: {  	[tilespmem:s13], [sflag:$0x1] =	stream.indirect.gather [hbm4b:s2+s12], $0x10, s4, s12, $0xb8;
	[tilespmem:$0x17020] =	vst v63  }
0x17: {  	s14 =	simm.s32 $0xCB20;
	s15 =	simm.s32 $0x1  }
0x18: {  	[tilespmem:s14], [sflag:$0x2] =	stream.indirect.gather [hbm4b:s2+s12], $0x10, s12, s12, $0xb8;
	[tilespmem:$0x17020] =	vst v63  }
0x19: {  	_ =	swait.ge [sflag:s15], $0x7D00  }
0x1a: {  	[sflag:s15] =	ssyncset.done $0x0  }
0x1b: {  	s16 =	simm.s32 $0x3;
	[sflag:s15] =	ssyncadd.s32 $0xFFFF8300  }
0x1c: {  	[spmem:s3] =	stream.indirect.scatter.add.f32 [tilespmem:s13], [sflag:$0x3], $0x10, s8, s12, $0xb8;
	[tilespmem:$0x17020] =	vst v63  }
0x1d: {  	_ =	swait.ge [sflag:s16], $0x7D00  }
0x1e: {  	[sflag:s16] =	ssyncset.done $0x0  }
0x1f: {  	s17 =	simm.s32 $0xFA0;
	s18 =	simm.s32 $0x2;
	[sflag:s16] =	ssyncadd.s32 $0xFFFF8300  }
0x20: {  	[tilespmem:s13], [sflag:$0x1] =	stream.indirect.gather [hbm4b:s2+s12], $0x10, s17, s12, $0xb8;
	[tilespmem:$0x17020] =	vst v63  }
0x21: {  	_ =	swait.ge [sflag:s18], $0x7D00  }
0x22: {  	[sflag:s18] =	ssyncset.done $0x0  }
0x23: {  	s19 =	simm.s32 $0x2EE0;
	s20 =	simm.s32 $0x4;
	[sflag:s18] =	ssyncadd.s32 $0xFFFF8300  }
0x24: {  	[spmem:s3] =	stream.indirect.scatter.add.f32 [tilespmem:s14], [sflag:$0x4], $0x10, s19, s12, $0xb8;
	[tilespmem:$0x17020] =	vst v63  }
0x25: {  	_ =	swait.ge [sflag:s20], $0x7D00  }
0x26: {  	[sflag:s20] =	ssyncset.done $0x0  }
0x27: {  	s21 =	simm.s32 $0x1770;
	[sflag:s20] =	ssyncadd.s32 $0xFFFF8300  }
0x28: {  	[tilespmem:s14], [sflag:$0x2] =	stream.indirect.gather [hbm4b:s2+s12], $0x10, s21, s12, $0xb8;
	[tilespmem:$0x17020] =	vst v63  }
0x29: {  	_ =	swait.ge [sflag:s15], $0x7D00  }
0x2a: {  	[sflag:s15] =	ssyncset.done $0x0  }
0x2b: {  	s22 =	simm.s32 $0x36B0;
	[sflag:s15] =	ssyncadd.s32 $0xFFFF8300  }
0x2c: {  	[spmem:s3] =	stream.indirect.scatter.add.f32 [tilespmem:s13], [sflag:$0x3], $0x10, s22, s12, $0xb8;
	[tilespmem:$0x17020] =	vst v63  }
0x2d: {  	_ =	swait.ge [sflag:s16], $0x7D00  }
0x2e: {  	[sflag:s16] =	ssyncset.done $0x0  }
0x2f: {  	s23 =	simm.s32 $0x1F40;
	[sflag:s16] =	ssyncadd.s32 $0xFFFF8300  }
0x30: {  	[tilespmem:s13], [sflag:$0x1] =	stream.indirect.gather [hbm4b:s2+s12], $0x10, s23, s12, $0xb8;
	[tilespmem:$0x17020] =	vst v63  }
0x31: {  	_ =	swait.ge [sflag:s18], $0x7D00  }
0x32: {  	[sflag:s18] =	ssyncset.done $0x0  }
0x33: {  	s24 =	simm.s32 $0x3E80;
	[sflag:s18] =	ssyncadd.s32 $0xFFFF8300  }
0x34: {  	[spmem:s3] =	stream.indirect.scatter.add.f32 [tilespmem:s14], [sflag:$0x4], $0x10, s24, s12, $0xb8;
	[tilespmem:$0x17020] =	vst v63  }
0x35: {  	_ =	swait.ge [sflag:s20], $0x7D00  }
0x36: {  	[sflag:s20] =	ssyncset.done $0x0  }
0x37: {  	[sflag:s20] =	ssyncadd.s32 $0xFFFF8300  }
0x38: {  	s30 =	smul.u32 $0x28000, s28;
	s28 =	ssub.s32 $0x2, s28;
	_ =	swait.ge [sflag:s15], $0x7D00  }
0x39: {  	s31 =	sshrl.u32 s28, $0x1;
	[sflag:s15] =	ssyncset.done $0x0  }
0x3a: {  	s25 =	simm.s32 $0x4650;
	s28 =	ssub.s32 s28, s31;
	[sflag:s15] =	ssyncadd.s32 $0xFFFF8300  }
0x3b: {  	[spmem:s3] =	stream.indirect.scatter.add.f32 [tilespmem:s13], [sflag:$0x3], $0x10, s25, s12, $0xb8;
	[tilespmem:$0x17020] =	vst v63  }
0x3c: {  	s29 =	sadd.s32 s29, s30;
	s28 =	smax.u32 s28, $0x1;
	_ =	swait.ge [sflag:s16], $0x7D00  }
0x3d: {  	s29 =	sshrl.u32 s29, $0x3;
	p0 =	sne.s32 s28, $0x1;
	[sflag:s16] =	ssyncset.done $0x0  }
.Ltmp0:
0x3e: {  	s26 =	sadd.s32 s29, s26;
	[sflag:s16] =	ssyncadd.s32 $0xFFFF8300;
	(pc) =	sbr.rel @!p0 .LBB2_2-.Ltmp0, $4  }
0x3f: {  	s26 =	sadd.s32 $0x1C200, s26;
	[bflag:$0x0] =	sbarrier.arrive $0xFFFF  }
0x40: {  	[hbm:s26], [sflag:s10] =	dma.local [spmem:s11], $0x500  }
0x41: {  	_ =	swait.ge [sflag:s5], $0x500  }
0x42: {  	s28 =	sadd.s32 $0xFFFFFFFF, s28;
	[sflag:s5] =	ssyncset.done $0x0  }
.LBB2_1:
0x43: {  	p0 =	sne.s32 s28, $0x1;
	s28 =	sadd.s32 $0xFFFFFFFF, s28;
	[sflag:s5] =	ssyncadd.s32 $0xFFFFFB00  }
0x44: {  	[tilespmem:s4], [sflag:$0x5] =	stream.linear.gather [hbm4b:s6+s4], $0x2710, $0x38;
	[tilespmem:$0x17020] =	vst v63  }
0x45: {  	_ =	swait.ge [sflag:s5], $0x2710  }
0x46: {  	[sflag:s5] =	ssyncset.done $0x0  }
0x47: {  	[sflag:s5] =	ssyncadd.s32 $0xFFFFD8F0  }
0x48: {  	[tilespmem:s8], [sflag:$0x5] =	stream.linear.gather [hbm4b:s7+s4], $0x2710, $0x38;
	[tilespmem:$0x17020] =	vst v63  }
0x49: {  	_ =	swait.ge [sflag:s5], $0x2710  }
0x4a: {  	[sflag:s5] =	ssyncset.done $0x0  }
0x4b: {  	[sflag:s5] =	ssyncadd.s32 $0xFFFFD8F0  }
0x4c: {  	[spmem:s11], [sflag:s10] =	dma.local [hbm:s9], $0x500  }
0x4d: {  	_ =	swait.ge [sflag:s5], $0x500  }
0x4e: {  	[sflag:s5] =	ssyncset.done $0x0  }
0x4f: {  	[sflag:s5] =	ssyncadd.s32 $0xFFFFFB00  }
0x50: {  	[bflag:$0x0] =	sbarrier.arrive $0xFFFF  }
0x51: {  	[tilespmem:s13], [sflag:$0x1] =	stream.indirect.gather [hbm4b:s2+s12], $0x10, s4, s12, $0xb8;
	[tilespmem:$0x17020] =	vst v63  }
0x52: {  	_ = 	snop  }
0x53: {  	[tilespmem:s14], [sflag:$0x2] =	stream.indirect.gather [hbm4b:s2+s12], $0x10, s12, s12, $0xb8;
	[tilespmem:$0x17020] =	vst v63  }
0x54: {  	_ =	swait.ge [sflag:s15], $0x7D00  }
0x55: {  	[sflag:s15] =	ssyncset.done $0x0  }
0x56: {  	[sflag:s15] =	ssyncadd.s32 $0xFFFF8300  }
0x57: {  	[spmem:s3] =	stream.indirect.scatter.add.f32 [tilespmem:s13], [sflag:$0x3], $0x10, s8, s12, $0xb8;
	[tilespmem:$0x17020] =	vst v63  }
0x58: {  	_ =	swait.ge [sflag:s16], $0x7D00  }
0x59: {  	[sflag:s16] =	ssyncset.done $0x0  }
0x5a: {  	[sflag:s16] =	ssyncadd.s32 $0xFFFF8300  }
0x5b: {  	[tilespmem:s13], [sflag:$0x1] =	stream.indirect.gather [hbm4b:s2+s12], $0x10, s17, s12, $0xb8;
	[tilespmem:$0x17020] =	vst v63  }
0x5c: {  	_ =	swait.ge [sflag:s18], $0x7D00  }
0x5d: {  	[sflag:s18] =	ssyncset.done $0x0  }
0x5e: {  	[sflag:s18] =	ssyncadd.s32 $0xFFFF8300  }
0x5f: {  	[spmem:s3] =	stream.indirect.scatter.add.f32 [tilespmem:s14], [sflag:$0x4], $0x10, s19, s12, $0xb8;
	[tilespmem:$0x17020] =	vst v63  }
0x60: {  	_ =	swait.ge [sflag:s20], $0x7D00  }
0x61: {  	[sflag:s20] =	ssyncset.done $0x0  }
0x62: {  	[sflag:s20] =	ssyncadd.s32 $0xFFFF8300  }
0x63: {  	[tilespmem:s14], [sflag:$0x2] =	stream.indirect.gather [hbm4b:s2+s12], $0x10, s21, s12, $0xb8;
	[tilespmem:$0x17020] =	vst v63  }
0x64: {  	_ =	swait.ge [sflag:s15], $0x7D00  }
0x65: {  	[sflag:s15] =	ssyncset.done $0x0  }
0x66: {  	[sflag:s15] =	ssyncadd.s32 $0xFFFF8300  }
0x67: {  	[spmem:s3] =	stream.indirect.scatter.add.f32 [tilespmem:s13], [sflag:$0x3], $0x10, s22, s12, $0xb8;
	[tilespmem:$0x17020] =	vst v63  }
0x68: {  	_ =	swait.ge [sflag:s16], $0x7D00  }
0x69: {  	[sflag:s16] =	ssyncset.done $0x0  }
0x6a: {  	[sflag:s16] =	ssyncadd.s32 $0xFFFF8300  }
0x6b: {  	[tilespmem:s13], [sflag:$0x1] =	stream.indirect.gather [hbm4b:s2+s12], $0x10, s23, s12, $0xb8;
	[tilespmem:$0x17020] =	vst v63  }
0x6c: {  	_ =	swait.ge [sflag:s18], $0x7D00  }
0x6d: {  	[sflag:s18] =	ssyncset.done $0x0  }
0x6e: {  	[sflag:s18] =	ssyncadd.s32 $0xFFFF8300  }
0x6f: {  	[spmem:s3] =	stream.indirect.scatter.add.f32 [tilespmem:s14], [sflag:$0x4], $0x10, s24, s12, $0xb8;
	[tilespmem:$0x17020] =	vst v63  }
0x70: {  	_ =	swait.ge [sflag:s20], $0x7D00  }
0x71: {  	[sflag:s20] =	ssyncset.done $0x0  }
0x72: {  	[sflag:s20] =	ssyncadd.s32 $0xFFFF8300  }
0x73: {  	_ =	swait.ge [sflag:s15], $0x7D00  }
0x74: {  	[sflag:s15] =	ssyncset.done $0x0  }
0x75: {  	[sflag:s15] =	ssyncadd.s32 $0xFFFF8300  }
0x76: {  	[spmem:s3] =	stream.indirect.scatter.add.f32 [tilespmem:s13], [sflag:$0x3], $0x10, s25, s12, $0xb8;
	[tilespmem:$0x17020] =	vst v63  }
0x77: {  	_ =	swait.ge [sflag:s16], $0x7D00  }
0x78: {  	[sflag:s16] =	ssyncset.done $0x0  }
.Ltmp1:
0x79: {  	[sflag:s16] =	ssyncadd.s32 $0xFFFF8300;
	(pc) =	sbr.rel @p0 .LBB2_1-.Ltmp1, $4  }
0x7a: {  	[bflag:$0x0] =	sbarrier.arrive $0xFFFF  }
0x7b: {  	[hbm:s26], [sflag:s10] =	dma.local [spmem:s11], $0x500  }
0x7c: {  	_ =	swait.ge [sflag:s5], $0x500  }
0x7d: {  	[sflag:s5] =	ssyncset.done $0x0  }
.LBB2_2:
0x7e: {  	[sflag:s5] =	ssyncadd.s32 $0xFFFFFB00  }
0x7f: {  	_ =	sfence.sel $0x180000  }
0x80: {  	[bflag:$0x0] =	sbarrier.arrive $0xFFFF  }
0x81: {  	p0 =	sne.s32 s0, $0x0;
	_ =	strace $0x90000050  }
0x82: {  	s0 =	sadd.s32 @!p0 $0x100000, s1;
	[bflag:$0x2] =	sbarrier.arrive $0xFFFF  }
0x83: {  	[sflag:s0] =	ssyncadd.tile.s32 @!p0 $0x1;
	_ =	shalt  }
.Lfunc_end2:
_tile_overlayer_lowered:
.L_overlay_start_2:
0x84: {  	(tag) =	ssettag $0x2  }
0x85: {  	s0 =	rddreg [dreg:$0x0];
	s2 =	stileid.u32  }
0x86: {  	s1 =	rddreg [dreg:$0x1];
	p0 =	sne.s32 s2, $0x0  }
0x87: {  	s3 =	rddreg [dreg:$0x2];
	[bflag:$0x3] =	sbarrier.arrive $0xFFFF;
	s2 =	simm.s32 @!p0 $0x1C05  }
0x88: {  	[timem:s3], [sflag:s2] =	dma.local @!p0 [hbm:s0], s1  }
0x89: {  	s0 =	simm.s32 @!p0 $0x5  }
0x8a: {  	_ =	swait.ge @!p0 [sflag:s0], s1  }
0x8b: {  	s1 =	ssub.s32 @!p0 $0x0, s1;
	[sflag:s0] =	ssyncset.done @!p0 $0x0  }
0x8c: {  	[sflag:s0] =	ssyncadd.s32 @!p0 s1  }
0x8d: {  	[bflag:$0x3] =	sbarrier.arrive $0xFFFF  }
0x8e: {  	_ =	shalt  }

</sc_bundles>
